<compile_context>
chip_gen: v7x
topology: tpu7x:2x2x1
jax: 0.10.2.dev20260603
libtpu: 0.0.44.dev20260713+nightly
codegen_flags: <defaults>
</compile_context>

<pallas_src>
import functools

import jax
import jax.numpy as jnp
from jax import lax
from jax.experimental import pallas as pl
from jax.experimental.pallas import tpu as pltpu
from jax.experimental.pallas import tpu_sc as plsc

_NC = 2
_NS = 16
_NW = _NC * _NS
_CH = 128
_L = 16


_FXS = 2048.0
_MSIGN = -2147450880
_MVAL = 0x7FFF7FFF


def _fx16(v):
    return jnp.clip(jnp.round(v * _FXS), -32768.0, 32767.0).astype(jnp.int32)


def _tables_body(x_ref, wd_ref, ws_ref, td_ref, ts_ref):
    xb = x_ref[...]
    d = xb.shape[1]
    td = jnp.dot(xb, wd_ref[...], preferred_element_type=jnp.float32)
    ts = jnp.dot(xb, ws_ref[...], preferred_element_type=jnp.float32)
    td_ref[...] = (_fx16(td[:, :d]) & 0xFFFF) | (_fx16(td[:, d:]) << 16)
    ts_ref[...] = (_fx16(ts[:, :d]) & 0xFFFF) | (_fx16(ts[:, d:]) << 16)


def _msg_body(p_ref, ea_ref, w3_ref, b_ref, msg_ref):
    d = msg_ref.shape[1]
    e2 = jnp.dot(ea_ref[...], w3_ref[...],
                 preferred_element_type=jnp.float32) + b_ref[...]
    p = p_ref[...]
    f = ((p << 16) >> 16).astype(jnp.float32) * (1.0 / _FXS) + e2[:, :d]
    s = (p >> 16).astype(jnp.float32) * (1.0 / _FXS) + e2[:, d:]
    gate = 1.0 / (1.0 + jnp.exp(-f))
    sp = jnp.maximum(s, 0.0) + jnp.log1p(jnp.exp(-jnp.abs(s)))
    msg_ref[...] = gate * sp


def _final_body(p_ref, x_ref, br_ref, bng_ref, bnb_ref, lng_ref,
                lnb_ref, wl_ref, bl_ref, g4_ref, b4_ref, out_ref):
    n = x_ref.shape[0]
    agg = p_ref[0, :n] + p_ref[1, :n]
    mu = jnp.mean(agg, axis=0, keepdims=True)
    var = jnp.mean((agg - mu) ** 2, axis=0, keepdims=True)
    aggn = (agg - mu) * lax.rsqrt(var + 1e-5) * bng_ref[...] + bnb_ref[...]
    h = x_ref[...] + aggn
    m = jnp.mean(h, axis=1, keepdims=True)
    v = jnp.mean((h - m) ** 2, axis=1, keepdims=True)
    h = (h - m) * lax.rsqrt(v + 1e-5) * lng_ref[...] + lnb_ref[...]
    h = jnp.maximum(h, 0.0) + jnp.log1p(jnp.exp(-jnp.abs(h)))
    bid = br_ref[...]
    g = out_ref.shape[0]
    gids = lax.broadcasted_iota(jnp.int32, (g, bid.shape[1]), 0)
    oh = (gids == bid).astype(jnp.float32)
    ssum = jnp.dot(oh, h, preferred_element_type=jnp.float32)
    cnt = jnp.sum(oh, axis=1, keepdims=True)
    smean = ssum / jnp.maximum(cnt, 1.0)
    pooled = jnp.concatenate([smean, ssum], axis=1)
    out = jnp.dot(pooled, wl_ref[...], preferred_element_type=jnp.float32) + bl_ref[...]
    m4 = jnp.mean(out, axis=1, keepdims=True)
    v4 = jnp.mean((out - m4) ** 2, axis=1, keepdims=True)
    out_ref[...] = (out - m4) * lax.rsqrt(v4 + 1e-5) * g4_ref[...] + b4_ref[...]


def _make_gather(n, e, z):
    epw = e // _NW
    ch = _CH
    nfull = epw // ch
    tail = epw - nfull * ch
    d = z // 2
    mesh = plsc.VectorSubcoreMesh(
        core_axis_name="c", subcore_axis_name="s",
        num_cores=_NC, num_subcores=_NS)

    @functools.partial(
        pl.kernel,
        out_type=jax.ShapeDtypeStruct((e, d), jnp.int32),
        mesh=mesh,
        scratch_types=[
            pltpu.VMEM((epw,), jnp.int32),
            pltpu.VMEM((epw,), jnp.int32),
            pltpu.VMEM((ch, d), jnp.int32),
            pltpu.VMEM((ch, d), jnp.int32),
            pltpu.VMEM((ch, d), jnp.int32),
            pltpu.VMEM((ch, d), jnp.int32),
            pltpu.SemaphoreType.DMA,
            pltpu.SemaphoreType.DMA,
            pltpu.SemaphoreType.DMA,
            pltpu.SemaphoreType.DMA,
        ],
    )
    def gather_k(td_hbm, ts_hbm, dst_hbm, src_hbm, out_hbm,
                 idxd, idxs, bufd0, bufs0, bufd1, bufs1,
                 semd0, sems0, semd1, sems1):
        wid = lax.axis_index("s") * _NC + lax.axis_index("c")
        base = wid * epw
        bufd = (bufd0, bufd1)
        bufs = (bufs0, bufs1)
        semd = (semd0, semd1)
        sems = (sems0, sems1)
        pltpu.sync_copy(dst_hbm.at[pl.ds(base, epw)], idxd)
        pltpu.sync_copy(src_hbm.at[pl.ds(base, epw)], idxs)

        def issue(ci, b):
            pltpu.async_copy(
                td_hbm.at[idxd.at[pl.ds(ci * ch, ch)]], bufd[b], semd[b])
            pltpu.async_copy(
                ts_hbm.at[idxs.at[pl.ds(ci * ch, ch)]], bufs[b], sems[b])

        def wait(b):
            pltpu.make_async_copy(td_hbm.at[pl.ds(0, ch)], bufd[b], semd[b]).wait()
            pltpu.make_async_copy(ts_hbm.at[pl.ds(0, ch)], bufs[b], sems[b]).wait()

        def add_rows(b, lo, hi):
            def add_row(r, _):
                for c in range(d // _L):
                    sl = pl.ds(c * _L, _L)
                    va = bufd[b][r, sl]
                    vb = bufs[b][r, sl]
                    bufd[b][r, sl] = (((va & _MVAL) + (vb & _MVAL))
                                      ^ ((va ^ vb) & _MSIGN))
                return 0
            lax.fori_loop(lo, hi, add_row, 0)

        def process(ci, b):
            add_rows(b, 0, ch)
            pltpu.sync_copy(bufd[b], out_hbm.at[pl.ds(base + ci * ch, ch)])

        issue(0, 0)
        issue(1, 1)

        def step(g2, _):
            for b in range(2):
                ci = g2 * 2 + b
                wait(b)
                process(ci, b)

                @pl.when(ci + 2 < nfull)
                def _():
                    issue(ci + 2, b)
            return 0
        lax.fori_loop(0, nfull // 2, step, 0)
        if nfull % 2:
            wait(0)
            process(nfull - 1, 0)

        if tail:
            b0 = base + nfull * ch
            pltpu.async_copy(
                td_hbm.at[idxd.at[pl.ds(nfull * ch - (ch - tail), ch)]],
                bufd[0], semd[0])
            pltpu.async_copy(
                ts_hbm.at[idxs.at[pl.ds(nfull * ch - (ch - tail), ch)]],
                bufs[0], sems[0])
            wait(0)
            add_rows(0, ch - tail, ch)
            pltpu.sync_copy(bufd[0].at[pl.ds(ch - tail, tail)],
                            out_hbm.at[pl.ds(b0, tail)])

    return gather_k


def _make_scatter(n, e, d):
    epw = e // _NW
    nfull = epw // _CH
    tail = epw - nfull * _CH
    n_pad = -(-n // (_NS * 8)) * (_NS * 8)
    npt = n_pad // _NS
    zchunks = [_CH] * (npt // _CH)
    if npt % _CH:
        zchunks.append(npt % _CH)
    mesh = plsc.VectorSubcoreMesh(
        core_axis_name="c", subcore_axis_name="s",
        num_cores=_NC, num_subcores=_NS)

    scratch = [
        pltpu.VMEM((_CH,), jnp.int32),
        pltpu.VMEM((_CH,), jnp.int32),
        pltpu.VMEM((_CH, d), jnp.float32),
        pltpu.VMEM((_CH, d), jnp.float32),
        pltpu.VMEM_SHARED((n_pad, d), jnp.float32),
        pltpu.SemaphoreType.DMA,
        pltpu.SemaphoreType.DMA,
        pltpu.SemaphoreType.DMA,
        pltpu.SemaphoreType.DMA,
    ]
    if tail:
        scratch.append(pltpu.VMEM((tail,), jnp.int32))

    @functools.partial(
        pl.kernel,
        out_type=jax.ShapeDtypeStruct((_NC, n_pad, d), jnp.float32),
        mesh=mesh,
        scratch_types=scratch,
    )
    def scatter_k(msg_hbm, dst_hbm, out_hbm, idx0, idx1, buf0, buf1, shared,
                  semi0, semi1, sem0, sem1, *rest):
        idxt = rest[0] if tail else None
        cid = lax.axis_index("c")
        sid = lax.axis_index("s")
        wid = cid * _NS + sid
        base = wid * epw
        idx = (idx0, idx1)
        buf = (buf0, buf1)
        semi = (semi0, semi1)
        sem = (sem0, sem1)
        zero16 = jnp.zeros((_L,), jnp.float32)

        def zrow(r, _):
            for c in range(d // _L):
                buf0[r, pl.ds(c * _L, _L)] = zero16
            return 0
        lax.fori_loop(0, _CH, zrow, 0)
        off = 0
        for zc in zchunks:
            pltpu.sync_copy(buf0.at[pl.ds(0, zc)],
                            shared.at[pl.ds(sid * npt + off, zc)])
            off += zc
        plsc.subcore_barrier()

        def issue(ci, b):
            b0 = base + ci * _CH
            pltpu.async_copy(dst_hbm.at[pl.ds(b0, _CH)], idx[b], semi[b])
            pltpu.async_copy(msg_hbm.at[pl.ds(b0, _CH)], buf[b], sem[b])

        def wait(b):
            pltpu.make_async_copy(dst_hbm.at[pl.ds(0, _CH)],
                                  idx[b], semi[b]).wait()
            pltpu.make_async_copy(msg_hbm.at[pl.ds(0, _CH)],
                                  buf[b], sem[b]).wait()

        issue(0, 0)
        issue(1, 1)

        def step(g2, _):
            for b in range(2):
                ci = g2 * 2 + b
                wait(b)
                pltpu.sync_copy(buf[b], shared.at[idx[b]], add=True)

                @pl.when(ci + 2 < nfull)
                def _():
                    issue(ci + 2, b)
            return 0
        lax.fori_loop(0, nfull // 2, step, 0)
        if nfull % 2:
            wait(0)
            pltpu.sync_copy(buf[0], shared.at[idx[0]], add=True)

        if tail:
            b0 = base + nfull * _CH
            pltpu.sync_copy(dst_hbm.at[pl.ds(b0, tail)], idxt)
            pltpu.sync_copy(msg_hbm.at[pl.ds(b0, tail)], buf0.at[pl.ds(0, tail)])
            pltpu.sync_copy(buf0.at[pl.ds(0, tail)], shared.at[idxt], add=True)
        plsc.subcore_barrier()
        pltpu.sync_copy(shared.at[pl.ds(sid * npt, npt)],
                        out_hbm.at[cid, pl.ds(sid * npt, npt)])

    return scatter_k


def kernel(x, edge_index, edge_attr, batch, W_f, b_f, W_s, b_s,
           bn_gamma, bn_beta, ln_gamma, ln_beta, W_lin, b_lin,
           ln4_gamma, ln4_beta):
    n, d = x.shape
    e = edge_index.shape[1]
    de = edge_attr.shape[1]
    c = W_lin.shape[0]
    g = 64
    z = 2 * d

    src = edge_index[0]
    dst = edge_index[1]
    wd = jnp.concatenate([W_f[:, :d].T, W_s[:, :d].T], axis=1)
    wsrc = jnp.concatenate([W_f[:, d:2 * d].T, W_s[:, d:2 * d].T], axis=1)
    w3 = jnp.concatenate([W_f[:, 2 * d:].T, W_s[:, 2 * d:].T], axis=1)
    bias = jnp.concatenate([b_f, b_s])[None, :]

    bn = 2000
    t_dst, t_src = pl.pallas_call(
        _tables_body,
        grid=(n // bn,),
        in_specs=[
            pl.BlockSpec((bn, d), lambda i: (i, 0)),
            pl.BlockSpec((d, z), lambda i: (0, 0)),
            pl.BlockSpec((d, z), lambda i: (0, 0)),
        ],
        out_specs=[
            pl.BlockSpec((bn, d), lambda i: (i, 0)),
            pl.BlockSpec((bn, d), lambda i: (i, 0)),
        ],
        out_shape=[
            jax.ShapeDtypeStruct((n, d), jnp.int32),
            jax.ShapeDtypeStruct((n, d), jnp.int32),
        ],
    )(x, wd, wsrc)

    pre = _make_gather(n, e, z)(t_dst, t_src, dst, src)

    be = 2000
    msg = pl.pallas_call(
        _msg_body,
        grid=(e // be,),
        in_specs=[
            pl.BlockSpec((be, d), lambda i: (i, 0)),
            pl.BlockSpec((be, de), lambda i: (i, 0)),
            pl.BlockSpec((de, z), lambda i: (0, 0)),
            pl.BlockSpec((1, z), lambda i: (0, 0)),
        ],
        out_specs=pl.BlockSpec((be, d), lambda i: (i, 0)),
        out_shape=jax.ShapeDtypeStruct((e, d), jnp.float32),
    )(pre, edge_attr, w3, bias)

    partials = _make_scatter(n, e, d)(msg, dst)

    out = pl.pallas_call(
        _final_body,
        out_shape=jax.ShapeDtypeStruct((g, c), jnp.float32),
    )(partials, x, batch[None, :].astype(jnp.int32),
      bn_gamma[None, :], bn_beta[None, :], ln_gamma[None, :], ln_beta[None, :],
      W_lin.T, b_lin[None, :], ln4_gamma[None, :], ln4_beta[None, :])
    return out

# --- scband reference (transcript-rebuilt; emitter-appended) ---
"""Pipeline reference for scband-is-stable-gnn-84894323572880 (READ-ONLY COPY).

The authoritative reference and input builder live on the scoring server;
editing this copy changes nothing except your own understanding.
"""

import jax, jax.numpy as jnp
import numpy as np

N = 10000
E = 320000
D = 128
DE = 16
G = 64
C = 2
Z = 2 * D + DE


def setup_inputs(seed: int = 0) -> dict:
    key = jax.random.key(seed)
    ks = jax.random.split(key, 8)
    x = jax.random.normal(ks[0], (N, D), dtype=jnp.float32)
    edge_index = jax.random.randint(ks[1], (2, E), 0, N, dtype=jnp.int32)
    edge_attr = jax.random.normal(ks[2], (E, DE), dtype=jnp.float32)
    batch = jnp.sort(jax.random.randint(ks[3], (N,), 0, G, dtype=jnp.int32))
    W_f = jax.random.normal(ks[4], (D, Z), dtype=jnp.float32) * 0.05
    b_f = jnp.zeros((D,), dtype=jnp.float32)
    W_s = jax.random.normal(ks[5], (D, Z), dtype=jnp.float32) * 0.05
    b_s = jnp.zeros((D,), dtype=jnp.float32)
    bn_gamma = jnp.ones((D,), dtype=jnp.float32)
    bn_beta = jnp.zeros((D,), dtype=jnp.float32)
    ln_gamma = jnp.ones((D,), dtype=jnp.float32)
    ln_beta = jnp.zeros((D,), dtype=jnp.float32)
    W_lin = jax.random.normal(ks[6], (C, 2 * D), dtype=jnp.float32) * 0.05
    b_lin = jnp.zeros((C,), dtype=jnp.float32)
    ln4_gamma = jnp.ones((C,), dtype=jnp.float32)
    ln4_beta = jnp.zeros((C,), dtype=jnp.float32)
    return {"x": x, "edge_index": edge_index, "edge_attr": edge_attr, "batch": batch,
            "W_f": W_f, "b_f": b_f, "W_s": W_s, "b_s": b_s,
            "bn_gamma": bn_gamma, "bn_beta": bn_beta,
            "ln_gamma": ln_gamma, "ln_beta": ln_beta,
            "W_lin": W_lin, "b_lin": b_lin,
            "ln4_gamma": ln4_gamma, "ln4_beta": ln4_beta}


def reference(x, edge_index, edge_attr, batch, W_f, b_f, W_s, b_s, bn_gamma, bn_beta, ln_gamma, ln_beta, W_lin, b_lin, ln4_gamma, ln4_beta):
    src = edge_index[0]
    dst = edge_index[1]
    # CGConv: z_ij = [x_i, x_j, e_ij]; msg = sigmoid(lin_f(z)) * softplus(lin_s(z)); aggr='add'
    z = jnp.concatenate([x[dst], x[src], edge_attr], axis=-1)
    gate = jax.nn.sigmoid(z @ W_f.T + b_f)
    val = jax.nn.softplus(z @ W_s.T + b_s)
    msg = gate * val
    agg = jax.ops.segment_sum(msg, dst, num_segments=N)
    # batch_norm=True inside CGConv (batch statistics, training-mode semantics)
    mu = jnp.mean(agg, axis=0)
    var = jnp.var(agg, axis=0)
    aggn = (agg - mu) / jnp.sqrt(var + 1e-5) * bn_gamma + bn_beta
    h = x + aggn  # residual
    # LayerNorm over feature dim
    m = jnp.mean(h, axis=-1, keepdims=True)
    v = jnp.var(h, axis=-1, keepdims=True)
    h = (h - m) / jnp.sqrt(v + 1e-5) * ln_gamma + ln_beta
    h = jax.nn.softplus(h)
    # global_mean_pool and global_add_pool over batch ids
    ssum = jax.ops.segment_sum(h, batch, num_segments=G)
    cnt = jax.ops.segment_sum(jnp.ones((h.shape[0], 1), h.dtype), batch, num_segments=G)
    smean = ssum / jnp.maximum(cnt, 1.0)
    pooled = jnp.concatenate([smean, ssum], axis=1)
    out = pooled @ W_lin.T + b_lin
    m4 = jnp.mean(out, axis=-1, keepdims=True)
    v4 = jnp.var(out, axis=-1, keepdims=True)
    out = (out - m4) / jnp.sqrt(v4 + 1e-5) * ln4_gamma + ln4_beta
    return out

if __name__ == "__main__":
    import jax
    _d = setup_inputs()
    print(jax.jit(kernel)(*tuple(_d.values())))

</pallas_src>

<mosaic_0001>
#map = affine_map<(d0, d1) -> (0, 0)>
#map1 = affine_map<(d0, d1) -> (0)>
#map2 = affine_map<(d0, d1) -> (0, 0, 0)>
module attributes {stable_mosaic.version = 14 : i64} {
  func.func @scatter_k(%arg0: i32, %arg1: i32, %arg2: memref<320000x128xf32, #tpu.memory_space<hbm>>, %arg3: memref<320000xi32, #tpu.memory_space<hbm>>, %arg4: memref<2x10112x128xf32, #tpu.memory_space<hbm>>, %arg5: memref<128xi32, #tpu.memory_space<vmem>>, %arg6: memref<128xi32, #tpu.memory_space<vmem>>, %arg7: memref<128x128xf32, #tpu.memory_space<vmem>>, %arg8: memref<128x128xf32, #tpu.memory_space<vmem>>, %arg9: memref<10112x128xf32, #tpu.memory_space<vmem_shared>>, %arg10: memref<!tpu.dma_semaphore, #tpu.memory_space<semaphore_mem>>, %arg11: memref<!tpu.dma_semaphore, #tpu.memory_space<semaphore_mem>>, %arg12: memref<!tpu.dma_semaphore, #tpu.memory_space<semaphore_mem>>, %arg13: memref<!tpu.dma_semaphore, #tpu.memory_space<semaphore_mem>>, %arg14: memref<16xi32, #tpu.memory_space<vmem>>) attributes {dimension_semantics = [#tpu.dimension_semantics<core_parallel>, #tpu.dimension_semantics<subcore_parallel>], iteration_bounds = array<i64: 2, 16>, scalar_prefetch = 0 : i64, scratch_operands = 10 : i64, tpu.core_type = #tpu.core_type<sc_vector_subcore>, window_params = [{transform_indices = #map}, {transform_indices = #map1}, {transform_indices = #map2}]} {
    %mul3A = arith.constant 16 : i32
    %mul3A_0 = arith.muli %arg0, %mul3A : i32
    %add3A = arith.addi %mul3A_0, %arg1 : i32
    %mul3A_1 = arith.constant 10000 : i32
    %mul3A_2 = arith.muli %add3A, %mul3A_1 : i32
    %broadcast_in_dim3A = arith.constant 0.000000e+00 : f32
    %broadcast_in_dim3A_3 = vector.broadcast %broadcast_in_dim3A : f32 to vector<16xf32>
    %scan3A = arith.constant 0 : i32
    %scan3A_4 = arith.constant 0 : i32
    %scan3A_5 = arith.constant 128 : i32
    %scan3A_6 = arith.addi %scan3A_4, %scan3A_5 : i32
    %scan3A_7 = arith.constant 1 : i32
    %scan3A_8 = scf.for %scan3A_59 = %scan3A_4 to %scan3A_6 step %scan3A_7 iter_args(%scan3A_60 = %scan3A) -> (i32)  : i32 {
      %swap3A = arith.index_cast %scan3A_59 : i32 to index
      %swap3A_61 = arith.constant 0 : index
      %swap3A_62 = tpu.vector_load %arg7[%swap3A, %swap3A_61] {strides = array<i32>} : memref<128x128xf32, #tpu.memory_space<vmem>>, vector<1x16xf32>,
      %swap3A_63 = vector.shape_cast %swap3A_62 : vector<1x16xf32> to vector<16xf32>
      %swap3A_64 = vector.shape_cast %broadcast_in_dim3A_3 : vector<16xf32> to vector<1x16xf32>
      tpu.vector_store %arg7[%swap3A, %swap3A_61], %swap3A_64 {strides = array<i32>} : memref<128x128xf32, #tpu.memory_space<vmem>>, vector<1x16xf32>,
      %swap3A_65 = arith.index_cast %scan3A_59 : i32 to index
      %swap3A_66 = arith.constant 16 : index
      %swap3A_67 = tpu.vector_load %arg7[%swap3A_65, %swap3A_66] {strides = array<i32>} : memref<128x128xf32, #tpu.memory_space<vmem>>, vector<1x16xf32>,
      %swap3A_68 = vector.shape_cast %swap3A_67 : vector<1x16xf32> to vector<16xf32>
      %swap3A_69 = vector.shape_cast %broadcast_in_dim3A_3 : vector<16xf32> to vector<1x16xf32>
      tpu.vector_store %arg7[%swap3A_65, %swap3A_66], %swap3A_69 {strides = array<i32>} : memref<128x128xf32, #tpu.memory_space<vmem>>, vector<1x16xf32>,
      %swap3A_70 = arith.index_cast %scan3A_59 : i32 to index
      %swap3A_71 = arith.constant 32 : index
      %swap3A_72 = tpu.vector_load %arg7[%swap3A_70, %swap3A_71] {strides = array<i32>} : memref<128x128xf32, #tpu.memory_space<vmem>>, vector<1x16xf32>,
      %swap3A_73 = vector.shape_cast %swap3A_72 : vector<1x16xf32> to vector<16xf32>
      %swap3A_74 = vector.shape_cast %broadcast_in_dim3A_3 : vector<16xf32> to vector<1x16xf32>
      tpu.vector_store %arg7[%swap3A_70, %swap3A_71], %swap3A_74 {strides = array<i32>} : memref<128x128xf32, #tpu.memory_space<vmem>>, vector<1x16xf32>,
      %swap3A_75 = arith.index_cast %scan3A_59 : i32 to index
      %swap3A_76 = arith.constant 48 : index
      %swap3A_77 = tpu.vector_load %arg7[%swap3A_75, %swap3A_76] {strides = array<i32>} : memref<128x128xf32, #tpu.memory_space<vmem>>, vector<1x16xf32>,
      %swap3A_78 = vector.shape_cast %swap3A_77 : vector<1x16xf32> to vector<16xf32>
      %swap3A_79 = vector.shape_cast %broadcast_in_dim3A_3 : vector<16xf32> to vector<1x16xf32>
      tpu.vector_store %arg7[%swap3A_75, %swap3A_76], %swap3A_79 {strides = array<i32>} : memref<128x128xf32, #tpu.memory_space<vmem>>, vector<1x16xf32>,
      %swap3A_80 = arith.index_cast %scan3A_59 : i32 to index
      %swap3A_81 = arith.constant 64 : index
      %swap3A_82 = tpu.vector_load %arg7[%swap3A_80, %swap3A_81] {strides = array<i32>} : memref<128x128xf32, #tpu.memory_space<vmem>>, vector<1x16xf32>,
      %swap3A_83 = vector.shape_cast %swap3A_82 : vector<1x16xf32> to vector<16xf32>
      %swap3A_84 = vector.shape_cast %broadcast_in_dim3A_3 : vector<16xf32> to vector<1x16xf32>
      tpu.vector_store %arg7[%swap3A_80, %swap3A_81], %swap3A_84 {strides = array<i32>} : memref<128x128xf32, #tpu.memory_space<vmem>>, vector<1x16xf32>,
      %swap3A_85 = arith.index_cast %scan3A_59 : i32 to index
      %swap3A_86 = arith.constant 80 : index
      %swap3A_87 = tpu.vector_load %arg7[%swap3A_85, %swap3A_86] {strides = array<i32>} : memref<128x128xf32, #tpu.memory_space<vmem>>, vector<1x16xf32>,
      %swap3A_88 = vector.shape_cast %swap3A_87 : vector<1x16xf32> to vector<16xf32>
      %swap3A_89 = vector.shape_cast %broadcast_in_dim3A_3 : vector<16xf32> to vector<1x16xf32>
      tpu.vector_store %arg7[%swap3A_85, %swap3A_86], %swap3A_89 {strides = array<i32>} : memref<128x128xf32, #tpu.memory_space<vmem>>, vector<1x16xf32>,
      %swap3A_90 = arith.index_cast %scan3A_59 : i32 to index
      %swap3A_91 = arith.constant 96 : index
      %swap3A_92 = tpu.vector_load %arg7[%swap3A_90, %swap3A_91] {strides = array<i32>} : memref<128x128xf32, #tpu.memory_space<vmem>>, vector<1x16xf32>,
      %swap3A_93 = vector.shape_cast %swap3A_92 : vector<1x16xf32> to vector<16xf32>
      %swap3A_94 = vector.shape_cast %broadcast_in_dim3A_3 : vector<16xf32> to vector<1x16xf32>
      tpu.vector_store %arg7[%swap3A_90, %swap3A_91], %swap3A_94 {strides = array<i32>} : memref<128x128xf32, #tpu.memory_space<vmem>>, vector<1x16xf32>,
      %swap3A_95 = arith.index_cast %scan3A_59 : i32 to index
      %swap3A_96 = arith.constant 112 : index
      %swap3A_97 = tpu.vector_load %arg7[%swap3A_95, %swap3A_96] {strides = array<i32>} : memref<128x128xf32, #tpu.memory_space<vmem>>, vector<1x16xf32>,
      %swap3A_98 = vector.shape_cast %swap3A_97 : vector<1x16xf32> to vector<16xf32>
      %swap3A_99 = vector.shape_cast %broadcast_in_dim3A_3 : vector<16xf32> to vector<1x16xf32>
      tpu.vector_store %arg7[%swap3A_95, %swap3A_96], %swap3A_99 {strides = array<i32>} : memref<128x128xf32, #tpu.memory_space<vmem>>, vector<1x16xf32>,
      %scan3A_100 = arith.constant 0 : i32
      scf.yield %scan3A_100 : i32
    }
    %scan3A_9 = arith.constant 128 : i32
    %mul3A_10 = arith.constant 632 : i32
    %mul3A_11 = arith.muli %arg1, %mul3A_10 : i32
    %add3A_12 = arith.constant 0 : i32
    %add3A_13 = arith.addi %mul3A_11, %add3A_12 : i32
    "tpu.region"() ({
      %run_scoped3A = tpu.sem_alloc : memref<!tpu.dma_semaphore, #tpu.memory_space<semaphore_mem>>
      %dma_start3A_59 = arith.constant 0 : i32
      %dma_start3A_60 = arith.constant 0 : i32
      %dma_start3A_61 = tpu.memref_slice %arg7[%dma_start3A_59, %dma_start3A_60] : memref<128x128xf32, #tpu.memory_space<vmem>> -> memref<128x128xf32, #tpu.memory_space<vmem>>
      %dma_start3A_62 = arith.constant 0 : i32
      %dma_start3A_63 = tpu.memref_slice %arg9[%add3A_13, %dma_start3A_62] : memref<10112x128xf32, #tpu.memory_space<vmem_shared>> -> memref<128x128xf32, #tpu.memory_space<vmem_shared>>
      %dma_start3A_64 = arith.constant 0 : i32
      %dma_start3A_65 = tpu.memref_slice %arg9[%add3A_13, %dma_start3A_64] : memref<10112x128xf32, #tpu.memory_space<vmem_shared>> -> memref<128x128xf32, #tpu.memory_space<vmem_shared>>
      %dma_start3A_66 = arith.constant 0 : i32
      %dma_start3A_67 = arith.constant 0 : i32
      %dma_start3A_68 = tpu.memref_slice %arg7[%dma_start3A_66, %dma_start3A_67] : memref<128x128xf32, #tpu.memory_space<vmem>> -> memref<128x128xf32, #tpu.memory_space<vmem>>
      tpu.enqueue_dma source(%dma_start3A_68 : memref<128x128xf32, #tpu.memory_space<vmem>>) target(%dma_start3A_65 : memref<128x128xf32, #tpu.memory_space<vmem_shared>>) target_semaphore(%run_scoped3A : memref<!tpu.dma_semaphore, #tpu.memory_space<semaphore_mem>>)
      %dma_wait3A = arith.constant 0 : i32
      %dma_wait3A_69 = arith.constant 0 : i32
      %dma_wait3A_70 = tpu.memref_slice %arg7[%dma_wait3A, %dma_wait3A_69] : memref<128x128xf32, #tpu.memory_space<vmem>> -> memref<128x128xf32, #tpu.memory_space<vmem>>
      %dma_wait3A_71 = arith.constant 0 : i32
      %dma_wait3A_72 = tpu.memref_slice %arg9[%add3A_13, %dma_wait3A_71] : memref<10112x128xf32, #tpu.memory_space<vmem_shared>> -> memref<128x128xf32, #tpu.memory_space<vmem_shared>>
      %dma_wait3A_73 = arith.constant 0 : i32
      %dma_wait3A_74 = tpu.memref_slice %arg9[%add3A_13, %dma_wait3A_73] : memref<10112x128xf32, #tpu.memory_space<vmem_shared>> -> memref<128x128xf32, #tpu.memory_space<vmem_shared>>
      %dma_wait3A_75 = arith.constant 0 : i32
      %dma_wait3A_76 = arith.constant 0 : i32
      %dma_wait3A_77 = tpu.memref_slice %arg7[%dma_wait3A_75, %dma_wait3A_76] : memref<128x128xf32, #tpu.memory_space<vmem>> -> memref<128x128xf32, #tpu.memory_space<vmem>>
      tpu.wait_dma2 semaphore(%run_scoped3A : memref<!tpu.dma_semaphore, #tpu.memory_space<semaphore_mem>>) src(%dma_wait3A_77 : memref<128x128xf32, #tpu.memory_space<vmem>>) dst(%dma_wait3A_74 : memref<128x128xf32, #tpu.memory_space<vmem_shared>>)
      tpu.yield
    }) : () -> ()
    %mul3A_14 = arith.constant 632 : i32
    %mul3A_15 = arith.muli %arg1, %mul3A_14 : i32
    %add3A_16 = arith.constant 128 : i32
    %add3A_17 = arith.addi %mul3A_15, %add3A_16 : i32
    "tpu.region"() ({
      %run_scoped3A = tpu.sem_alloc : memref<!tpu.dma_semaphore, #tpu.memory_space<semaphore_mem>>
      %dma_start3A_59 = arith.constant 0 : i32
      %dma_start3A_60 = arith.constant 0 : i32
      %dma_start3A_61 = tpu.memref_slice %arg7[%dma_start3A_59, %dma_start3A_60] : memref<128x128xf32, #tpu.memory_space<vmem>> -> memref<128x128xf32, #tpu.memory_space<vmem>>
      %dma_start3A_62 = arith.constant 0 : i32
      %dma_start3A_63 = tpu.memref_slice %arg9[%add3A_17, %dma_start3A_62] : memref<10112x128xf32, #tpu.memory_space<vmem_shared>> -> memref<128x128xf32, #tpu.memory_space<vmem_shared>>
      %dma_start3A_64 = arith.constant 0 : i32
      %dma_start3A_65 = tpu.memref_slice %arg9[%add3A_17, %dma_start3A_64] : memref<10112x128xf32, #tpu.memory_space<vmem_shared>> -> memref<128x128xf32, #tpu.memory_space<vmem_shared>>
      %dma_start3A_66 = arith.constant 0 : i32
      %dma_start3A_67 = arith.constant 0 : i32
      %dma_start3A_68 = tpu.memref_slice %arg7[%dma_start3A_66, %dma_start3A_67] : memref<128x128xf32, #tpu.memory_space<vmem>> -> memref<128x128xf32, #tpu.memory_space<vmem>>
      tpu.enqueue_dma source(%dma_start3A_68 : memref<128x128xf32, #tpu.memory_space<vmem>>) target(%dma_start3A_65 : memref<128x128xf32, #tpu.memory_space<vmem_shared>>) target_semaphore(%run_scoped3A : memref<!tpu.dma_semaphore, #tpu.memory_space<semaphore_mem>>)
      %dma_wait3A = arith.constant 0 : i32
      %dma_wait3A_69 = arith.constant 0 : i32
      %dma_wait3A_70 = tpu.memref_slice %arg7[%dma_wait3A, %dma_wait3A_69] : memref<128x128xf32, #tpu.memory_space<vmem>> -> memref<128x128xf32, #tpu.memory_space<vmem>>
      %dma_wait3A_71 = arith.constant 0 : i32
      %dma_wait3A_72 = tpu.memref_slice %arg9[%add3A_17, %dma_wait3A_71] : memref<10112x128xf32, #tpu.memory_space<vmem_shared>> -> memref<128x128xf32, #tpu.memory_space<vmem_shared>>
      %dma_wait3A_73 = arith.constant 0 : i32
      %dma_wait3A_74 = tpu.memref_slice %arg9[%add3A_17, %dma_wait3A_73] : memref<10112x128xf32, #tpu.memory_space<vmem_shared>> -> memref<128x128xf32, #tpu.memory_space<vmem_shared>>
      %dma_wait3A_75 = arith.constant 0 : i32
      %dma_wait3A_76 = arith.constant 0 : i32
      %dma_wait3A_77 = tpu.memref_slice %arg7[%dma_wait3A_75, %dma_wait3A_76] : memref<128x128xf32, #tpu.memory_space<vmem>> -> memref<128x128xf32, #tpu.memory_space<vmem>>
      tpu.wait_dma2 semaphore(%run_scoped3A : memref<!tpu.dma_semaphore, #tpu.memory_space<semaphore_mem>>) src(%dma_wait3A_77 : memref<128x128xf32, #tpu.memory_space<vmem>>) dst(%dma_wait3A_74 : memref<128x128xf32, #tpu.memory_space<vmem_shared>>)
      tpu.yield
    }) : () -> ()
    %mul3A_18 = arith.constant 632 : i32
    %mul3A_19 = arith.muli %arg1, %mul3A_18 : i32
    %add3A_20 = arith.constant 256 : i32
    %add3A_21 = arith.addi %mul3A_19, %add3A_20 : i32
    "tpu.region"() ({
      %run_scoped3A = tpu.sem_alloc : memref<!tpu.dma_semaphore, #tpu.memory_space<semaphore_mem>>
      %dma_start3A_59 = arith.constant 0 : i32
      %dma_start3A_60 = arith.constant 0 : i32
      %dma_start3A_61 = tpu.memref_slice %arg7[%dma_start3A_59, %dma_start3A_60] : memref<128x128xf32, #tpu.memory_space<vmem>> -> memref<128x128xf32, #tpu.memory_space<vmem>>
      %dma_start3A_62 = arith.constant 0 : i32
      %dma_start3A_63 = tpu.memref_slice %arg9[%add3A_21, %dma_start3A_62] : memref<10112x128xf32, #tpu.memory_space<vmem_shared>> -> memref<128x128xf32, #tpu.memory_space<vmem_shared>>
      %dma_start3A_64 = arith.constant 0 : i32
      %dma_start3A_65 = tpu.memref_slice %arg9[%add3A_21, %dma_start3A_64] : memref<10112x128xf32, #tpu.memory_space<vmem_shared>> -> memref<128x128xf32, #tpu.memory_space<vmem_shared>>
      %dma_start3A_66 = arith.constant 0 : i32
      %dma_start3A_67 = arith.constant 0 : i32
      %dma_start3A_68 = tpu.memref_slice %arg7[%dma_start3A_66, %dma_start3A_67] : memref<128x128xf32, #tpu.memory_space<vmem>> -> memref<128x128xf32, #tpu.memory_space<vmem>>
      tpu.enqueue_dma source(%dma_start3A_68 : memref<128x128xf32, #tpu.memory_space<vmem>>) target(%dma_start3A_65 : memref<128x128xf32, #tpu.memory_space<vmem_shared>>) target_semaphore(%run_scoped3A : memref<!tpu.dma_semaphore, #tpu.memory_space<semaphore_mem>>)
      %dma_wait3A = arith.constant 0 : i32
      %dma_wait3A_69 = arith.constant 0 : i32
      %dma_wait3A_70 = tpu.memref_slice %arg7[%dma_wait3A, %dma_wait3A_69] : memref<128x128xf32, #tpu.memory_space<vmem>> -> memref<128x128xf32, #tpu.memory_space<vmem>>
      %dma_wait3A_71 = arith.constant 0 : i32
      %dma_wait3A_72 = tpu.memref_slice %arg9[%add3A_21, %dma_wait3A_71] : memref<10112x128xf32, #tpu.memory_space<vmem_shared>> -> memref<128x128xf32, #tpu.memory_space<vmem_shared>>
      %dma_wait3A_73 = arith.constant 0 : i32
      %dma_wait3A_74 = tpu.memref_slice %arg9[%add3A_21, %dma_wait3A_73] : memref<10112x128xf32, #tpu.memory_space<vmem_shared>> -> memref<128x128xf32, #tpu.memory_space<vmem_shared>>
      %dma_wait3A_75 = arith.constant 0 : i32
      %dma_wait3A_76 = arith.constant 0 : i32
      %dma_wait3A_77 = tpu.memref_slice %arg7[%dma_wait3A_75, %dma_wait3A_76] : memref<128x128xf32, #tpu.memory_space<vmem>> -> memref<128x128xf32, #tpu.memory_space<vmem>>
      tpu.wait_dma2 semaphore(%run_scoped3A : memref<!tpu.dma_semaphore, #tpu.memory_space<semaphore_mem>>) src(%dma_wait3A_77 : memref<128x128xf32, #tpu.memory_space<vmem>>) dst(%dma_wait3A_74 : memref<128x128xf32, #tpu.memory_space<vmem_shared>>)
      tpu.yield
    }) : () -> ()
    %mul3A_22 = arith.constant 632 : i32
    %mul3A_23 = arith.muli %arg1, %mul3A_22 : i32
    %add3A_24 = arith.constant 384 : i32
    %add3A_25 = arith.addi %mul3A_23, %add3A_24 : i32
    "tpu.region"() ({
      %run_scoped3A = tpu.sem_alloc : memref<!tpu.dma_semaphore, #tpu.memory_space<semaphore_mem>>
      %dma_start3A_59 = arith.constant 0 : i32
      %dma_start3A_60 = arith.constant 0 : i32
      %dma_start3A_61 = tpu.memref_slice %arg7[%dma_start3A_59, %dma_start3A_60] : memref<128x128xf32, #tpu.memory_space<vmem>> -> memref<128x128xf32, #tpu.memory_space<vmem>>
      %dma_start3A_62 = arith.constant 0 : i32
      %dma_start3A_63 = tpu.memref_slice %arg9[%add3A_25, %dma_start3A_62] : memref<10112x128xf32, #tpu.memory_space<vmem_shared>> -> memref<128x128xf32, #tpu.memory_space<vmem_shared>>
      %dma_start3A_64 = arith.constant 0 : i32
      %dma_start3A_65 = tpu.memref_slice %arg9[%add3A_25, %dma_start3A_64] : memref<10112x128xf32, #tpu.memory_space<vmem_shared>> -> memref<128x128xf32, #tpu.memory_space<vmem_shared>>
      %dma_start3A_66 = arith.constant 0 : i32
      %dma_start3A_67 = arith.constant 0 : i32
      %dma_start3A_68 = tpu.memref_slice %arg7[%dma_start3A_66, %dma_start3A_67] : memref<128x128xf32, #tpu.memory_space<vmem>> -> memref<128x128xf32, #tpu.memory_space<vmem>>
      tpu.enqueue_dma source(%dma_start3A_68 : memref<128x128xf32, #tpu.memory_space<vmem>>) target(%dma_start3A_65 : memref<128x128xf32, #tpu.memory_space<vmem_shared>>) target_semaphore(%run_scoped3A : memref<!tpu.dma_semaphore, #tpu.memory_space<semaphore_mem>>)
      %dma_wait3A = arith.constant 0 : i32
      %dma_wait3A_69 = arith.constant 0 : i32
      %dma_wait3A_70 = tpu.memref_slice %arg7[%dma_wait3A, %dma_wait3A_69] : memref<128x128xf32, #tpu.memory_space<vmem>> -> memref<128x128xf32, #tpu.memory_space<vmem>>
      %dma_wait3A_71 = arith.constant 0 : i32
      %dma_wait3A_72 = tpu.memref_slice %arg9[%add3A_25, %dma_wait3A_71] : memref<10112x128xf32, #tpu.memory_space<vmem_shared>> -> memref<128x128xf32, #tpu.memory_space<vmem_shared>>
      %dma_wait3A_73 = arith.constant 0 : i32
      %dma_wait3A_74 = tpu.memref_slice %arg9[%add3A_25, %dma_wait3A_73] : memref<10112x128xf32, #tpu.memory_space<vmem_shared>> -> memref<128x128xf32, #tpu.memory_space<vmem_shared>>
      %dma_wait3A_75 = arith.constant 0 : i32
      %dma_wait3A_76 = arith.constant 0 : i32
      %dma_wait3A_77 = tpu.memref_slice %arg7[%dma_wait3A_75, %dma_wait3A_76] : memref<128x128xf32, #tpu.memory_space<vmem>> -> memref<128x128xf32, #tpu.memory_space<vmem>>
      tpu.wait_dma2 semaphore(%run_scoped3A : memref<!tpu.dma_semaphore, #tpu.memory_space<semaphore_mem>>) src(%dma_wait3A_77 : memref<128x128xf32, #tpu.memory_space<vmem>>) dst(%dma_wait3A_74 : memref<128x128xf32, #tpu.memory_space<vmem_shared>>)
      tpu.yield
    }) : () -> ()
    %mul3A_26 = arith.constant 632 : i32
    %mul3A_27 = arith.muli %arg1, %mul3A_26 : i32
    %add3A_28 = arith.constant 512 : i32
    %add3A_29 = arith.addi %mul3A_27, %add3A_28 : i32
    "tpu.region"() ({
      %run_scoped3A = tpu.sem_alloc : memref<!tpu.dma_semaphore, #tpu.memory_space<semaphore_mem>>
      %dma_start3A_59 = arith.constant 0 : i32
      %dma_start3A_60 = arith.constant 0 : i32
      %dma_start3A_61 = tpu.memref_slice %arg7[%dma_start3A_59, %dma_start3A_60] : memref<128x128xf32, #tpu.memory_space<vmem>> -> memref<120x128xf32, #tpu.memory_space<vmem>>
      %dma_start3A_62 = arith.constant 0 : i32
      %dma_start3A_63 = tpu.memref_slice %arg9[%add3A_29, %dma_start3A_62] : memref<10112x128xf32, #tpu.memory_space<vmem_shared>> -> memref<120x128xf32, #tpu.memory_space<vmem_shared>>
      %dma_start3A_64 = arith.constant 0 : i32
      %dma_start3A_65 = tpu.memref_slice %arg9[%add3A_29, %dma_start3A_64] : memref<10112x128xf32, #tpu.memory_space<vmem_shared>> -> memref<120x128xf32, #tpu.memory_space<vmem_shared>>
      %dma_start3A_66 = arith.constant 0 : i32
      %dma_start3A_67 = arith.constant 0 : i32
      %dma_start3A_68 = tpu.memref_slice %arg7[%dma_start3A_66, %dma_start3A_67] : memref<128x128xf32, #tpu.memory_space<vmem>> -> memref<120x128xf32, #tpu.memory_space<vmem>>
      tpu.enqueue_dma source(%dma_start3A_68 : memref<120x128xf32, #tpu.memory_space<vmem>>) target(%dma_start3A_65 : memref<120x128xf32, #tpu.memory_space<vmem_shared>>) target_semaphore(%run_scoped3A : memref<!tpu.dma_semaphore, #tpu.memory_space<semaphore_mem>>)
      %dma_wait3A = arith.constant 0 : i32
      %dma_wait3A_69 = arith.constant 0 : i32
      %dma_wait3A_70 = tpu.memref_slice %arg7[%dma_wait3A, %dma_wait3A_69] : memref<128x128xf32, #tpu.memory_space<vmem>> -> memref<120x128xf32, #tpu.memory_space<vmem>>
      %dma_wait3A_71 = arith.constant 0 : i32
      %dma_wait3A_72 = tpu.memref_slice %arg9[%add3A_29, %dma_wait3A_71] : memref<10112x128xf32, #tpu.memory_space<vmem_shared>> -> memref<120x128xf32, #tpu.memory_space<vmem_shared>>
      %dma_wait3A_73 = arith.constant 0 : i32
      %dma_wait3A_74 = tpu.memref_slice %arg9[%add3A_29, %dma_wait3A_73] : memref<10112x128xf32, #tpu.memory_space<vmem_shared>> -> memref<120x128xf32, #tpu.memory_space<vmem_shared>>
      %dma_wait3A_75 = arith.constant 0 : i32
      %dma_wait3A_76 = arith.constant 0 : i32
      %dma_wait3A_77 = tpu.memref_slice %arg7[%dma_wait3A_75, %dma_wait3A_76] : memref<128x128xf32, #tpu.memory_space<vmem>> -> memref<120x128xf32, #tpu.memory_space<vmem>>
      tpu.wait_dma2 semaphore(%run_scoped3A : memref<!tpu.dma_semaphore, #tpu.memory_space<semaphore_mem>>) src(%dma_wait3A_77 : memref<120x128xf32, #tpu.memory_space<vmem>>) dst(%dma_wait3A_74 : memref<120x128xf32, #tpu.memory_space<vmem_shared>>)
      tpu.yield
    }) : () -> ()
    %barrier3A = arith.constant 0 : index
    tpu.barrier barrier_id(%barrier3A)
    %add3A_30 = arith.constant 0 : i32
    %add3A_31 = arith.addi %mul3A_2, %add3A_30 : i32
    %dma_start3A = tpu.memref_slice %arg3[%add3A_31] : memref<320000xi32, #tpu.memory_space<hbm>> -> memref<128xi32, #tpu.memory_space<hbm>>
    %dma_start3A_32 = tpu.memref_slice %arg3[%add3A_31] : memref<320000xi32, #tpu.memory_space<hbm>> -> memref<128xi32, #tpu.memory_space<hbm>>
    tpu.enqueue_dma source(%dma_start3A_32 : memref<128xi32, #tpu.memory_space<hbm>>) target(%arg5 : memref<128xi32, #tpu.memory_space<vmem>>) target_semaphore(%arg10 : memref<!tpu.dma_semaphore, #tpu.memory_space<semaphore_mem>>)
    %dma_start3A_33 = arith.constant 0 : i32
    %dma_start3A_34 = tpu.memref_slice %arg2[%add3A_31, %dma_start3A_33] : memref<320000x128xf32, #tpu.memory_space<hbm>> -> memref<128x128xf32, #tpu.memory_space<hbm>>
    %dma_start3A_35 = arith.constant 0 : i32
    %dma_start3A_36 = tpu.memref_slice %arg2[%add3A_31, %dma_start3A_35] : memref<320000x128xf32, #tpu.memory_space<hbm>> -> memref<128x128xf32, #tpu.memory_space<hbm>>
    tpu.enqueue_dma source(%dma_start3A_36 : memref<128x128xf32, #tpu.memory_space<hbm>>) target(%arg7 : memref<128x128xf32, #tpu.memory_space<vmem>>) target_semaphore(%arg12 : memref<!tpu.dma_semaphore, #tpu.memory_space<semaphore_mem>>)
    %add3A_37 = arith.constant 128 : i32
    %add3A_38 = arith.addi %mul3A_2, %add3A_37 : i32
    %dma_start3A_39 = tpu.memref_slice %arg3[%add3A_38] : memref<320000xi32, #tpu.memory_space<hbm>> -> memref<128xi32, #tpu.memory_space<hbm>>
    %dma_start3A_40 = tpu.memref_slice %arg3[%add3A_38] : memref<320000xi32, #tpu.memory_space<hbm>> -> memref<128xi32, #tpu.memory_space<hbm>>
    tpu.enqueue_dma source(%dma_start3A_40 : memref<128xi32, #tpu.memory_space<hbm>>) target(%arg6 : memref<128xi32, #tpu.memory_space<vmem>>) target_semaphore(%arg11 : memref<!tpu.dma_semaphore, #tpu.memory_space<semaphore_mem>>)
    %dma_start3A_41 = arith.constant 0 : i32
    %dma_start3A_42 = tpu.memref_slice %arg2[%add3A_38, %dma_start3A_41] : memref<320000x128xf32, #tpu.memory_space<hbm>> -> memref<128x128xf32, #tpu.memory_space<hbm>>
    %dma_start3A_43 = arith.constant 0 : i32
    %dma_start3A_44 = tpu.memref_slice %arg2[%add3A_38, %dma_start3A_43] : memref<320000x128xf32, #tpu.memory_space<hbm>> -> memref<128x128xf32, #tpu.memory_space<hbm>>
    tpu.enqueue_dma source(%dma_start3A_44 : memref<128x128xf32, #tpu.memory_space<hbm>>) target(%arg8 : memref<128x128xf32, #tpu.memory_space<vmem>>) target_semaphore(%arg13 : memref<!tpu.dma_semaphore, #tpu.memory_space<semaphore_mem>>)
    %scan3A_45 = arith.constant 0 : i32
    %scan3A_46 = arith.constant 0 : i32
    %scan3A_47 = arith.constant 39 : i32
    %scan3A_48 = arith.addi %scan3A_46, %scan3A_47 : i32
    %scan3A_49 = arith.constant 1 : i32
    %scan3A_50 = scf.for %scan3A_59 = %scan3A_46 to %scan3A_48 step %scan3A_49 iter_args(%scan3A_60 = %scan3A_45) -> (i32)  : i32 {
      %mul3A_61 = arith.constant 2 : i32
      %mul3A_62 = arith.muli %scan3A_59, %mul3A_61 : i32
      %add3A_63 = arith.constant 0 : i32
      %add3A_64 = arith.addi %mul3A_62, %add3A_63 : i32
      %dma_wait3A = arith.constant 0 : i32
      %dma_wait3A_65 = tpu.memref_slice %arg3[%dma_wait3A] : memref<320000xi32, #tpu.memory_space<hbm>> -> memref<128xi32, #tpu.memory_space<hbm>>
      %dma_wait3A_66 = arith.constant 0 : i32
      %dma_wait3A_67 = tpu.memref_slice %arg3[%dma_wait3A_66] : memref<320000xi32, #tpu.memory_space<hbm>> -> memref<128xi32, #tpu.memory_space<hbm>>
      tpu.wait_dma2 semaphore(%arg10 : memref<!tpu.dma_semaphore, #tpu.memory_space<semaphore_mem>>) src(%dma_wait3A_67 : memref<128xi32, #tpu.memory_space<hbm>>) dst(%arg5 : memref<128xi32, #tpu.memory_space<vmem>>)
      %dma_wait3A_68 = arith.constant 0 : i32
      %dma_wait3A_69 = arith.constant 0 : i32
      %dma_wait3A_70 = tpu.memref_slice %arg2[%dma_wait3A_68, %dma_wait3A_69] : memref<320000x128xf32, #tpu.memory_space<hbm>> -> memref<128x128xf32, #tpu.memory_space<hbm>>
      %dma_wait3A_71 = arith.constant 0 : i32
      %dma_wait3A_72 = arith.constant 0 : i32
      %dma_wait3A_73 = tpu.memref_slice %arg2[%dma_wait3A_71, %dma_wait3A_72] : memref<320000x128xf32, #tpu.memory_space<hbm>> -> memref<128x128xf32, #tpu.memory_space<hbm>>
      tpu.wait_dma2 semaphore(%arg12 : memref<!tpu.dma_semaphore, #tpu.memory_space<semaphore_mem>>) src(%dma_wait3A_73 : memref<128x128xf32, #tpu.memory_space<hbm>>) dst(%arg7 : memref<128x128xf32, #tpu.memory_space<vmem>>)
      "tpu.region"() ({
        %run_scoped3A = tpu.sem_alloc : memref<!tpu.dma_semaphore, #tpu.memory_space<semaphore_mem>>
        %dma_start3A_100 = arith.constant 0 : i32
        %dma_start3A_101 = arith.constant 0 : i32
        %dma_start3A_102 = tpu.memref_slice %arg9[%dma_start3A_100, %dma_start3A_101] : memref<10112x128xf32, #tpu.memory_space<vmem_shared>> -> memref<10112x128xf32, #tpu.memory_space<vmem_shared>>
        tpu.enqueue_indirect_dma source(%arg7 : memref<128x128xf32, #tpu.memory_space<vmem>>) target(%dma_start3A_102 : memref<10112x128xf32, #tpu.memory_space<vmem_shared>>) offsets(%arg5 : memref<128xi32, #tpu.memory_space<vmem>>) semaphore(%run_scoped3A : memref<!tpu.dma_semaphore, #tpu.memory_space<semaphore_mem>>) {add = true}
        %dma_wait3A_103 = arith.constant 0 : i32
        %dma_wait3A_104 = arith.constant 0 : i32
        %dma_wait3A_105 = tpu.memref_slice %arg9[%dma_wait3A_103, %dma_wait3A_104] : memref<10112x128xf32, #tpu.memory_space<vmem_shared>> -> memref<10112x128xf32, #tpu.memory_space<vmem_shared>>
        tpu.wait_indirect_dma semaphore(%run_scoped3A : memref<!tpu.dma_semaphore, #tpu.memory_space<semaphore_mem>>) src(%arg7 : memref<128x128xf32, #tpu.memory_space<vmem>>) dst(%dma_wait3A_105 : memref<10112x128xf32, #tpu.memory_space<vmem_shared>>)
        tpu.yield
      }) : () -> ()
      %add3A_74 = arith.constant 2 : i32
      %add3A_75 = arith.addi %add3A_64, %add3A_74 : i32
      %lt3A = arith.constant 78 : i32
      %lt3A_76 = arith.cmpi slt, %add3A_75, %lt3A : i32
      %convert_element_type3A = arith.extui %lt3A_76 : i1 to i32
      %cond3A = arith.constant 0 : i32
      %cond3A_77 = arith.cmpi ne, %convert_element_type3A, %cond3A : i32
      scf.if %cond3A_77 {
        %add3A_100 = arith.constant 2 : i32
        %add3A_101 = arith.addi %add3A_64, %add3A_100 : i32
        %mul3A_102 = arith.constant 128 : i32
        %mul3A_103 = arith.muli %add3A_101, %mul3A_102 : i32
        %add3A_104 = arith.addi %mul3A_2, %mul3A_103 : i32
        %dma_start3A_105 = tpu.memref_slice %arg3[%add3A_104] : memref<320000xi32, #tpu.memory_space<hbm>> -> memref<128xi32, #tpu.memory_space<hbm>>
        %dma_start3A_106 = tpu.memref_slice %arg3[%add3A_104] : memref<320000xi32, #tpu.memory_space<hbm>> -> memref<128xi32, #tpu.memory_space<hbm>>
        tpu.enqueue_dma source(%dma_start3A_106 : memref<128xi32, #tpu.memory_space<hbm>>) target(%arg5 : memref<128xi32, #tpu.memory_space<vmem>>) target_semaphore(%arg10 : memref<!tpu.dma_semaphore, #tpu.memory_space<semaphore_mem>>)
        %dma_start3A_107 = arith.constant 0 : i32
        %dma_start3A_108 = tpu.memref_slice %arg2[%add3A_104, %dma_start3A_107] : memref<320000x128xf32, #tpu.memory_space<hbm>> -> memref<128x128xf32, #tpu.memory_space<hbm>>
        %dma_start3A_109 = arith.constant 0 : i32
        %dma_start3A_110 = tpu.memref_slice %arg2[%add3A_104, %dma_start3A_109] : memref<320000x128xf32, #tpu.memory_space<hbm>> -> memref<128x128xf32, #tpu.memory_space<hbm>>
        tpu.enqueue_dma source(%dma_start3A_110 : memref<128x128xf32, #tpu.memory_space<hbm>>) target(%arg7 : memref<128x128xf32, #tpu.memory_space<vmem>>) target_semaphore(%arg12 : memref<!tpu.dma_semaphore, #tpu.memory_space<semaphore_mem>>)
      } else {
      }
      %mul3A_78 = arith.constant 2 : i32
      %mul3A_79 = arith.muli %scan3A_59, %mul3A_78 : i32
      %add3A_80 = arith.constant 1 : i32
      %add3A_81 = arith.addi %mul3A_79, %add3A_80 : i32
      %dma_wait3A_82 = arith.constant 0 : i32
      %dma_wait3A_83 = tpu.memref_slice %arg3[%dma_wait3A_82] : memref<320000xi32, #tpu.memory_space<hbm>> -> memref<128xi32, #tpu.memory_space<hbm>>
      %dma_wait3A_84 = arith.constant 0 : i32
      %dma_wait3A_85 = tpu.memref_slice %arg3[%dma_wait3A_84] : memref<320000xi32, #tpu.memory_space<hbm>> -> memref<128xi32, #tpu.memory_space<hbm>>
      tpu.wait_dma2 semaphore(%arg11 : memref<!tpu.dma_semaphore, #tpu.memory_space<semaphore_mem>>) src(%dma_wait3A_85 : memref<128xi32, #tpu.memory_space<hbm>>) dst(%arg6 : memref<128xi32, #tpu.memory_space<vmem>>)
      %dma_wait3A_86 = arith.constant 0 : i32
      %dma_wait3A_87 = arith.constant 0 : i32
      %dma_wait3A_88 = tpu.memref_slice %arg2[%dma_wait3A_86, %dma_wait3A_87] : memref<320000x128xf32, #tpu.memory_space<hbm>> -> memref<128x128xf32, #tpu.memory_space<hbm>>
      %dma_wait3A_89 = arith.constant 0 : i32
      %dma_wait3A_90 = arith.constant 0 : i32
      %dma_wait3A_91 = tpu.memref_slice %arg2[%dma_wait3A_89, %dma_wait3A_90] : memref<320000x128xf32, #tpu.memory_space<hbm>> -> memref<128x128xf32, #tpu.memory_space<hbm>>
      tpu.wait_dma2 semaphore(%arg13 : memref<!tpu.dma_semaphore, #tpu.memory_space<semaphore_mem>>) src(%dma_wait3A_91 : memref<128x128xf32, #tpu.memory_space<hbm>>) dst(%arg8 : memref<128x128xf32, #tpu.memory_space<vmem>>)
      "tpu.region"() ({
        %run_scoped3A = tpu.sem_alloc : memref<!tpu.dma_semaphore, #tpu.memory_space<semaphore_mem>>
        %dma_start3A_100 = arith.constant 0 : i32
        %dma_start3A_101 = arith.constant 0 : i32
        %dma_start3A_102 = tpu.memref_slice %arg9[%dma_start3A_100, %dma_start3A_101] : memref<10112x128xf32, #tpu.memory_space<vmem_shared>> -> memref<10112x128xf32, #tpu.memory_space<vmem_shared>>
        tpu.enqueue_indirect_dma source(%arg8 : memref<128x128xf32, #tpu.memory_space<vmem>>) target(%dma_start3A_102 : memref<10112x128xf32, #tpu.memory_space<vmem_shared>>) offsets(%arg6 : memref<128xi32, #tpu.memory_space<vmem>>) semaphore(%run_scoped3A : memref<!tpu.dma_semaphore, #tpu.memory_space<semaphore_mem>>) {add = true}
        %dma_wait3A_103 = arith.constant 0 : i32
        %dma_wait3A_104 = arith.constant 0 : i32
        %dma_wait3A_105 = tpu.memref_slice %arg9[%dma_wait3A_103, %dma_wait3A_104] : memref<10112x128xf32, #tpu.memory_space<vmem_shared>> -> memref<10112x128xf32, #tpu.memory_space<vmem_shared>>
        tpu.wait_indirect_dma semaphore(%run_scoped3A : memref<!tpu.dma_semaphore, #tpu.memory_space<semaphore_mem>>) src(%arg8 : memref<128x128xf32, #tpu.memory_space<vmem>>) dst(%dma_wait3A_105 : memref<10112x128xf32, #tpu.memory_space<vmem_shared>>)
        tpu.yield
      }) : () -> ()
      %add3A_92 = arith.constant 2 : i32
      %add3A_93 = arith.addi %add3A_81, %add3A_92 : i32
      %lt3A_94 = arith.constant 78 : i32
      %lt3A_95 = arith.cmpi slt, %add3A_93, %lt3A_94 : i32
      %convert_element_type3A_96 = arith.extui %lt3A_95 : i1 to i32
      %cond3A_97 = arith.constant 0 : i32
      %cond3A_98 = arith.cmpi ne, %convert_element_type3A_96, %cond3A_97 : i32
      scf.if %cond3A_98 {
        %add3A_100 = arith.constant 2 : i32
        %add3A_101 = arith.addi %add3A_81, %add3A_100 : i32
        %mul3A_102 = arith.constant 128 : i32
        %mul3A_103 = arith.muli %add3A_101, %mul3A_102 : i32
        %add3A_104 = arith.addi %mul3A_2, %mul3A_103 : i32
        %dma_start3A_105 = tpu.memref_slice %arg3[%add3A_104] : memref<320000xi32, #tpu.memory_space<hbm>> -> memref<128xi32, #tpu.memory_space<hbm>>
        %dma_start3A_106 = tpu.memref_slice %arg3[%add3A_104] : memref<320000xi32, #tpu.memory_space<hbm>> -> memref<128xi32, #tpu.memory_space<hbm>>
        tpu.enqueue_dma source(%dma_start3A_106 : memref<128xi32, #tpu.memory_space<hbm>>) target(%arg6 : memref<128xi32, #tpu.memory_space<vmem>>) target_semaphore(%arg11 : memref<!tpu.dma_semaphore, #tpu.memory_space<semaphore_mem>>)
        %dma_start3A_107 = arith.constant 0 : i32
        %dma_start3A_108 = tpu.memref_slice %arg2[%add3A_104, %dma_start3A_107] : memref<320000x128xf32, #tpu.memory_space<hbm>> -> memref<128x128xf32, #tpu.memory_space<hbm>>
        %dma_start3A_109 = arith.constant 0 : i32
        %dma_start3A_110 = tpu.memref_slice %arg2[%add3A_104, %dma_start3A_109] : memref<320000x128xf32, #tpu.memory_space<hbm>> -> memref<128x128xf32, #tpu.memory_space<hbm>>
        tpu.enqueue_dma source(%dma_start3A_110 : memref<128x128xf32, #tpu.memory_space<hbm>>) target(%arg8 : memref<128x128xf32, #tpu.memory_space<vmem>>) target_semaphore(%arg13 : memref<!tpu.dma_semaphore, #tpu.memory_space<semaphore_mem>>)
      } else {
      }
      %scan3A_99 = arith.constant 0 : i32
      scf.yield %scan3A_99 : i32
    }
    %scan3A_51 = arith.constant 39 : i32
    %add3A_52 = arith.constant 9984 : i32
    %add3A_53 = arith.addi %mul3A_2, %add3A_52 : i32
    "tpu.region"() ({
      %run_scoped3A = tpu.sem_alloc : memref<!tpu.dma_semaphore, #tpu.memory_space<semaphore_mem>>
      %dma_start3A_59 = tpu.memref_slice %arg3[%add3A_53] : memref<320000xi32, #tpu.memory_space<hbm>> -> memref<16xi32, #tpu.memory_space<hbm>>
      %dma_start3A_60 = tpu.memref_slice %arg3[%add3A_53] : memref<320000xi32, #tpu.memory_space<hbm>> -> memref<16xi32, #tpu.memory_space<hbm>>
      tpu.enqueue_dma source(%dma_start3A_60 : memref<16xi32, #tpu.memory_space<hbm>>) target(%arg14 : memref<16xi32, #tpu.memory_space<vmem>>) target_semaphore(%run_scoped3A : memref<!tpu.dma_semaphore, #tpu.memory_space<semaphore_mem>>)
      %dma_wait3A = tpu.memref_slice %arg3[%add3A_53] : memref<320000xi32, #tpu.memory_space<hbm>> -> memref<16xi32, #tpu.memory_space<hbm>>
      %dma_wait3A_61 = tpu.memref_slice %arg3[%add3A_53] : memref<320000xi32, #tpu.memory_space<hbm>> -> memref<16xi32, #tpu.memory_space<hbm>>
      tpu.wait_dma2 semaphore(%run_scoped3A : memref<!tpu.dma_semaphore, #tpu.memory_space<semaphore_mem>>) src(%dma_wait3A_61 : memref<16xi32, #tpu.memory_space<hbm>>) dst(%arg14 : memref<16xi32, #tpu.memory_space<vmem>>)
      tpu.yield
    }) : () -> ()
    "tpu.region"() ({
      %run_scoped3A = tpu.sem_alloc : memref<!tpu.dma_semaphore, #tpu.memory_space<semaphore_mem>>
      %dma_start3A_59 = arith.constant 0 : i32
      %dma_start3A_60 = arith.constant 0 : i32
      %dma_start3A_61 = tpu.memref_slice %arg7[%dma_start3A_59, %dma_start3A_60] : memref<128x128xf32, #tpu.memory_space<vmem>> -> memref<16x128xf32, #tpu.memory_space<vmem>>
      %dma_start3A_62 = arith.constant 0 : i32
      %dma_start3A_63 = tpu.memref_slice %arg2[%add3A_53, %dma_start3A_62] : memref<320000x128xf32, #tpu.memory_space<hbm>> -> memref<16x128xf32, #tpu.memory_space<hbm>>
      %dma_start3A_64 = arith.constant 0 : i32
      %dma_start3A_65 = arith.constant 0 : i32
      %dma_start3A_66 = tpu.memref_slice %arg7[%dma_start3A_64, %dma_start3A_65] : memref<128x128xf32, #tpu.memory_space<vmem>> -> memref<16x128xf32, #tpu.memory_space<vmem>>
      %dma_start3A_67 = arith.constant 0 : i32
      %dma_start3A_68 = tpu.memref_slice %arg2[%add3A_53, %dma_start3A_67] : memref<320000x128xf32, #tpu.memory_space<hbm>> -> memref<16x128xf32, #tpu.memory_space<hbm>>
      tpu.enqueue_dma source(%dma_start3A_68 : memref<16x128xf32, #tpu.memory_space<hbm>>) target(%dma_start3A_66 : memref<16x128xf32, #tpu.memory_space<vmem>>) target_semaphore(%run_scoped3A : memref<!tpu.dma_semaphore, #tpu.memory_space<semaphore_mem>>)
      %dma_wait3A = arith.constant 0 : i32
      %dma_wait3A_69 = arith.constant 0 : i32
      %dma_wait3A_70 = tpu.memref_slice %arg7[%dma_wait3A, %dma_wait3A_69] : memref<128x128xf32, #tpu.memory_space<vmem>> -> memref<16x128xf32, #tpu.memory_space<vmem>>
      %dma_wait3A_71 = arith.constant 0 : i32
      %dma_wait3A_72 = tpu.memref_slice %arg2[%add3A_53, %dma_wait3A_71] : memref<320000x128xf32, #tpu.memory_space<hbm>> -> memref<16x128xf32, #tpu.memory_space<hbm>>
      %dma_wait3A_73 = arith.constant 0 : i32
      %dma_wait3A_74 = arith.constant 0 : i32
      %dma_wait3A_75 = tpu.memref_slice %arg7[%dma_wait3A_73, %dma_wait3A_74] : memref<128x128xf32, #tpu.memory_space<vmem>> -> memref<16x128xf32, #tpu.memory_space<vmem>>
      %dma_wait3A_76 = arith.constant 0 : i32
      %dma_wait3A_77 = tpu.memref_slice %arg2[%add3A_53, %dma_wait3A_76] : memref<320000x128xf32, #tpu.memory_space<hbm>> -> memref<16x128xf32, #tpu.memory_space<hbm>>
      tpu.wait_dma2 semaphore(%run_scoped3A : memref<!tpu.dma_semaphore, #tpu.memory_space<semaphore_mem>>) src(%dma_wait3A_77 : memref<16x128xf32, #tpu.memory_space<hbm>>) dst(%dma_wait3A_75 : memref<16x128xf32, #tpu.memory_space<vmem>>)
      tpu.yield
    }) : () -> ()
    "tpu.region"() ({
      %run_scoped3A = tpu.sem_alloc : memref<!tpu.dma_semaphore, #tpu.memory_space<semaphore_mem>>
      %dma_start3A_59 = arith.constant 0 : i32
      %dma_start3A_60 = arith.constant 0 : i32
      %dma_start3A_61 = tpu.memref_slice %arg7[%dma_start3A_59, %dma_start3A_60] : memref<128x128xf32, #tpu.memory_space<vmem>> -> memref<16x128xf32, #tpu.memory_space<vmem>>
      %dma_start3A_62 = arith.constant 0 : i32
      %dma_start3A_63 = arith.constant 0 : i32
      %dma_start3A_64 = tpu.memref_slice %arg9[%dma_start3A_62, %dma_start3A_63] : memref<10112x128xf32, #tpu.memory_space<vmem_shared>> -> memref<10112x128xf32, #tpu.memory_space<vmem_shared>>
      tpu.enqueue_indirect_dma source(%dma_start3A_61 : memref<16x128xf32, #tpu.memory_space<vmem>>) target(%dma_start3A_64 : memref<10112x128xf32, #tpu.memory_space<vmem_shared>>) offsets(%arg14 : memref<16xi32, #tpu.memory_space<vmem>>) semaphore(%run_scoped3A : memref<!tpu.dma_semaphore, #tpu.memory_space<semaphore_mem>>) {add = true}
      %dma_wait3A = arith.constant 0 : i32
      %dma_wait3A_65 = arith.constant 0 : i32
      %dma_wait3A_66 = tpu.memref_slice %arg7[%dma_wait3A, %dma_wait3A_65] : memref<128x128xf32, #tpu.memory_space<vmem>> -> memref<16x128xf32, #tpu.memory_space<vmem>>
      %dma_wait3A_67 = arith.constant 0 : i32
      %dma_wait3A_68 = arith.constant 0 : i32
      %dma_wait3A_69 = tpu.memref_slice %arg9[%dma_wait3A_67, %dma_wait3A_68] : memref<10112x128xf32, #tpu.memory_space<vmem_shared>> -> memref<10112x128xf32, #tpu.memory_space<vmem_shared>>
      tpu.wait_indirect_dma semaphore(%run_scoped3A : memref<!tpu.dma_semaphore, #tpu.memory_space<semaphore_mem>>) src(%dma_wait3A_66 : memref<16x128xf32, #tpu.memory_space<vmem>>) dst(%dma_wait3A_69 : memref<10112x128xf32, #tpu.memory_space<vmem_shared>>)
      tpu.yield
    }) : () -> ()
    %barrier3A_54 = arith.constant 0 : index
    tpu.barrier barrier_id(%barrier3A_54)
    %mul3A_55 = arith.constant 632 : i32
    %mul3A_56 = arith.muli %arg1, %mul3A_55 : i32
    %mul3A_57 = arith.constant 632 : i32
    %mul3A_58 = arith.muli %arg1, %mul3A_57 : i32
    "tpu.region"() ({
      %run_scoped3A = tpu.sem_alloc : memref<!tpu.dma_semaphore, #tpu.memory_space<semaphore_mem>>
      %dma_start3A_59 = arith.constant 0 : i32
      %dma_start3A_60 = tpu.memref_slice %arg4[%arg0, %mul3A_58, %dma_start3A_59] : memref<2x10112x128xf32, #tpu.memory_space<hbm>> -> memref<1x632x128xf32, #tpu.memory_space<hbm>>
      %dma_start3A_61 = tpu.memref_squeeze %dma_start3A_60 : memref<1x632x128xf32, #tpu.memory_space<hbm>> -> memref<632x128xf32, #tpu.memory_space<hbm>>
      %dma_start3A_62 = arith.constant 0 : i32
      %dma_start3A_63 = tpu.memref_slice %arg9[%mul3A_56, %dma_start3A_62] : memref<10112x128xf32, #tpu.memory_space<vmem_shared>> -> memref<632x128xf32, #tpu.memory_space<vmem_shared>>
      tpu.enqueue_dma source(%dma_start3A_63 : memref<632x128xf32, #tpu.memory_space<vmem_shared>>) target(%dma_start3A_61 : memref<632x128xf32, #tpu.memory_space<hbm>>) target_semaphore(%run_scoped3A : memref<!tpu.dma_semaphore, #tpu.memory_space<semaphore_mem>>)
      %dma_wait3A = arith.constant 0 : i32
      %dma_wait3A_64 = tpu.memref_slice %arg4[%arg0, %mul3A_58, %dma_wait3A] : memref<2x10112x128xf32, #tpu.memory_space<hbm>> -> memref<1x632x128xf32, #tpu.memory_space<hbm>>
      %dma_wait3A_65 = tpu.memref_squeeze %dma_wait3A_64 : memref<1x632x128xf32, #tpu.memory_space<hbm>> -> memref<632x128xf32, #tpu.memory_space<hbm>>
      %dma_wait3A_66 = arith.constant 0 : i32
      %dma_wait3A_67 = tpu.memref_slice %arg9[%mul3A_56, %dma_wait3A_66] : memref<10112x128xf32, #tpu.memory_space<vmem_shared>> -> memref<632x128xf32, #tpu.memory_space<vmem_shared>>
      tpu.wait_dma2 semaphore(%run_scoped3A : memref<!tpu.dma_semaphore, #tpu.memory_space<semaphore_mem>>) src(%dma_wait3A_67 : memref<632x128xf32, #tpu.memory_space<vmem_shared>>) dst(%dma_wait3A_65 : memref<632x128xf32, #tpu.memory_space<hbm>>)
      tpu.yield
    }) : () -> ()
    return
  }
}

#map = affine_map<(d0, d1) -> (0, 0)>
#map1 = affine_map<(d0, d1) -> (0)>
module attributes {stable_mosaic.version = 14 : i64} {
  func.func @gather_k(%arg0: i32, %arg1: i32, %arg2: memref<10000x128xi32, #tpu.memory_space<hbm>>, %arg3: memref<10000x128xi32, #tpu.memory_space<hbm>>, %arg4: memref<320000xi32, #tpu.memory_space<hbm>>, %arg5: memref<320000xi32, #tpu.memory_space<hbm>>, %arg6: memref<320000x128xi32, #tpu.memory_space<hbm>>, %arg7: memref<10000xi32, #tpu.memory_space<vmem>>, %arg8: memref<10000xi32, #tpu.memory_space<vmem>>, %arg9: memref<128x128xi32, #tpu.memory_space<vmem>>, %arg10: memref<128x128xi32, #tpu.memory_space<vmem>>, %arg11: memref<128x128xi32, #tpu.memory_space<vmem>>, %arg12: memref<128x128xi32, #tpu.memory_space<vmem>>, %arg13: memref<!tpu.dma_semaphore, #tpu.memory_space<semaphore_mem>>, %arg14: memref<!tpu.dma_semaphore, #tpu.memory_space<semaphore_mem>>, %arg15: memref<!tpu.dma_semaphore, #tpu.memory_space<semaphore_mem>>, %arg16: memref<!tpu.dma_semaphore, #tpu.memory_space<semaphore_mem>>) attributes {dimension_semantics = [#tpu.dimension_semantics<core_parallel>, #tpu.dimension_semantics<subcore_parallel>], iteration_bounds = array<i64: 2, 16>, scalar_prefetch = 0 : i64, scratch_operands = 10 : i64, tpu.core_type = #tpu.core_type<sc_vector_subcore>, window_params = [{transform_indices = #map}, {transform_indices = #map}, {transform_indices = #map1}, {transform_indices = #map1}, {transform_indices = #map}]} {
    %mul3A = arith.constant 2 : i32
    %mul3A_0 = arith.muli %arg1, %mul3A : i32
    %add3A = arith.addi %mul3A_0, %arg0 : i32
    %mul3A_1 = arith.constant 10000 : i32
    %mul3A_2 = arith.muli %add3A, %mul3A_1 : i32
    "tpu.region"() ({
      %run_scoped3A = tpu.sem_alloc : memref<!tpu.dma_semaphore, #tpu.memory_space<semaphore_mem>>
      %dma_start3A_58 = tpu.memref_slice %arg4[%mul3A_2] : memref<320000xi32, #tpu.memory_space<hbm>> -> memref<10000xi32, #tpu.memory_space<hbm>>
      %dma_start3A_59 = tpu.memref_slice %arg4[%mul3A_2] : memref<320000xi32, #tpu.memory_space<hbm>> -> memref<10000xi32, #tpu.memory_space<hbm>>
      tpu.enqueue_dma source(%dma_start3A_59 : memref<10000xi32, #tpu.memory_space<hbm>>) target(%arg7 : memref<10000xi32, #tpu.memory_space<vmem>>) target_semaphore(%run_scoped3A : memref<!tpu.dma_semaphore, #tpu.memory_space<semaphore_mem>>)
      %dma_wait3A_60 = tpu.memref_slice %arg4[%mul3A_2] : memref<320000xi32, #tpu.memory_space<hbm>> -> memref<10000xi32, #tpu.memory_space<hbm>>
      %dma_wait3A_61 = tpu.memref_slice %arg4[%mul3A_2] : memref<320000xi32, #tpu.memory_space<hbm>> -> memref<10000xi32, #tpu.memory_space<hbm>>
      tpu.wait_dma2 semaphore(%run_scoped3A : memref<!tpu.dma_semaphore, #tpu.memory_space<semaphore_mem>>) src(%dma_wait3A_61 : memref<10000xi32, #tpu.memory_space<hbm>>) dst(%arg7 : memref<10000xi32, #tpu.memory_space<vmem>>)
      tpu.yield
    }) : () -> ()
    "tpu.region"() ({
      %run_scoped3A = tpu.sem_alloc : memref<!tpu.dma_semaphore, #tpu.memory_space<semaphore_mem>>
      %dma_start3A_58 = tpu.memref_slice %arg5[%mul3A_2] : memref<320000xi32, #tpu.memory_space<hbm>> -> memref<10000xi32, #tpu.memory_space<hbm>>
      %dma_start3A_59 = tpu.memref_slice %arg5[%mul3A_2] : memref<320000xi32, #tpu.memory_space<hbm>> -> memref<10000xi32, #tpu.memory_space<hbm>>
      tpu.enqueue_dma source(%dma_start3A_59 : memref<10000xi32, #tpu.memory_space<hbm>>) target(%arg8 : memref<10000xi32, #tpu.memory_space<vmem>>) target_semaphore(%run_scoped3A : memref<!tpu.dma_semaphore, #tpu.memory_space<semaphore_mem>>)
      %dma_wait3A_60 = tpu.memref_slice %arg5[%mul3A_2] : memref<320000xi32, #tpu.memory_space<hbm>> -> memref<10000xi32, #tpu.memory_space<hbm>>
      %dma_wait3A_61 = tpu.memref_slice %arg5[%mul3A_2] : memref<320000xi32, #tpu.memory_space<hbm>> -> memref<10000xi32, #tpu.memory_space<hbm>>
      tpu.wait_dma2 semaphore(%run_scoped3A : memref<!tpu.dma_semaphore, #tpu.memory_space<semaphore_mem>>) src(%dma_wait3A_61 : memref<10000xi32, #tpu.memory_space<hbm>>) dst(%arg8 : memref<10000xi32, #tpu.memory_space<vmem>>)
      tpu.yield
    }) : () -> ()
    %dma_start3A = arith.constant 0 : i32
    %dma_start3A_3 = tpu.memref_slice %arg7[%dma_start3A] : memref<10000xi32, #tpu.memory_space<vmem>> -> memref<128xi32, #tpu.memory_space<vmem>>
    %dma_start3A_4 = arith.constant 0 : i32
    %dma_start3A_5 = arith.constant 0 : i32
    %dma_start3A_6 = tpu.memref_slice %arg2[%dma_start3A_4, %dma_start3A_5] : memref<10000x128xi32, #tpu.memory_space<hbm>> -> memref<10000x128xi32, #tpu.memory_space<hbm>>
    tpu.enqueue_indirect_dma source(%dma_start3A_6 : memref<10000x128xi32, #tpu.memory_space<hbm>>) target(%arg9 : memref<128x128xi32, #tpu.memory_space<vmem>>) offsets(%dma_start3A_3 : memref<128xi32, #tpu.memory_space<vmem>>) semaphore(%arg13 : memref<!tpu.dma_semaphore, #tpu.memory_space<semaphore_mem>>)
    %dma_start3A_7 = arith.constant 0 : i32
    %dma_start3A_8 = tpu.memref_slice %arg8[%dma_start3A_7] : memref<10000xi32, #tpu.memory_space<vmem>> -> memref<128xi32, #tpu.memory_space<vmem>>
    %dma_start3A_9 = arith.constant 0 : i32
    %dma_start3A_10 = arith.constant 0 : i32
    %dma_start3A_11 = tpu.memref_slice %arg3[%dma_start3A_9, %dma_start3A_10] : memref<10000x128xi32, #tpu.memory_space<hbm>> -> memref<10000x128xi32, #tpu.memory_space<hbm>>
    tpu.enqueue_indirect_dma source(%dma_start3A_11 : memref<10000x128xi32, #tpu.memory_space<hbm>>) target(%arg10 : memref<128x128xi32, #tpu.memory_space<vmem>>) offsets(%dma_start3A_8 : memref<128xi32, #tpu.memory_space<vmem>>) semaphore(%arg14 : memref<!tpu.dma_semaphore, #tpu.memory_space<semaphore_mem>>)
    %dma_start3A_12 = arith.constant 128 : i32
    %dma_start3A_13 = tpu.memref_slice %arg7[%dma_start3A_12] : memref<10000xi32, #tpu.memory_space<vmem>> -> memref<128xi32, #tpu.memory_space<vmem>>
    %dma_start3A_14 = arith.constant 0 : i32
    %dma_start3A_15 = arith.constant 0 : i32
    %dma_start3A_16 = tpu.memref_slice %arg2[%dma_start3A_14, %dma_start3A_15] : memref<10000x128xi32, #tpu.memory_space<hbm>> -> memref<10000x128xi32, #tpu.memory_space<hbm>>
    tpu.enqueue_indirect_dma source(%dma_start3A_16 : memref<10000x128xi32, #tpu.memory_space<hbm>>) target(%arg11 : memref<128x128xi32, #tpu.memory_space<vmem>>) offsets(%dma_start3A_13 : memref<128xi32, #tpu.memory_space<vmem>>) semaphore(%arg15 : memref<!tpu.dma_semaphore, #tpu.memory_space<semaphore_mem>>)
    %dma_start3A_17 = arith.constant 128 : i32
    %dma_start3A_18 = tpu.memref_slice %arg8[%dma_start3A_17] : memref<10000xi32, #tpu.memory_space<vmem>> -> memref<128xi32, #tpu.memory_space<vmem>>
    %dma_start3A_19 = arith.constant 0 : i32
    %dma_start3A_20 = arith.constant 0 : i32
    %dma_start3A_21 = tpu.memref_slice %arg3[%dma_start3A_19, %dma_start3A_20] : memref<10000x128xi32, #tpu.memory_space<hbm>> -> memref<10000x128xi32, #tpu.memory_space<hbm>>
    tpu.enqueue_indirect_dma source(%dma_start3A_21 : memref<10000x128xi32, #tpu.memory_space<hbm>>) target(%arg12 : memref<128x128xi32, #tpu.memory_space<vmem>>) offsets(%dma_start3A_18 : memref<128xi32, #tpu.memory_space<vmem>>) semaphore(%arg16 : memref<!tpu.dma_semaphore, #tpu.memory_space<semaphore_mem>>)
    %scan3A = arith.constant 0 : i32
    %scan3A_22 = arith.constant 0 : i32
    %scan3A_23 = arith.constant 39 : i32
    %scan3A_24 = arith.addi %scan3A_22, %scan3A_23 : i32
    %scan3A_25 = arith.constant 1 : i32
    %scan3A_26 = scf.for %scan3A_58 = %scan3A_22 to %scan3A_24 step %scan3A_25 iter_args(%scan3A_59 = %scan3A) -> (i32)  : i32 {
      %mul3A_60 = arith.constant 2 : i32
      %mul3A_61 = arith.muli %scan3A_58, %mul3A_60 : i32
      %add3A_62 = arith.constant 0 : i32
      %add3A_63 = arith.addi %mul3A_61, %add3A_62 : i32
      %dma_wait3A_64 = arith.constant 0 : i32
      %dma_wait3A_65 = arith.constant 0 : i32
      %dma_wait3A_66 = tpu.memref_slice %arg2[%dma_wait3A_64, %dma_wait3A_65] : memref<10000x128xi32, #tpu.memory_space<hbm>> -> memref<128x128xi32, #tpu.memory_space<hbm>>
      %dma_wait3A_67 = arith.constant 0 : i32
      %dma_wait3A_68 = arith.constant 0 : i32
      %dma_wait3A_69 = tpu.memref_slice %arg2[%dma_wait3A_67, %dma_wait3A_68] : memref<10000x128xi32, #tpu.memory_space<hbm>> -> memref<128x128xi32, #tpu.memory_space<hbm>>
      tpu.wait_dma2 semaphore(%arg13 : memref<!tpu.dma_semaphore, #tpu.memory_space<semaphore_mem>>) src(%dma_wait3A_69 : memref<128x128xi32, #tpu.memory_space<hbm>>) dst(%arg9 : memref<128x128xi32, #tpu.memory_space<vmem>>)
      %dma_wait3A_70 = arith.constant 0 : i32
      %dma_wait3A_71 = arith.constant 0 : i32
      %dma_wait3A_72 = tpu.memref_slice %arg3[%dma_wait3A_70, %dma_wait3A_71] : memref<10000x128xi32, #tpu.memory_space<hbm>> -> memref<128x128xi32, #tpu.memory_space<hbm>>
      %dma_wait3A_73 = arith.constant 0 : i32
      %dma_wait3A_74 = arith.constant 0 : i32
      %dma_wait3A_75 = tpu.memref_slice %arg3[%dma_wait3A_73, %dma_wait3A_74] : memref<10000x128xi32, #tpu.memory_space<hbm>> -> memref<128x128xi32, #tpu.memory_space<hbm>>
      tpu.wait_dma2 semaphore(%arg14 : memref<!tpu.dma_semaphore, #tpu.memory_space<semaphore_mem>>) src(%dma_wait3A_75 : memref<128x128xi32, #tpu.memory_space<hbm>>) dst(%arg10 : memref<128x128xi32, #tpu.memory_space<vmem>>)
      %scan3A_76 = arith.constant 0 : i32
      %scan3A_77 = arith.constant 0 : i32
      %scan3A_78 = arith.constant 128 : i32
      %scan3A_79 = arith.addi %scan3A_77, %scan3A_78 : i32
      %scan3A_80 = arith.constant 1 : i32
      %scan3A_81 = scf.for %scan3A_124 = %scan3A_77 to %scan3A_79 step %scan3A_80 iter_args(%scan3A_125 = %scan3A_76) -> (i32)  : i32 {
        %get3A = arith.index_cast %scan3A_124 : i32 to index
        %get3A_126 = arith.constant 0 : index
        %get3A_127 = tpu.vector_load %arg9[%get3A, %get3A_126] {strides = array<i32>} : memref<128x128xi32, #tpu.memory_space<vmem>>, vector<1x16xi32>,
        %get3A_128 = vector.shape_cast %get3A_127 : vector<1x16xi32> to vector<16xi32>
        %get3A_129 = arith.index_cast %scan3A_124 : i32 to index
        %get3A_130 = arith.constant 0 : index
        %get3A_131 = tpu.vector_load %arg10[%get3A_129, %get3A_130] {strides = array<i32>} : memref<128x128xi32, #tpu.memory_space<vmem>>, vector<1x16xi32>,
        %get3A_132 = vector.shape_cast %get3A_131 : vector<1x16xi32> to vector<16xi32>
        %and3A = arith.constant 2147450879 : i32
        %and3A_133 = vector.broadcast %and3A : i32 to vector<16xi32>
        %and3A_134 = arith.andi %get3A_128, %and3A_133 : vector<16xi32>
        %and3A_135 = arith.constant 2147450879 : i32
        %and3A_136 = vector.broadcast %and3A_135 : i32 to vector<16xi32>
        %and3A_137 = arith.andi %get3A_132, %and3A_136 : vector<16xi32>
        %add3A_138 = arith.addi %and3A_134, %and3A_137 : vector<16xi32>
        %xor3A = arith.xori %get3A_128, %get3A_132 : vector<16xi32>
        %and3A_139 = arith.constant -2147450880 : i32
        %and3A_140 = vector.broadcast %and3A_139 : i32 to vector<16xi32>
        %and3A_141 = arith.andi %xor3A, %and3A_140 : vector<16xi32>
        %xor3A_142 = arith.xori %add3A_138, %and3A_141 : vector<16xi32>
        %swap3A = arith.index_cast %scan3A_124 : i32 to index
        %swap3A_143 = arith.constant 0 : index
        %swap3A_144 = tpu.vector_load %arg9[%swap3A, %swap3A_143] {strides = array<i32>} : memref<128x128xi32, #tpu.memory_space<vmem>>, vector<1x16xi32>,
        %swap3A_145 = vector.shape_cast %swap3A_144 : vector<1x16xi32> to vector<16xi32>
        %swap3A_146 = vector.shape_cast %xor3A_142 : vector<16xi32> to vector<1x16xi32>
        tpu.vector_store %arg9[%swap3A, %swap3A_143], %swap3A_146 {strides = array<i32>} : memref<128x128xi32, #tpu.memory_space<vmem>>, vector<1x16xi32>,
        %get3A_147 = arith.index_cast %scan3A_124 : i32 to index
        %get3A_148 = arith.constant 16 : index
        %get3A_149 = tpu.vector_load %arg9[%get3A_147, %get3A_148] {strides = array<i32>} : memref<128x128xi32, #tpu.memory_space<vmem>>, vector<1x16xi32>,
        %get3A_150 = vector.shape_cast %get3A_149 : vector<1x16xi32> to vector<16xi32>
        %get3A_151 = arith.index_cast %scan3A_124 : i32 to index
        %get3A_152 = arith.constant 16 : index
        %get3A_153 = tpu.vector_load %arg10[%get3A_151, %get3A_152] {strides = array<i32>} : memref<128x128xi32, #tpu.memory_space<vmem>>, vector<1x16xi32>,
        %get3A_154 = vector.shape_cast %get3A_153 : vector<1x16xi32> to vector<16xi32>
        %and3A_155 = arith.constant 2147450879 : i32
        %and3A_156 = vector.broadcast %and3A_155 : i32 to vector<16xi32>
        %and3A_157 = arith.andi %get3A_150, %and3A_156 : vector<16xi32>
        %and3A_158 = arith.constant 2147450879 : i32
        %and3A_159 = vector.broadcast %and3A_158 : i32 to vector<16xi32>
        %and3A_160 = arith.andi %get3A_154, %and3A_159 : vector<16xi32>
        %add3A_161 = arith.addi %and3A_157, %and3A_160 : vector<16xi32>
        %xor3A_162 = arith.xori %get3A_150, %get3A_154 : vector<16xi32>
        %and3A_163 = arith.constant -2147450880 : i32
        %and3A_164 = vector.broadcast %and3A_163 : i32 to vector<16xi32>
        %and3A_165 = arith.andi %xor3A_162, %and3A_164 : vector<16xi32>
        %xor3A_166 = arith.xori %add3A_161, %and3A_165 : vector<16xi32>
        %swap3A_167 = arith.index_cast %scan3A_124 : i32 to index
        %swap3A_168 = arith.constant 16 : index
        %swap3A_169 = tpu.vector_load %arg9[%swap3A_167, %swap3A_168] {strides = array<i32>} : memref<128x128xi32, #tpu.memory_space<vmem>>, vector<1x16xi32>,
        %swap3A_170 = vector.shape_cast %swap3A_169 : vector<1x16xi32> to vector<16xi32>
        %swap3A_171 = vector.shape_cast %xor3A_166 : vector<16xi32> to vector<1x16xi32>
        tpu.vector_store %arg9[%swap3A_167, %swap3A_168], %swap3A_171 {strides = array<i32>} : memref<128x128xi32, #tpu.memory_space<vmem>>, vector<1x16xi32>,
        %get3A_172 = arith.index_cast %scan3A_124 : i32 to index
        %get3A_173 = arith.constant 32 : index
        %get3A_174 = tpu.vector_load %arg9[%get3A_172, %get3A_173] {strides = array<i32>} : memref<128x128xi32, #tpu.memory_space<vmem>>, vector<1x16xi32>,
        %get3A_175 = vector.shape_cast %get3A_174 : vector<1x16xi32> to vector<16xi32>
        %get3A_176 = arith.index_cast %scan3A_124 : i32 to index
        %get3A_177 = arith.constant 32 : index
        %get3A_178 = tpu.vector_load %arg10[%get3A_176, %get3A_177] {strides = array<i32>} : memref<128x128xi32, #tpu.memory_space<vmem>>, vector<1x16xi32>,
        %get3A_179 = vector.shape_cast %get3A_178 : vector<1x16xi32> to vector<16xi32>
        %and3A_180 = arith.constant 2147450879 : i32
        %and3A_181 = vector.broadcast %and3A_180 : i32 to vector<16xi32>
        %and3A_182 = arith.andi %get3A_175, %and3A_181 : vector<16xi32>
        %and3A_183 = arith.constant 2147450879 : i32
        %and3A_184 = vector.broadcast %and3A_183 : i32 to vector<16xi32>
        %and3A_185 = arith.andi %get3A_179, %and3A_184 : vector<16xi32>
        %add3A_186 = arith.addi %and3A_182, %and3A_185 : vector<16xi32>
        %xor3A_187 = arith.xori %get3A_175, %get3A_179 : vector<16xi32>
        %and3A_188 = arith.constant -2147450880 : i32
        %and3A_189 = vector.broadcast %and3A_188 : i32 to vector<16xi32>
        %and3A_190 = arith.andi %xor3A_187, %and3A_189 : vector<16xi32>
        %xor3A_191 = arith.xori %add3A_186, %and3A_190 : vector<16xi32>
        %swap3A_192 = arith.index_cast %scan3A_124 : i32 to index
        %swap3A_193 = arith.constant 32 : index
        %swap3A_194 = tpu.vector_load %arg9[%swap3A_192, %swap3A_193] {strides = array<i32>} : memref<128x128xi32, #tpu.memory_space<vmem>>, vector<1x16xi32>,
        %swap3A_195 = vector.shape_cast %swap3A_194 : vector<1x16xi32> to vector<16xi32>
        %swap3A_196 = vector.shape_cast %xor3A_191 : vector<16xi32> to vector<1x16xi32>
        tpu.vector_store %arg9[%swap3A_192, %swap3A_193], %swap3A_196 {strides = array<i32>} : memref<128x128xi32, #tpu.memory_space<vmem>>, vector<1x16xi32>,
        %get3A_197 = arith.index_cast %scan3A_124 : i32 to index
        %get3A_198 = arith.constant 48 : index
        %get3A_199 = tpu.vector_load %arg9[%get3A_197, %get3A_198] {strides = array<i32>} : memref<128x128xi32, #tpu.memory_space<vmem>>, vector<1x16xi32>,
        %get3A_200 = vector.shape_cast %get3A_199 : vector<1x16xi32> to vector<16xi32>
        %get3A_201 = arith.index_cast %scan3A_124 : i32 to index
        %get3A_202 = arith.constant 48 : index
        %get3A_203 = tpu.vector_load %arg10[%get3A_201, %get3A_202] {strides = array<i32>} : memref<128x128xi32, #tpu.memory_space<vmem>>, vector<1x16xi32>,
        %get3A_204 = vector.shape_cast %get3A_203 : vector<1x16xi32> to vector<16xi32>
        %and3A_205 = arith.constant 2147450879 : i32
        %and3A_206 = vector.broadcast %and3A_205 : i32 to vector<16xi32>
        %and3A_207 = arith.andi %get3A_200, %and3A_206 : vector<16xi32>
        %and3A_208 = arith.constant 2147450879 : i32
        %and3A_209 = vector.broadcast %and3A_208 : i32 to vector<16xi32>
        %and3A_210 = arith.andi %get3A_204, %and3A_209 : vector<16xi32>
        %add3A_211 = arith.addi %and3A_207, %and3A_210 : vector<16xi32>
        %xor3A_212 = arith.xori %get3A_200, %get3A_204 : vector<16xi32>
        %and3A_213 = arith.constant -2147450880 : i32
        %and3A_214 = vector.broadcast %and3A_213 : i32 to vector<16xi32>
        %and3A_215 = arith.andi %xor3A_212, %and3A_214 : vector<16xi32>
        %xor3A_216 = arith.xori %add3A_211, %and3A_215 : vector<16xi32>
        %swap3A_217 = arith.index_cast %scan3A_124 : i32 to index
        %swap3A_218 = arith.constant 48 : index
        %swap3A_219 = tpu.vector_load %arg9[%swap3A_217, %swap3A_218] {strides = array<i32>} : memref<128x128xi32, #tpu.memory_space<vmem>>, vector<1x16xi32>,
        %swap3A_220 = vector.shape_cast %swap3A_219 : vector<1x16xi32> to vector<16xi32>
        %swap3A_221 = vector.shape_cast %xor3A_216 : vector<16xi32> to vector<1x16xi32>
        tpu.vector_store %arg9[%swap3A_217, %swap3A_218], %swap3A_221 {strides = array<i32>} : memref<128x128xi32, #tpu.memory_space<vmem>>, vector<1x16xi32>,
        %get3A_222 = arith.index_cast %scan3A_124 : i32 to index
        %get3A_223 = arith.constant 64 : index
        %get3A_224 = tpu.vector_load %arg9[%get3A_222, %get3A_223] {strides = array<i32>} : memref<128x128xi32, #tpu.memory_space<vmem>>, vector<1x16xi32>,
        %get3A_225 = vector.shape_cast %get3A_224 : vector<1x16xi32> to vector<16xi32>
        %get3A_226 = arith.index_cast %scan3A_124 : i32 to index
        %get3A_227 = arith.constant 64 : index
        %get3A_228 = tpu.vector_load %arg10[%get3A_226, %get3A_227] {strides = array<i32>} : memref<128x128xi32, #tpu.memory_space<vmem>>, vector<1x16xi32>,
        %get3A_229 = vector.shape_cast %get3A_228 : vector<1x16xi32> to vector<16xi32>
        %and3A_230 = arith.constant 2147450879 : i32
        %and3A_231 = vector.broadcast %and3A_230 : i32 to vector<16xi32>
        %and3A_232 = arith.andi %get3A_225, %and3A_231 : vector<16xi32>
        %and3A_233 = arith.constant 2147450879 : i32
        %and3A_234 = vector.broadcast %and3A_233 : i32 to vector<16xi32>
        %and3A_235 = arith.andi %get3A_229, %and3A_234 : vector<16xi32>
        %add3A_236 = arith.addi %and3A_232, %and3A_235 : vector<16xi32>
        %xor3A_237 = arith.xori %get3A_225, %get3A_229 : vector<16xi32>
        %and3A_238 = arith.constant -2147450880 : i32
        %and3A_239 = vector.broadcast %and3A_238 : i32 to vector<16xi32>
        %and3A_240 = arith.andi %xor3A_237, %and3A_239 : vector<16xi32>
        %xor3A_241 = arith.xori %add3A_236, %and3A_240 : vector<16xi32>
        %swap3A_242 = arith.index_cast %scan3A_124 : i32 to index
        %swap3A_243 = arith.constant 64 : index
        %swap3A_244 = tpu.vector_load %arg9[%swap3A_242, %swap3A_243] {strides = array<i32>} : memref<128x128xi32, #tpu.memory_space<vmem>>, vector<1x16xi32>,
        %swap3A_245 = vector.shape_cast %swap3A_244 : vector<1x16xi32> to vector<16xi32>
        %swap3A_246 = vector.shape_cast %xor3A_241 : vector<16xi32> to vector<1x16xi32>
        tpu.vector_store %arg9[%swap3A_242, %swap3A_243], %swap3A_246 {strides = array<i32>} : memref<128x128xi32, #tpu.memory_space<vmem>>, vector<1x16xi32>,
        %get3A_247 = arith.index_cast %scan3A_124 : i32 to index
        %get3A_248 = arith.constant 80 : index
        %get3A_249 = tpu.vector_load %arg9[%get3A_247, %get3A_248] {strides = array<i32>} : memref<128x128xi32, #tpu.memory_space<vmem>>, vector<1x16xi32>,
        %get3A_250 = vector.shape_cast %get3A_249 : vector<1x16xi32> to vector<16xi32>
        %get3A_251 = arith.index_cast %scan3A_124 : i32 to index
        %get3A_252 = arith.constant 80 : index
        %get3A_253 = tpu.vector_load %arg10[%get3A_251, %get3A_252] {strides = array<i32>} : memref<128x128xi32, #tpu.memory_space<vmem>>, vector<1x16xi32>,
        %get3A_254 = vector.shape_cast %get3A_253 : vector<1x16xi32> to vector<16xi32>
        %and3A_255 = arith.constant 2147450879 : i32
        %and3A_256 = vector.broadcast %and3A_255 : i32 to vector<16xi32>
        %and3A_257 = arith.andi %get3A_250, %and3A_256 : vector<16xi32>
        %and3A_258 = arith.constant 2147450879 : i32
        %and3A_259 = vector.broadcast %and3A_258 : i32 to vector<16xi32>
        %and3A_260 = arith.andi %get3A_254, %and3A_259 : vector<16xi32>
        %add3A_261 = arith.addi %and3A_257, %and3A_260 : vector<16xi32>
        %xor3A_262 = arith.xori %get3A_250, %get3A_254 : vector<16xi32>
        %and3A_263 = arith.constant -2147450880 : i32
        %and3A_264 = vector.broadcast %and3A_263 : i32 to vector<16xi32>
        %and3A_265 = arith.andi %xor3A_262, %and3A_264 : vector<16xi32>
        %xor3A_266 = arith.xori %add3A_261, %and3A_265 : vector<16xi32>
        %swap3A_267 = arith.index_cast %scan3A_124 : i32 to index
        %swap3A_268 = arith.constant 80 : index
        %swap3A_269 = tpu.vector_load %arg9[%swap3A_267, %swap3A_268] {strides = array<i32>} : memref<128x128xi32, #tpu.memory_space<vmem>>, vector<1x16xi32>,
        %swap3A_270 = vector.shape_cast %swap3A_269 : vector<1x16xi32> to vector<16xi32>
        %swap3A_271 = vector.shape_cast %xor3A_266 : vector<16xi32> to vector<1x16xi32>
        tpu.vector_store %arg9[%swap3A_267, %swap3A_268], %swap3A_271 {strides = array<i32>} : memref<128x128xi32, #tpu.memory_space<vmem>>, vector<1x16xi32>,
        %get3A_272 = arith.index_cast %scan3A_124 : i32 to index
        %get3A_273 = arith.constant 96 : index
        %get3A_274 = tpu.vector_load %arg9[%get3A_272, %get3A_273] {strides = array<i32>} : memref<128x128xi32, #tpu.memory_space<vmem>>, vector<1x16xi32>,
        %get3A_275 = vector.shape_cast %get3A_274 : vector<1x16xi32> to vector<16xi32>
        %get3A_276 = arith.index_cast %scan3A_124 : i32 to index
        %get3A_277 = arith.constant 96 : index
        %get3A_278 = tpu.vector_load %arg10[%get3A_276, %get3A_277] {strides = array<i32>} : memref<128x128xi32, #tpu.memory_space<vmem>>, vector<1x16xi32>,
        %get3A_279 = vector.shape_cast %get3A_278 : vector<1x16xi32> to vector<16xi32>
        %and3A_280 = arith.constant 2147450879 : i32
        %and3A_281 = vector.broadcast %and3A_280 : i32 to vector<16xi32>
        %and3A_282 = arith.andi %get3A_275, %and3A_281 : vector<16xi32>
        %and3A_283 = arith.constant 2147450879 : i32
        %and3A_284 = vector.broadcast %and3A_283 : i32 to vector<16xi32>
        %and3A_285 = arith.andi %get3A_279, %and3A_284 : vector<16xi32>
        %add3A_286 = arith.addi %and3A_282, %and3A_285 : vector<16xi32>
        %xor3A_287 = arith.xori %get3A_275, %get3A_279 : vector<16xi32>
        %and3A_288 = arith.constant -2147450880 : i32
        %and3A_289 = vector.broadcast %and3A_288 : i32 to vector<16xi32>
        %and3A_290 = arith.andi %xor3A_287, %and3A_289 : vector<16xi32>
        %xor3A_291 = arith.xori %add3A_286, %and3A_290 : vector<16xi32>
        %swap3A_292 = arith.index_cast %scan3A_124 : i32 to index
        %swap3A_293 = arith.constant 96 : index
        %swap3A_294 = tpu.vector_load %arg9[%swap3A_292, %swap3A_293] {strides = array<i32>} : memref<128x128xi32, #tpu.memory_space<vmem>>, vector<1x16xi32>,
        %swap3A_295 = vector.shape_cast %swap3A_294 : vector<1x16xi32> to vector<16xi32>
        %swap3A_296 = vector.shape_cast %xor3A_291 : vector<16xi32> to vector<1x16xi32>
        tpu.vector_store %arg9[%swap3A_292, %swap3A_293], %swap3A_296 {strides = array<i32>} : memref<128x128xi32, #tpu.memory_space<vmem>>, vector<1x16xi32>,
        %get3A_297 = arith.index_cast %scan3A_124 : i32 to index
        %get3A_298 = arith.constant 112 : index
        %get3A_299 = tpu.vector_load %arg9[%get3A_297, %get3A_298] {strides = array<i32>} : memref<128x128xi32, #tpu.memory_space<vmem>>, vector<1x16xi32>,
        %get3A_300 = vector.shape_cast %get3A_299 : vector<1x16xi32> to vector<16xi32>
        %get3A_301 = arith.index_cast %scan3A_124 : i32 to index
        %get3A_302 = arith.constant 112 : index
        %get3A_303 = tpu.vector_load %arg10[%get3A_301, %get3A_302] {strides = array<i32>} : memref<128x128xi32, #tpu.memory_space<vmem>>, vector<1x16xi32>,
        %get3A_304 = vector.shape_cast %get3A_303 : vector<1x16xi32> to vector<16xi32>
        %and3A_305 = arith.constant 2147450879 : i32
        %and3A_306 = vector.broadcast %and3A_305 : i32 to vector<16xi32>
        %and3A_307 = arith.andi %get3A_300, %and3A_306 : vector<16xi32>
        %and3A_308 = arith.constant 2147450879 : i32
        %and3A_309 = vector.broadcast %and3A_308 : i32 to vector<16xi32>
        %and3A_310 = arith.andi %get3A_304, %and3A_309 : vector<16xi32>
        %add3A_311 = arith.addi %and3A_307, %and3A_310 : vector<16xi32>
        %xor3A_312 = arith.xori %get3A_300, %get3A_304 : vector<16xi32>
        %and3A_313 = arith.constant -2147450880 : i32
        %and3A_314 = vector.broadcast %and3A_313 : i32 to vector<16xi32>
        %and3A_315 = arith.andi %xor3A_312, %and3A_314 : vector<16xi32>
        %xor3A_316 = arith.xori %add3A_311, %and3A_315 : vector<16xi32>
        %swap3A_317 = arith.index_cast %scan3A_124 : i32 to index
        %swap3A_318 = arith.constant 112 : index
        %swap3A_319 = tpu.vector_load %arg9[%swap3A_317, %swap3A_318] {strides = array<i32>} : memref<128x128xi32, #tpu.memory_space<vmem>>, vector<1x16xi32>,
        %swap3A_320 = vector.shape_cast %swap3A_319 : vector<1x16xi32> to vector<16xi32>
        %swap3A_321 = vector.shape_cast %xor3A_316 : vector<16xi32> to vector<1x16xi32>
        tpu.vector_store %arg9[%swap3A_317, %swap3A_318], %swap3A_321 {strides = array<i32>} : memref<128x128xi32, #tpu.memory_space<vmem>>, vector<1x16xi32>,
        %scan3A_322 = arith.constant 0 : i32
        scf.yield %scan3A_322 : i32
      }
      %scan3A_82 = arith.constant 128 : i32
      %mul3A_83 = arith.constant 128 : i32
      %mul3A_84 = arith.muli %add3A_63, %mul3A_83 : i32
      %add3A_85 = arith.addi %mul3A_2, %mul3A_84 : i32
      "tpu.region"() ({
        %run_scoped3A = tpu.sem_alloc : memref<!tpu.dma_semaphore, #tpu.memory_space<semaphore_mem>>
        %dma_start3A_124 = arith.constant 0 : i32
        %dma_start3A_125 = tpu.memref_slice %arg6[%add3A_85, %dma_start3A_124] : memref<320000x128xi32, #tpu.memory_space<hbm>> -> memref<128x128xi32, #tpu.memory_space<hbm>>
        %dma_start3A_126 = arith.constant 0 : i32
        %dma_start3A_127 = tpu.memref_slice %arg6[%add3A_85, %dma_start3A_126] : memref<320000x128xi32, #tpu.memory_space<hbm>> -> memref<128x128xi32, #tpu.memory_space<hbm>>
        tpu.enqueue_dma source(%arg9 : memref<128x128xi32, #tpu.memory_space<vmem>>) target(%dma_start3A_127 : memref<128x128xi32, #tpu.memory_space<hbm>>) target_semaphore(%run_scoped3A : memref<!tpu.dma_semaphore, #tpu.memory_space<semaphore_mem>>)
        %dma_wait3A_128 = arith.constant 0 : i32
        %dma_wait3A_129 = tpu.memref_slice %arg6[%add3A_85, %dma_wait3A_128] : memref<320000x128xi32, #tpu.memory_space<hbm>> -> memref<128x128xi32, #tpu.memory_space<hbm>>
        %dma_wait3A_130 = arith.constant 0 : i32
        %dma_wait3A_131 = tpu.memref_slice %arg6[%add3A_85, %dma_wait3A_130] : memref<320000x128xi32, #tpu.memory_space<hbm>> -> memref<128x128xi32, #tpu.memory_space<hbm>>
        tpu.wait_dma2 semaphore(%run_scoped3A : memref<!tpu.dma_semaphore, #tpu.memory_space<semaphore_mem>>) src(%arg9 : memref<128x128xi32, #tpu.memory_space<vmem>>) dst(%dma_wait3A_131 : memref<128x128xi32, #tpu.memory_space<hbm>>)
        tpu.yield
      }) : () -> ()
      %add3A_86 = arith.constant 2 : i32
      %add3A_87 = arith.addi %add3A_63, %add3A_86 : i32
      %lt3A = arith.constant 78 : i32
      %lt3A_88 = arith.cmpi slt, %add3A_87, %lt3A : i32
      %convert_element_type3A = arith.extui %lt3A_88 : i1 to i32
      %cond3A = arith.constant 0 : i32
      %cond3A_89 = arith.cmpi ne, %convert_element_type3A, %cond3A : i32
      scf.if %cond3A_89 {
        %add3A_124 = arith.constant 2 : i32
        %add3A_125 = arith.addi %add3A_63, %add3A_124 : i32
        %mul3A_126 = arith.constant 128 : i32
        %mul3A_127 = arith.muli %add3A_125, %mul3A_126 : i32
        %dma_start3A_128 = tpu.memref_slice %arg7[%mul3A_127] : memref<10000xi32, #tpu.memory_space<vmem>> -> memref<128xi32, #tpu.memory_space<vmem>>
        %dma_start3A_129 = arith.constant 0 : i32
        %dma_start3A_130 = arith.constant 0 : i32
        %dma_start3A_131 = tpu.memref_slice %arg2[%dma_start3A_129, %dma_start3A_130] : memref<10000x128xi32, #tpu.memory_space<hbm>> -> memref<10000x128xi32, #tpu.memory_space<hbm>>
        tpu.enqueue_indirect_dma source(%dma_start3A_131 : memref<10000x128xi32, #tpu.memory_space<hbm>>) target(%arg9 : memref<128x128xi32, #tpu.memory_space<vmem>>) offsets(%dma_start3A_128 : memref<128xi32, #tpu.memory_space<vmem>>) semaphore(%arg13 : memref<!tpu.dma_semaphore, #tpu.memory_space<semaphore_mem>>)
        %mul3A_132 = arith.constant 128 : i32
        %mul3A_133 = arith.muli %add3A_125, %mul3A_132 : i32
        %dma_start3A_134 = tpu.memref_slice %arg8[%mul3A_133] : memref<10000xi32, #tpu.memory_space<vmem>> -> memref<128xi32, #tpu.memory_space<vmem>>
        %dma_start3A_135 = arith.constant 0 : i32
        %dma_start3A_136 = arith.constant 0 : i32
        %dma_start3A_137 = tpu.memref_slice %arg3[%dma_start3A_135, %dma_start3A_136] : memref<10000x128xi32, #tpu.memory_space<hbm>> -> memref<10000x128xi32, #tpu.memory_space<hbm>>
        tpu.enqueue_indirect_dma source(%dma_start3A_137 : memref<10000x128xi32, #tpu.memory_space<hbm>>) target(%arg10 : memref<128x128xi32, #tpu.memory_space<vmem>>) offsets(%dma_start3A_134 : memref<128xi32, #tpu.memory_space<vmem>>) semaphore(%arg14 : memref<!tpu.dma_semaphore, #tpu.memory_space<semaphore_mem>>)
      } else {
      }
      %mul3A_90 = arith.constant 2 : i32
      %mul3A_91 = arith.muli %scan3A_58, %mul3A_90 : i32
      %add3A_92 = arith.constant 1 : i32
      %add3A_93 = arith.addi %mul3A_91, %add3A_92 : i32
      %dma_wait3A_94 = arith.constant 0 : i32
      %dma_wait3A_95 = arith.constant 0 : i32
      %dma_wait3A_96 = tpu.memref_slice %arg2[%dma_wait3A_94, %dma_wait3A_95] : memref<10000x128xi32, #tpu.memory_space<hbm>> -> memref<128x128xi32, #tpu.memory_space<hbm>>
      %dma_wait3A_97 = arith.constant 0 : i32
      %dma_wait3A_98 = arith.constant 0 : i32
      %dma_wait3A_99 = tpu.memref_slice %arg2[%dma_wait3A_97, %dma_wait3A_98] : memref<10000x128xi32, #tpu.memory_space<hbm>> -> memref<128x128xi32, #tpu.memory_space<hbm>>
      tpu.wait_dma2 semaphore(%arg15 : memref<!tpu.dma_semaphore, #tpu.memory_space<semaphore_mem>>) src(%dma_wait3A_99 : memref<128x128xi32, #tpu.memory_space<hbm>>) dst(%arg11 : memref<128x128xi32, #tpu.memory_space<vmem>>)
      %dma_wait3A_100 = arith.constant 0 : i32
      %dma_wait3A_101 = arith.constant 0 : i32
      %dma_wait3A_102 = tpu.memref_slice %arg3[%dma_wait3A_100, %dma_wait3A_101] : memref<10000x128xi32, #tpu.memory_space<hbm>> -> memref<128x128xi32, #tpu.memory_space<hbm>>
      %dma_wait3A_103 = arith.constant 0 : i32
      %dma_wait3A_104 = arith.constant 0 : i32
      %dma_wait3A_105 = tpu.memref_slice %arg3[%dma_wait3A_103, %dma_wait3A_104] : memref<10000x128xi32, #tpu.memory_space<hbm>> -> memref<128x128xi32, #tpu.memory_space<hbm>>
      tpu.wait_dma2 semaphore(%arg16 : memref<!tpu.dma_semaphore, #tpu.memory_space<semaphore_mem>>) src(%dma_wait3A_105 : memref<128x128xi32, #tpu.memory_space<hbm>>) dst(%arg12 : memref<128x128xi32, #tpu.memory_space<vmem>>)
      %scan3A_106 = arith.constant 0 : i32
      %scan3A_107 = arith.constant 0 : i32
      %scan3A_108 = arith.constant 128 : i32
      %scan3A_109 = arith.addi %scan3A_107, %scan3A_108 : i32
      %scan3A_110 = arith.constant 1 : i32
      %scan3A_111 = scf.for %scan3A_124 = %scan3A_107 to %scan3A_109 step %scan3A_110 iter_args(%scan3A_125 = %scan3A_106) -> (i32)  : i32 {
        %get3A = arith.index_cast %scan3A_124 : i32 to index
        %get3A_126 = arith.constant 0 : index
        %get3A_127 = tpu.vector_load %arg11[%get3A, %get3A_126] {strides = array<i32>} : memref<128x128xi32, #tpu.memory_space<vmem>>, vector<1x16xi32>,
        %get3A_128 = vector.shape_cast %get3A_127 : vector<1x16xi32> to vector<16xi32>
        %get3A_129 = arith.index_cast %scan3A_124 : i32 to index
        %get3A_130 = arith.constant 0 : index
        %get3A_131 = tpu.vector_load %arg12[%get3A_129, %get3A_130] {strides = array<i32>} : memref<128x128xi32, #tpu.memory_space<vmem>>, vector<1x16xi32>,
        %get3A_132 = vector.shape_cast %get3A_131 : vector<1x16xi32> to vector<16xi32>
        %and3A = arith.constant 2147450879 : i32
        %and3A_133 = vector.broadcast %and3A : i32 to vector<16xi32>
        %and3A_134 = arith.andi %get3A_128, %and3A_133 : vector<16xi32>
        %and3A_135 = arith.constant 2147450879 : i32
        %and3A_136 = vector.broadcast %and3A_135 : i32 to vector<16xi32>
        %and3A_137 = arith.andi %get3A_132, %and3A_136 : vector<16xi32>
        %add3A_138 = arith.addi %and3A_134, %and3A_137 : vector<16xi32>
        %xor3A = arith.xori %get3A_128, %get3A_132 : vector<16xi32>
        %and3A_139 = arith.constant -2147450880 : i32
        %and3A_140 = vector.broadcast %and3A_139 : i32 to vector<16xi32>
        %and3A_141 = arith.andi %xor3A, %and3A_140 : vector<16xi32>
        %xor3A_142 = arith.xori %add3A_138, %and3A_141 : vector<16xi32>
        %swap3A = arith.index_cast %scan3A_124 : i32 to index
        %swap3A_143 = arith.constant 0 : index
        %swap3A_144 = tpu.vector_load %arg11[%swap3A, %swap3A_143] {strides = array<i32>} : memref<128x128xi32, #tpu.memory_space<vmem>>, vector<1x16xi32>,
        %swap3A_145 = vector.shape_cast %swap3A_144 : vector<1x16xi32> to vector<16xi32>
        %swap3A_146 = vector.shape_cast %xor3A_142 : vector<16xi32> to vector<1x16xi32>
        tpu.vector_store %arg11[%swap3A, %swap3A_143], %swap3A_146 {strides = array<i32>} : memref<128x128xi32, #tpu.memory_space<vmem>>, vector<1x16xi32>,
        %get3A_147 = arith.index_cast %scan3A_124 : i32 to index
        %get3A_148 = arith.constant 16 : index
        %get3A_149 = tpu.vector_load %arg11[%get3A_147, %get3A_148] {strides = array<i32>} : memref<128x128xi32, #tpu.memory_space<vmem>>, vector<1x16xi32>,
        %get3A_150 = vector.shape_cast %get3A_149 : vector<1x16xi32> to vector<16xi32>
        %get3A_151 = arith.index_cast %scan3A_124 : i32 to index
        %get3A_152 = arith.constant 16 : index
        %get3A_153 = tpu.vector_load %arg12[%get3A_151, %get3A_152] {strides = array<i32>} : memref<128x128xi32, #tpu.memory_space<vmem>>, vector<1x16xi32>,
        %get3A_154 = vector.shape_cast %get3A_153 : vector<1x16xi32> to vector<16xi32>
        %and3A_155 = arith.constant 2147450879 : i32
        %and3A_156 = vector.broadcast %and3A_155 : i32 to vector<16xi32>
        %and3A_157 = arith.andi %get3A_150, %and3A_156 : vector<16xi32>
        %and3A_158 = arith.constant 2147450879 : i32
        %and3A_159 = vector.broadcast %and3A_158 : i32 to vector<16xi32>
        %and3A_160 = arith.andi %get3A_154, %and3A_159 : vector<16xi32>
        %add3A_161 = arith.addi %and3A_157, %and3A_160 : vector<16xi32>
        %xor3A_162 = arith.xori %get3A_150, %get3A_154 : vector<16xi32>
        %and3A_163 = arith.constant -2147450880 : i32
        %and3A_164 = vector.broadcast %and3A_163 : i32 to vector<16xi32>
        %and3A_165 = arith.andi %xor3A_162, %and3A_164 : vector<16xi32>
        %xor3A_166 = arith.xori %add3A_161, %and3A_165 : vector<16xi32>
        %swap3A_167 = arith.index_cast %scan3A_124 : i32 to index
        %swap3A_168 = arith.constant 16 : index
        %swap3A_169 = tpu.vector_load %arg11[%swap3A_167, %swap3A_168] {strides = array<i32>} : memref<128x128xi32, #tpu.memory_space<vmem>>, vector<1x16xi32>,
        %swap3A_170 = vector.shape_cast %swap3A_169 : vector<1x16xi32> to vector<16xi32>
        %swap3A_171 = vector.shape_cast %xor3A_166 : vector<16xi32> to vector<1x16xi32>
        tpu.vector_store %arg11[%swap3A_167, %swap3A_168], %swap3A_171 {strides = array<i32>} : memref<128x128xi32, #tpu.memory_space<vmem>>, vector<1x16xi32>,
        %get3A_172 = arith.index_cast %scan3A_124 : i32 to index
        %get3A_173 = arith.constant 32 : index
        %get3A_174 = tpu.vector_load %arg11[%get3A_172, %get3A_173] {strides = array<i32>} : memref<128x128xi32, #tpu.memory_space<vmem>>, vector<1x16xi32>,
        %get3A_175 = vector.shape_cast %get3A_174 : vector<1x16xi32> to vector<16xi32>
        %get3A_176 = arith.index_cast %scan3A_124 : i32 to index
        %get3A_177 = arith.constant 32 : index
        %get3A_178 = tpu.vector_load %arg12[%get3A_176, %get3A_177] {strides = array<i32>} : memref<128x128xi32, #tpu.memory_space<vmem>>, vector<1x16xi32>,
        %get3A_179 = vector.shape_cast %get3A_178 : vector<1x16xi32> to vector<16xi32>
        %and3A_180 = arith.constant 2147450879 : i32
        %and3A_181 = vector.broadcast %and3A_180 : i32 to vector<16xi32>
        %and3A_182 = arith.andi %get3A_175, %and3A_181 : vector<16xi32>
        %and3A_183 = arith.constant 2147450879 : i32
        %and3A_184 = vector.broadcast %and3A_183 : i32 to vector<16xi32>
        %and3A_185 = arith.andi %get3A_179, %and3A_184 : vector<16xi32>
        %add3A_186 = arith.addi %and3A_182, %and3A_185 : vector<16xi32>
        %xor3A_187 = arith.xori %get3A_175, %get3A_179 : vector<16xi32>
        %and3A_188 = arith.constant -2147450880 : i32
        %and3A_189 = vector.broadcast %and3A_188 : i32 to vector<16xi32>
        %and3A_190 = arith.andi %xor3A_187, %and3A_189 : vector<16xi32>
        %xor3A_191 = arith.xori %add3A_186, %and3A_190 : vector<16xi32>
        %swap3A_192 = arith.index_cast %scan3A_124 : i32 to index
        %swap3A_193 = arith.constant 32 : index
        %swap3A_194 = tpu.vector_load %arg11[%swap3A_192, %swap3A_193] {strides = array<i32>} : memref<128x128xi32, #tpu.memory_space<vmem>>, vector<1x16xi32>,
        %swap3A_195 = vector.shape_cast %swap3A_194 : vector<1x16xi32> to vector<16xi32>
        %swap3A_196 = vector.shape_cast %xor3A_191 : vector<16xi32> to vector<1x16xi32>
        tpu.vector_store %arg11[%swap3A_192, %swap3A_193], %swap3A_196 {strides = array<i32>} : memref<128x128xi32, #tpu.memory_space<vmem>>, vector<1x16xi32>,
        %get3A_197 = arith.index_cast %scan3A_124 : i32 to index
        %get3A_198 = arith.constant 48 : index
        %get3A_199 = tpu.vector_load %arg11[%get3A_197, %get3A_198] {strides = array<i32>} : memref<128x128xi32, #tpu.memory_space<vmem>>, vector<1x16xi32>,
        %get3A_200 = vector.shape_cast %get3A_199 : vector<1x16xi32> to vector<16xi32>
        %get3A_201 = arith.index_cast %scan3A_124 : i32 to index
        %get3A_202 = arith.constant 48 : index
        %get3A_203 = tpu.vector_load %arg12[%get3A_201, %get3A_202] {strides = array<i32>} : memref<128x128xi32, #tpu.memory_space<vmem>>, vector<1x16xi32>,
        %get3A_204 = vector.shape_cast %get3A_203 : vector<1x16xi32> to vector<16xi32>
        %and3A_205 = arith.constant 2147450879 : i32
        %and3A_206 = vector.broadcast %and3A_205 : i32 to vector<16xi32>
        %and3A_207 = arith.andi %get3A_200, %and3A_206 : vector<16xi32>
        %and3A_208 = arith.constant 2147450879 : i32
        %and3A_209 = vector.broadcast %and3A_208 : i32 to vector<16xi32>
        %and3A_210 = arith.andi %get3A_204, %and3A_209 : vector<16xi32>
        %add3A_211 = arith.addi %and3A_207, %and3A_210 : vector<16xi32>
        %xor3A_212 = arith.xori %get3A_200, %get3A_204 : vector<16xi32>
        %and3A_213 = arith.constant -2147450880 : i32
        %and3A_214 = vector.broadcast %and3A_213 : i32 to vector<16xi32>
        %and3A_215 = arith.andi %xor3A_212, %and3A_214 : vector<16xi32>
        %xor3A_216 = arith.xori %add3A_211, %and3A_215 : vector<16xi32>
        %swap3A_217 = arith.index_cast %scan3A_124 : i32 to index
        %swap3A_218 = arith.constant 48 : index
        %swap3A_219 = tpu.vector_load %arg11[%swap3A_217, %swap3A_218] {strides = array<i32>} : memref<128x128xi32, #tpu.memory_space<vmem>>, vector<1x16xi32>,
        %swap3A_220 = vector.shape_cast %swap3A_219 : vector<1x16xi32> to vector<16xi32>
        %swap3A_221 = vector.shape_cast %xor3A_216 : vector<16xi32> to vector<1x16xi32>
        tpu.vector_store %arg11[%swap3A_217, %swap3A_218], %swap3A_221 {strides = array<i32>} : memref<128x128xi32, #tpu.memory_space<vmem>>, vector<1x16xi32>,
        %get3A_222 = arith.index_cast %scan3A_124 : i32 to index
        %get3A_223 = arith.constant 64 : index
        %get3A_224 = tpu.vector_load %arg11[%get3A_222, %get3A_223] {strides = array<i32>} : memref<128x128xi32, #tpu.memory_space<vmem>>, vector<1x16xi32>,
        %get3A_225 = vector.shape_cast %get3A_224 : vector<1x16xi32> to vector<16xi32>
        %get3A_226 = arith.index_cast %scan3A_124 : i32 to index
        %get3A_227 = arith.constant 64 : index
        %get3A_228 = tpu.vector_load %arg12[%get3A_226, %get3A_227] {strides = array<i32>} : memref<128x128xi32, #tpu.memory_space<vmem>>, vector<1x16xi32>,
        %get3A_229 = vector.shape_cast %get3A_228 : vector<1x16xi32> to vector<16xi32>
        %and3A_230 = arith.constant 2147450879 : i32
        %and3A_231 = vector.broadcast %and3A_230 : i32 to vector<16xi32>
        %and3A_232 = arith.andi %get3A_225, %and3A_231 : vector<16xi32>
        %and3A_233 = arith.constant 2147450879 : i32
        %and3A_234 = vector.broadcast %and3A_233 : i32 to vector<16xi32>
        %and3A_235 = arith.andi %get3A_229, %and3A_234 : vector<16xi32>
        %add3A_236 = arith.addi %and3A_232, %and3A_235 : vector<16xi32>
        %xor3A_237 = arith.xori %get3A_225, %get3A_229 : vector<16xi32>
        %and3A_238 = arith.constant -2147450880 : i32
        %and3A_239 = vector.broadcast %and3A_238 : i32 to vector<16xi32>
        %and3A_240 = arith.andi %xor3A_237, %and3A_239 : vector<16xi32>
        %xor3A_241 = arith.xori %add3A_236, %and3A_240 : vector<16xi32>
        %swap3A_242 = arith.index_cast %scan3A_124 : i32 to index
        %swap3A_243 = arith.constant 64 : index
        %swap3A_244 = tpu.vector_load %arg11[%swap3A_242, %swap3A_243] {strides = array<i32>} : memref<128x128xi32, #tpu.memory_space<vmem>>, vector<1x16xi32>,
        %swap3A_245 = vector.shape_cast %swap3A_244 : vector<1x16xi32> to vector<16xi32>
        %swap3A_246 = vector.shape_cast %xor3A_241 : vector<16xi32> to vector<1x16xi32>
        tpu.vector_store %arg11[%swap3A_242, %swap3A_243], %swap3A_246 {strides = array<i32>} : memref<128x128xi32, #tpu.memory_space<vmem>>, vector<1x16xi32>,
        %get3A_247 = arith.index_cast %scan3A_124 : i32 to index
        %get3A_248 = arith.constant 80 : index
        %get3A_249 = tpu.vector_load %arg11[%get3A_247, %get3A_248] {strides = array<i32>} : memref<128x128xi32, #tpu.memory_space<vmem>>, vector<1x16xi32>,
        %get3A_250 = vector.shape_cast %get3A_249 : vector<1x16xi32> to vector<16xi32>
        %get3A_251 = arith.index_cast %scan3A_124 : i32 to index
        %get3A_252 = arith.constant 80 : index
        %get3A_253 = tpu.vector_load %arg12[%get3A_251, %get3A_252] {strides = array<i32>} : memref<128x128xi32, #tpu.memory_space<vmem>>, vector<1x16xi32>,
        %get3A_254 = vector.shape_cast %get3A_253 : vector<1x16xi32> to vector<16xi32>
        %and3A_255 = arith.constant 2147450879 : i32
        %and3A_256 = vector.broadcast %and3A_255 : i32 to vector<16xi32>
        %and3A_257 = arith.andi %get3A_250, %and3A_256 : vector<16xi32>
        %and3A_258 = arith.constant 2147450879 : i32
        %and3A_259 = vector.broadcast %and3A_258 : i32 to vector<16xi32>
        %and3A_260 = arith.andi %get3A_254, %and3A_259 : vector<16xi32>
        %add3A_261 = arith.addi %and3A_257, %and3A_260 : vector<16xi32>
        %xor3A_262 = arith.xori %get3A_250, %get3A_254 : vector<16xi32>
        %and3A_263 = arith.constant -2147450880 : i32
        %and3A_264 = vector.broadcast %and3A_263 : i32 to vector<16xi32>
        %and3A_265 = arith.andi %xor3A_262, %and3A_264 : vector<16xi32>
        %xor3A_266 = arith.xori %add3A_261, %and3A_265 : vector<16xi32>
        %swap3A_267 = arith.index_cast %scan3A_124 : i32 to index
        %swap3A_268 = arith.constant 80 : index
        %swap3A_269 = tpu.vector_load %arg11[%swap3A_267, %swap3A_268] {strides = array<i32>} : memref<128x128xi32, #tpu.memory_space<vmem>>, vector<1x16xi32>,
        %swap3A_270 = vector.shape_cast %swap3A_269 : vector<1x16xi32> to vector<16xi32>
        %swap3A_271 = vector.shape_cast %xor3A_266 : vector<16xi32> to vector<1x16xi32>
        tpu.vector_store %arg11[%swap3A_267, %swap3A_268], %swap3A_271 {strides = array<i32>} : memref<128x128xi32, #tpu.memory_space<vmem>>, vector<1x16xi32>,
        %get3A_272 = arith.index_cast %scan3A_124 : i32 to index
        %get3A_273 = arith.constant 96 : index
        %get3A_274 = tpu.vector_load %arg11[%get3A_272, %get3A_273] {strides = array<i32>} : memref<128x128xi32, #tpu.memory_space<vmem>>, vector<1x16xi32>,
        %get3A_275 = vector.shape_cast %get3A_274 : vector<1x16xi32> to vector<16xi32>
        %get3A_276 = arith.index_cast %scan3A_124 : i32 to index
        %get3A_277 = arith.constant 96 : index
        %get3A_278 = tpu.vector_load %arg12[%get3A_276, %get3A_277] {strides = array<i32>} : memref<128x128xi32, #tpu.memory_space<vmem>>, vector<1x16xi32>,
        %get3A_279 = vector.shape_cast %get3A_278 : vector<1x16xi32> to vector<16xi32>
        %and3A_280 = arith.constant 2147450879 : i32
        %and3A_281 = vector.broadcast %and3A_280 : i32 to vector<16xi32>
        %and3A_282 = arith.andi %get3A_275, %and3A_281 : vector<16xi32>
        %and3A_283 = arith.constant 2147450879 : i32
        %and3A_284 = vector.broadcast %and3A_283 : i32 to vector<16xi32>
        %and3A_285 = arith.andi %get3A_279, %and3A_284 : vector<16xi32>
        %add3A_286 = arith.addi %and3A_282, %and3A_285 : vector<16xi32>
        %xor3A_287 = arith.xori %get3A_275, %get3A_279 : vector<16xi32>
        %and3A_288 = arith.constant -2147450880 : i32
        %and3A_289 = vector.broadcast %and3A_288 : i32 to vector<16xi32>
        %and3A_290 = arith.andi %xor3A_287, %and3A_289 : vector<16xi32>
        %xor3A_291 = arith.xori %add3A_286, %and3A_290 : vector<16xi32>
        %swap3A_292 = arith.index_cast %scan3A_124 : i32 to index
        %swap3A_293 = arith.constant 96 : index
        %swap3A_294 = tpu.vector_load %arg11[%swap3A_292, %swap3A_293] {strides = array<i32>} : memref<128x128xi32, #tpu.memory_space<vmem>>, vector<1x16xi32>,
        %swap3A_295 = vector.shape_cast %swap3A_294 : vector<1x16xi32> to vector<16xi32>
        %swap3A_296 = vector.shape_cast %xor3A_291 : vector<16xi32> to vector<1x16xi32>
        tpu.vector_store %arg11[%swap3A_292, %swap3A_293], %swap3A_296 {strides = array<i32>} : memref<128x128xi32, #tpu.memory_space<vmem>>, vector<1x16xi32>,
        %get3A_297 = arith.index_cast %scan3A_124 : i32 to index
        %get3A_298 = arith.constant 112 : index
        %get3A_299 = tpu.vector_load %arg11[%get3A_297, %get3A_298] {strides = array<i32>} : memref<128x128xi32, #tpu.memory_space<vmem>>, vector<1x16xi32>,
        %get3A_300 = vector.shape_cast %get3A_299 : vector<1x16xi32> to vector<16xi32>
        %get3A_301 = arith.index_cast %scan3A_124 : i32 to index
        %get3A_302 = arith.constant 112 : index
        %get3A_303 = tpu.vector_load %arg12[%get3A_301, %get3A_302] {strides = array<i32>} : memref<128x128xi32, #tpu.memory_space<vmem>>, vector<1x16xi32>,
        %get3A_304 = vector.shape_cast %get3A_303 : vector<1x16xi32> to vector<16xi32>
        %and3A_305 = arith.constant 2147450879 : i32
        %and3A_306 = vector.broadcast %and3A_305 : i32 to vector<16xi32>
        %and3A_307 = arith.andi %get3A_300, %and3A_306 : vector<16xi32>
        %and3A_308 = arith.constant 2147450879 : i32
        %and3A_309 = vector.broadcast %and3A_308 : i32 to vector<16xi32>
        %and3A_310 = arith.andi %get3A_304, %and3A_309 : vector<16xi32>
        %add3A_311 = arith.addi %and3A_307, %and3A_310 : vector<16xi32>
        %xor3A_312 = arith.xori %get3A_300, %get3A_304 : vector<16xi32>
        %and3A_313 = arith.constant -2147450880 : i32
        %and3A_314 = vector.broadcast %and3A_313 : i32 to vector<16xi32>
        %and3A_315 = arith.andi %xor3A_312, %and3A_314 : vector<16xi32>
        %xor3A_316 = arith.xori %add3A_311, %and3A_315 : vector<16xi32>
        %swap3A_317 = arith.index_cast %scan3A_124 : i32 to index
        %swap3A_318 = arith.constant 112 : index
        %swap3A_319 = tpu.vector_load %arg11[%swap3A_317, %swap3A_318] {strides = array<i32>} : memref<128x128xi32, #tpu.memory_space<vmem>>, vector<1x16xi32>,
        %swap3A_320 = vector.shape_cast %swap3A_319 : vector<1x16xi32> to vector<16xi32>
        %swap3A_321 = vector.shape_cast %xor3A_316 : vector<16xi32> to vector<1x16xi32>
        tpu.vector_store %arg11[%swap3A_317, %swap3A_318], %swap3A_321 {strides = array<i32>} : memref<128x128xi32, #tpu.memory_space<vmem>>, vector<1x16xi32>,
        %scan3A_322 = arith.constant 0 : i32
        scf.yield %scan3A_322 : i32
      }
      %scan3A_112 = arith.constant 128 : i32
      %mul3A_113 = arith.constant 128 : i32
      %mul3A_114 = arith.muli %add3A_93, %mul3A_113 : i32
      %add3A_115 = arith.addi %mul3A_2, %mul3A_114 : i32
      "tpu.region"() ({
        %run_scoped3A = tpu.sem_alloc : memref<!tpu.dma_semaphore, #tpu.memory_space<semaphore_mem>>
        %dma_start3A_124 = arith.constant 0 : i32
        %dma_start3A_125 = tpu.memref_slice %arg6[%add3A_115, %dma_start3A_124] : memref<320000x128xi32, #tpu.memory_space<hbm>> -> memref<128x128xi32, #tpu.memory_space<hbm>>
        %dma_start3A_126 = arith.constant 0 : i32
        %dma_start3A_127 = tpu.memref_slice %arg6[%add3A_115, %dma_start3A_126] : memref<320000x128xi32, #tpu.memory_space<hbm>> -> memref<128x128xi32, #tpu.memory_space<hbm>>
        tpu.enqueue_dma source(%arg11 : memref<128x128xi32, #tpu.memory_space<vmem>>) target(%dma_start3A_127 : memref<128x128xi32, #tpu.memory_space<hbm>>) target_semaphore(%run_scoped3A : memref<!tpu.dma_semaphore, #tpu.memory_space<semaphore_mem>>)
        %dma_wait3A_128 = arith.constant 0 : i32
        %dma_wait3A_129 = tpu.memref_slice %arg6[%add3A_115, %dma_wait3A_128] : memref<320000x128xi32, #tpu.memory_space<hbm>> -> memref<128x128xi32, #tpu.memory_space<hbm>>
        %dma_wait3A_130 = arith.constant 0 : i32
        %dma_wait3A_131 = tpu.memref_slice %arg6[%add3A_115, %dma_wait3A_130] : memref<320000x128xi32, #tpu.memory_space<hbm>> -> memref<128x128xi32, #tpu.memory_space<hbm>>
        tpu.wait_dma2 semaphore(%run_scoped3A : memref<!tpu.dma_semaphore, #tpu.memory_space<semaphore_mem>>) src(%arg11 : memref<128x128xi32, #tpu.memory_space<vmem>>) dst(%dma_wait3A_131 : memref<128x128xi32, #tpu.memory_space<hbm>>)
        tpu.yield
      }) : () -> ()
      %add3A_116 = arith.constant 2 : i32
      %add3A_117 = arith.addi %add3A_93, %add3A_116 : i32
      %lt3A_118 = arith.constant 78 : i32
      %lt3A_119 = arith.cmpi slt, %add3A_117, %lt3A_118 : i32
      %convert_element_type3A_120 = arith.extui %lt3A_119 : i1 to i32
      %cond3A_121 = arith.constant 0 : i32
      %cond3A_122 = arith.cmpi ne, %convert_element_type3A_120, %cond3A_121 : i32
      scf.if %cond3A_122 {
        %add3A_124 = arith.constant 2 : i32
        %add3A_125 = arith.addi %add3A_93, %add3A_124 : i32
        %mul3A_126 = arith.constant 128 : i32
        %mul3A_127 = arith.muli %add3A_125, %mul3A_126 : i32
        %dma_start3A_128 = tpu.memref_slice %arg7[%mul3A_127] : memref<10000xi32, #tpu.memory_space<vmem>> -> memref<128xi32, #tpu.memory_space<vmem>>
        %dma_start3A_129 = arith.constant 0 : i32
        %dma_start3A_130 = arith.constant 0 : i32
        %dma_start3A_131 = tpu.memref_slice %arg2[%dma_start3A_129, %dma_start3A_130] : memref<10000x128xi32, #tpu.memory_space<hbm>> -> memref<10000x128xi32, #tpu.memory_space<hbm>>
        tpu.enqueue_indirect_dma source(%dma_start3A_131 : memref<10000x128xi32, #tpu.memory_space<hbm>>) target(%arg11 : memref<128x128xi32, #tpu.memory_space<vmem>>) offsets(%dma_start3A_128 : memref<128xi32, #tpu.memory_space<vmem>>) semaphore(%arg15 : memref<!tpu.dma_semaphore, #tpu.memory_space<semaphore_mem>>)
        %mul3A_132 = arith.constant 128 : i32
        %mul3A_133 = arith.muli %add3A_125, %mul3A_132 : i32
        %dma_start3A_134 = tpu.memref_slice %arg8[%mul3A_133] : memref<10000xi32, #tpu.memory_space<vmem>> -> memref<128xi32, #tpu.memory_space<vmem>>
        %dma_start3A_135 = arith.constant 0 : i32
        %dma_start3A_136 = arith.constant 0 : i32
        %dma_start3A_137 = tpu.memref_slice %arg3[%dma_start3A_135, %dma_start3A_136] : memref<10000x128xi32, #tpu.memory_space<hbm>> -> memref<10000x128xi32, #tpu.memory_space<hbm>>
        tpu.enqueue_indirect_dma source(%dma_start3A_137 : memref<10000x128xi32, #tpu.memory_space<hbm>>) target(%arg12 : memref<128x128xi32, #tpu.memory_space<vmem>>) offsets(%dma_start3A_134 : memref<128xi32, #tpu.memory_space<vmem>>) semaphore(%arg16 : memref<!tpu.dma_semaphore, #tpu.memory_space<semaphore_mem>>)
      } else {
      }
      %scan3A_123 = arith.constant 0 : i32
      scf.yield %scan3A_123 : i32
    }
    %scan3A_27 = arith.constant 39 : i32
    %add3A_28 = arith.constant 9984 : i32
    %add3A_29 = arith.addi %mul3A_2, %add3A_28 : i32
    %dma_start3A_30 = arith.constant 9872 : i32
    %dma_start3A_31 = tpu.memref_slice %arg7[%dma_start3A_30] : memref<10000xi32, #tpu.memory_space<vmem>> -> memref<128xi32, #tpu.memory_space<vmem>>
    %dma_start3A_32 = arith.constant 0 : i32
    %dma_start3A_33 = arith.constant 0 : i32
    %dma_start3A_34 = tpu.memref_slice %arg2[%dma_start3A_32, %dma_start3A_33] : memref<10000x128xi32, #tpu.memory_space<hbm>> -> memref<10000x128xi32, #tpu.memory_space<hbm>>
    tpu.enqueue_indirect_dma source(%dma_start3A_34 : memref<10000x128xi32, #tpu.memory_space<hbm>>) target(%arg9 : memref<128x128xi32, #tpu.memory_space<vmem>>) offsets(%dma_start3A_31 : memref<128xi32, #tpu.memory_space<vmem>>) semaphore(%arg13 : memref<!tpu.dma_semaphore, #tpu.memory_space<semaphore_mem>>)
    %dma_start3A_35 = arith.constant 9872 : i32
    %dma_start3A_36 = tpu.memref_slice %arg8[%dma_start3A_35] : memref<10000xi32, #tpu.memory_space<vmem>> -> memref<128xi32, #tpu.memory_space<vmem>>
    %dma_start3A_37 = arith.constant 0 : i32
    %dma_start3A_38 = arith.constant 0 : i32
    %dma_start3A_39 = tpu.memref_slice %arg3[%dma_start3A_37, %dma_start3A_38] : memref<10000x128xi32, #tpu.memory_space<hbm>> -> memref<10000x128xi32, #tpu.memory_space<hbm>>
    tpu.enqueue_indirect_dma source(%dma_start3A_39 : memref<10000x128xi32, #tpu.memory_space<hbm>>) target(%arg10 : memref<128x128xi32, #tpu.memory_space<vmem>>) offsets(%dma_start3A_36 : memref<128xi32, #tpu.memory_space<vmem>>) semaphore(%arg14 : memref<!tpu.dma_semaphore, #tpu.memory_space<semaphore_mem>>)
    %dma_wait3A = arith.constant 0 : i32
    %dma_wait3A_40 = arith.constant 0 : i32
    %dma_wait3A_41 = tpu.memref_slice %arg2[%dma_wait3A, %dma_wait3A_40] : memref<10000x128xi32, #tpu.memory_space<hbm>> -> memref<128x128xi32, #tpu.memory_space<hbm>>
    %dma_wait3A_42 = arith.constant 0 : i32
    %dma_wait3A_43 = arith.constant 0 : i32
    %dma_wait3A_44 = tpu.memref_slice %arg2[%dma_wait3A_42, %dma_wait3A_43] : memref<10000x128xi32, #tpu.memory_space<hbm>> -> memref<128x128xi32, #tpu.memory_space<hbm>>
    tpu.wait_dma2 semaphore(%arg13 : memref<!tpu.dma_semaphore, #tpu.memory_space<semaphore_mem>>) src(%dma_wait3A_44 : memref<128x128xi32, #tpu.memory_space<hbm>>) dst(%arg9 : memref<128x128xi32, #tpu.memory_space<vmem>>)
    %dma_wait3A_45 = arith.constant 0 : i32
    %dma_wait3A_46 = arith.constant 0 : i32
    %dma_wait3A_47 = tpu.memref_slice %arg3[%dma_wait3A_45, %dma_wait3A_46] : memref<10000x128xi32, #tpu.memory_space<hbm>> -> memref<128x128xi32, #tpu.memory_space<hbm>>
    %dma_wait3A_48 = arith.constant 0 : i32
    %dma_wait3A_49 = arith.constant 0 : i32
    %dma_wait3A_50 = tpu.memref_slice %arg3[%dma_wait3A_48, %dma_wait3A_49] : memref<10000x128xi32, #tpu.memory_space<hbm>> -> memref<128x128xi32, #tpu.memory_space<hbm>>
    tpu.wait_dma2 semaphore(%arg14 : memref<!tpu.dma_semaphore, #tpu.memory_space<semaphore_mem>>) src(%dma_wait3A_50 : memref<128x128xi32, #tpu.memory_space<hbm>>) dst(%arg10 : memref<128x128xi32, #tpu.memory_space<vmem>>)
    %scan3A_51 = arith.constant 0 : i32
    %scan3A_52 = arith.constant 112 : i32
    %scan3A_53 = arith.constant 16 : i32
    %scan3A_54 = arith.addi %scan3A_52, %scan3A_53 : i32
    %scan3A_55 = arith.constant 1 : i32
    %scan3A_56 = scf.for %scan3A_58 = %scan3A_52 to %scan3A_54 step %scan3A_55 iter_args(%scan3A_59 = %scan3A_51) -> (i32)  : i32 {
      %get3A = arith.index_cast %scan3A_58 : i32 to index
      %get3A_60 = arith.constant 0 : index
      %get3A_61 = tpu.vector_load %arg9[%get3A, %get3A_60] {strides = array<i32>} : memref<128x128xi32, #tpu.memory_space<vmem>>, vector<1x16xi32>,
      %get3A_62 = vector.shape_cast %get3A_61 : vector<1x16xi32> to vector<16xi32>
      %get3A_63 = arith.index_cast %scan3A_58 : i32 to index
      %get3A_64 = arith.constant 0 : index
      %get3A_65 = tpu.vector_load %arg10[%get3A_63, %get3A_64] {strides = array<i32>} : memref<128x128xi32, #tpu.memory_space<vmem>>, vector<1x16xi32>,
      %get3A_66 = vector.shape_cast %get3A_65 : vector<1x16xi32> to vector<16xi32>
      %and3A = arith.constant 2147450879 : i32
      %and3A_67 = vector.broadcast %and3A : i32 to vector<16xi32>
      %and3A_68 = arith.andi %get3A_62, %and3A_67 : vector<16xi32>
      %and3A_69 = arith.constant 2147450879 : i32
      %and3A_70 = vector.broadcast %and3A_69 : i32 to vector<16xi32>
      %and3A_71 = arith.andi %get3A_66, %and3A_70 : vector<16xi32>
      %add3A_72 = arith.addi %and3A_68, %and3A_71 : vector<16xi32>
      %xor3A = arith.xori %get3A_62, %get3A_66 : vector<16xi32>
      %and3A_73 = arith.constant -2147450880 : i32
      %and3A_74 = vector.broadcast %and3A_73 : i32 to vector<16xi32>
      %and3A_75 = arith.andi %xor3A, %and3A_74 : vector<16xi32>
      %xor3A_76 = arith.xori %add3A_72, %and3A_75 : vector<16xi32>
      %swap3A = arith.index_cast %scan3A_58 : i32 to index
      %swap3A_77 = arith.constant 0 : index
      %swap3A_78 = tpu.vector_load %arg9[%swap3A, %swap3A_77] {strides = array<i32>} : memref<128x128xi32, #tpu.memory_space<vmem>>, vector<1x16xi32>,
      %swap3A_79 = vector.shape_cast %swap3A_78 : vector<1x16xi32> to vector<16xi32>
      %swap3A_80 = vector.shape_cast %xor3A_76 : vector<16xi32> to vector<1x16xi32>
      tpu.vector_store %arg9[%swap3A, %swap3A_77], %swap3A_80 {strides = array<i32>} : memref<128x128xi32, #tpu.memory_space<vmem>>, vector<1x16xi32>,
      %get3A_81 = arith.index_cast %scan3A_58 : i32 to index
      %get3A_82 = arith.constant 16 : index
      %get3A_83 = tpu.vector_load %arg9[%get3A_81, %get3A_82] {strides = array<i32>} : memref<128x128xi32, #tpu.memory_space<vmem>>, vector<1x16xi32>,
      %get3A_84 = vector.shape_cast %get3A_83 : vector<1x16xi32> to vector<16xi32>
      %get3A_85 = arith.index_cast %scan3A_58 : i32 to index
      %get3A_86 = arith.constant 16 : index
      %get3A_87 = tpu.vector_load %arg10[%get3A_85, %get3A_86] {strides = array<i32>} : memref<128x128xi32, #tpu.memory_space<vmem>>, vector<1x16xi32>,
      %get3A_88 = vector.shape_cast %get3A_87 : vector<1x16xi32> to vector<16xi32>
      %and3A_89 = arith.constant 2147450879 : i32
      %and3A_90 = vector.broadcast %and3A_89 : i32 to vector<16xi32>
      %and3A_91 = arith.andi %get3A_84, %and3A_90 : vector<16xi32>
      %and3A_92 = arith.constant 2147450879 : i32
      %and3A_93 = vector.broadcast %and3A_92 : i32 to vector<16xi32>
      %and3A_94 = arith.andi %get3A_88, %and3A_93 : vector<16xi32>
      %add3A_95 = arith.addi %and3A_91, %and3A_94 : vector<16xi32>
      %xor3A_96 = arith.xori %get3A_84, %get3A_88 : vector<16xi32>
      %and3A_97 = arith.constant -2147450880 : i32
      %and3A_98 = vector.broadcast %and3A_97 : i32 to vector<16xi32>
      %and3A_99 = arith.andi %xor3A_96, %and3A_98 : vector<16xi32>
      %xor3A_100 = arith.xori %add3A_95, %and3A_99 : vector<16xi32>
      %swap3A_101 = arith.index_cast %scan3A_58 : i32 to index
      %swap3A_102 = arith.constant 16 : index
      %swap3A_103 = tpu.vector_load %arg9[%swap3A_101, %swap3A_102] {strides = array<i32>} : memref<128x128xi32, #tpu.memory_space<vmem>>, vector<1x16xi32>,
      %swap3A_104 = vector.shape_cast %swap3A_103 : vector<1x16xi32> to vector<16xi32>
      %swap3A_105 = vector.shape_cast %xor3A_100 : vector<16xi32> to vector<1x16xi32>
      tpu.vector_store %arg9[%swap3A_101, %swap3A_102], %swap3A_105 {strides = array<i32>} : memref<128x128xi32, #tpu.memory_space<vmem>>, vector<1x16xi32>,
      %get3A_106 = arith.index_cast %scan3A_58 : i32 to index
      %get3A_107 = arith.constant 32 : index
      %get3A_108 = tpu.vector_load %arg9[%get3A_106, %get3A_107] {strides = array<i32>} : memref<128x128xi32, #tpu.memory_space<vmem>>, vector<1x16xi32>,
      %get3A_109 = vector.shape_cast %get3A_108 : vector<1x16xi32> to vector<16xi32>
      %get3A_110 = arith.index_cast %scan3A_58 : i32 to index
      %get3A_111 = arith.constant 32 : index
      %get3A_112 = tpu.vector_load %arg10[%get3A_110, %get3A_111] {strides = array<i32>} : memref<128x128xi32, #tpu.memory_space<vmem>>, vector<1x16xi32>,
      %get3A_113 = vector.shape_cast %get3A_112 : vector<1x16xi32> to vector<16xi32>
      %and3A_114 = arith.constant 2147450879 : i32
      %and3A_115 = vector.broadcast %and3A_114 : i32 to vector<16xi32>
      %and3A_116 = arith.andi %get3A_109, %and3A_115 : vector<16xi32>
      %and3A_117 = arith.constant 2147450879 : i32
      %and3A_118 = vector.broadcast %and3A_117 : i32 to vector<16xi32>
      %and3A_119 = arith.andi %get3A_113, %and3A_118 : vector<16xi32>
      %add3A_120 = arith.addi %and3A_116, %and3A_119 : vector<16xi32>
      %xor3A_121 = arith.xori %get3A_109, %get3A_113 : vector<16xi32>
      %and3A_122 = arith.constant -2147450880 : i32
      %and3A_123 = vector.broadcast %and3A_122 : i32 to vector<16xi32>
      %and3A_124 = arith.andi %xor3A_121, %and3A_123 : vector<16xi32>
      %xor3A_125 = arith.xori %add3A_120, %and3A_124 : vector<16xi32>
      %swap3A_126 = arith.index_cast %scan3A_58 : i32 to index
      %swap3A_127 = arith.constant 32 : index
      %swap3A_128 = tpu.vector_load %arg9[%swap3A_126, %swap3A_127] {strides = array<i32>} : memref<128x128xi32, #tpu.memory_space<vmem>>, vector<1x16xi32>,
      %swap3A_129 = vector.shape_cast %swap3A_128 : vector<1x16xi32> to vector<16xi32>
      %swap3A_130 = vector.shape_cast %xor3A_125 : vector<16xi32> to vector<1x16xi32>
      tpu.vector_store %arg9[%swap3A_126, %swap3A_127], %swap3A_130 {strides = array<i32>} : memref<128x128xi32, #tpu.memory_space<vmem>>, vector<1x16xi32>,
      %get3A_131 = arith.index_cast %scan3A_58 : i32 to index
      %get3A_132 = arith.constant 48 : index
      %get3A_133 = tpu.vector_load %arg9[%get3A_131, %get3A_132] {strides = array<i32>} : memref<128x128xi32, #tpu.memory_space<vmem>>, vector<1x16xi32>,
      %get3A_134 = vector.shape_cast %get3A_133 : vector<1x16xi32> to vector<16xi32>
      %get3A_135 = arith.index_cast %scan3A_58 : i32 to index
      %get3A_136 = arith.constant 48 : index
      %get3A_137 = tpu.vector_load %arg10[%get3A_135, %get3A_136] {strides = array<i32>} : memref<128x128xi32, #tpu.memory_space<vmem>>, vector<1x16xi32>,
      %get3A_138 = vector.shape_cast %get3A_137 : vector<1x16xi32> to vector<16xi32>
      %and3A_139 = arith.constant 2147450879 : i32
      %and3A_140 = vector.broadcast %and3A_139 : i32 to vector<16xi32>
      %and3A_141 = arith.andi %get3A_134, %and3A_140 : vector<16xi32>
      %and3A_142 = arith.constant 2147450879 : i32
      %and3A_143 = vector.broadcast %and3A_142 : i32 to vector<16xi32>
      %and3A_144 = arith.andi %get3A_138, %and3A_143 : vector<16xi32>
      %add3A_145 = arith.addi %and3A_141, %and3A_144 : vector<16xi32>
      %xor3A_146 = arith.xori %get3A_134, %get3A_138 : vector<16xi32>
      %and3A_147 = arith.constant -2147450880 : i32
      %and3A_148 = vector.broadcast %and3A_147 : i32 to vector<16xi32>
      %and3A_149 = arith.andi %xor3A_146, %and3A_148 : vector<16xi32>
      %xor3A_150 = arith.xori %add3A_145, %and3A_149 : vector<16xi32>
      %swap3A_151 = arith.index_cast %scan3A_58 : i32 to index
      %swap3A_152 = arith.constant 48 : index
      %swap3A_153 = tpu.vector_load %arg9[%swap3A_151, %swap3A_152] {strides = array<i32>} : memref<128x128xi32, #tpu.memory_space<vmem>>, vector<1x16xi32>,
      %swap3A_154 = vector.shape_cast %swap3A_153 : vector<1x16xi32> to vector<16xi32>
      %swap3A_155 = vector.shape_cast %xor3A_150 : vector<16xi32> to vector<1x16xi32>
      tpu.vector_store %arg9[%swap3A_151, %swap3A_152], %swap3A_155 {strides = array<i32>} : memref<128x128xi32, #tpu.memory_space<vmem>>, vector<1x16xi32>,
      %get3A_156 = arith.index_cast %scan3A_58 : i32 to index
      %get3A_157 = arith.constant 64 : index
      %get3A_158 = tpu.vector_load %arg9[%get3A_156, %get3A_157] {strides = array<i32>} : memref<128x128xi32, #tpu.memory_space<vmem>>, vector<1x16xi32>,
      %get3A_159 = vector.shape_cast %get3A_158 : vector<1x16xi32> to vector<16xi32>
      %get3A_160 = arith.index_cast %scan3A_58 : i32 to index
      %get3A_161 = arith.constant 64 : index
      %get3A_162 = tpu.vector_load %arg10[%get3A_160, %get3A_161] {strides = array<i32>} : memref<128x128xi32, #tpu.memory_space<vmem>>, vector<1x16xi32>,
      %get3A_163 = vector.shape_cast %get3A_162 : vector<1x16xi32> to vector<16xi32>
      %and3A_164 = arith.constant 2147450879 : i32
      %and3A_165 = vector.broadcast %and3A_164 : i32 to vector<16xi32>
      %and3A_166 = arith.andi %get3A_159, %and3A_165 : vector<16xi32>
      %and3A_167 = arith.constant 2147450879 : i32
      %and3A_168 = vector.broadcast %and3A_167 : i32 to vector<16xi32>
      %and3A_169 = arith.andi %get3A_163, %and3A_168 : vector<16xi32>
      %add3A_170 = arith.addi %and3A_166, %and3A_169 : vector<16xi32>
      %xor3A_171 = arith.xori %get3A_159, %get3A_163 : vector<16xi32>
      %and3A_172 = arith.constant -2147450880 : i32
      %and3A_173 = vector.broadcast %and3A_172 : i32 to vector<16xi32>
      %and3A_174 = arith.andi %xor3A_171, %and3A_173 : vector<16xi32>
      %xor3A_175 = arith.xori %add3A_170, %and3A_174 : vector<16xi32>
      %swap3A_176 = arith.index_cast %scan3A_58 : i32 to index
      %swap3A_177 = arith.constant 64 : index
      %swap3A_178 = tpu.vector_load %arg9[%swap3A_176, %swap3A_177] {strides = array<i32>} : memref<128x128xi32, #tpu.memory_space<vmem>>, vector<1x16xi32>,
      %swap3A_179 = vector.shape_cast %swap3A_178 : vector<1x16xi32> to vector<16xi32>
      %swap3A_180 = vector.shape_cast %xor3A_175 : vector<16xi32> to vector<1x16xi32>
      tpu.vector_store %arg9[%swap3A_176, %swap3A_177], %swap3A_180 {strides = array<i32>} : memref<128x128xi32, #tpu.memory_space<vmem>>, vector<1x16xi32>,
      %get3A_181 = arith.index_cast %scan3A_58 : i32 to index
      %get3A_182 = arith.constant 80 : index
      %get3A_183 = tpu.vector_load %arg9[%get3A_181, %get3A_182] {strides = array<i32>} : memref<128x128xi32, #tpu.memory_space<vmem>>, vector<1x16xi32>,
      %get3A_184 = vector.shape_cast %get3A_183 : vector<1x16xi32> to vector<16xi32>
      %get3A_185 = arith.index_cast %scan3A_58 : i32 to index
      %get3A_186 = arith.constant 80 : index
      %get3A_187 = tpu.vector_load %arg10[%get3A_185, %get3A_186] {strides = array<i32>} : memref<128x128xi32, #tpu.memory_space<vmem>>, vector<1x16xi32>,
      %get3A_188 = vector.shape_cast %get3A_187 : vector<1x16xi32> to vector<16xi32>
      %and3A_189 = arith.constant 2147450879 : i32
      %and3A_190 = vector.broadcast %and3A_189 : i32 to vector<16xi32>
      %and3A_191 = arith.andi %get3A_184, %and3A_190 : vector<16xi32>
      %and3A_192 = arith.constant 2147450879 : i32
      %and3A_193 = vector.broadcast %and3A_192 : i32 to vector<16xi32>
      %and3A_194 = arith.andi %get3A_188, %and3A_193 : vector<16xi32>
      %add3A_195 = arith.addi %and3A_191, %and3A_194 : vector<16xi32>
      %xor3A_196 = arith.xori %get3A_184, %get3A_188 : vector<16xi32>
      %and3A_197 = arith.constant -2147450880 : i32
      %and3A_198 = vector.broadcast %and3A_197 : i32 to vector<16xi32>
      %and3A_199 = arith.andi %xor3A_196, %and3A_198 : vector<16xi32>
      %xor3A_200 = arith.xori %add3A_195, %and3A_199 : vector<16xi32>
      %swap3A_201 = arith.index_cast %scan3A_58 : i32 to index
      %swap3A_202 = arith.constant 80 : index
      %swap3A_203 = tpu.vector_load %arg9[%swap3A_201, %swap3A_202] {strides = array<i32>} : memref<128x128xi32, #tpu.memory_space<vmem>>, vector<1x16xi32>,
      %swap3A_204 = vector.shape_cast %swap3A_203 : vector<1x16xi32> to vector<16xi32>
      %swap3A_205 = vector.shape_cast %xor3A_200 : vector<16xi32> to vector<1x16xi32>
      tpu.vector_store %arg9[%swap3A_201, %swap3A_202], %swap3A_205 {strides = array<i32>} : memref<128x128xi32, #tpu.memory_space<vmem>>, vector<1x16xi32>,
      %get3A_206 = arith.index_cast %scan3A_58 : i32 to index
      %get3A_207 = arith.constant 96 : index
      %get3A_208 = tpu.vector_load %arg9[%get3A_206, %get3A_207] {strides = array<i32>} : memref<128x128xi32, #tpu.memory_space<vmem>>, vector<1x16xi32>,
      %get3A_209 = vector.shape_cast %get3A_208 : vector<1x16xi32> to vector<16xi32>
      %get3A_210 = arith.index_cast %scan3A_58 : i32 to index
      %get3A_211 = arith.constant 96 : index
      %get3A_212 = tpu.vector_load %arg10[%get3A_210, %get3A_211] {strides = array<i32>} : memref<128x128xi32, #tpu.memory_space<vmem>>, vector<1x16xi32>,
      %get3A_213 = vector.shape_cast %get3A_212 : vector<1x16xi32> to vector<16xi32>
      %and3A_214 = arith.constant 2147450879 : i32
      %and3A_215 = vector.broadcast %and3A_214 : i32 to vector<16xi32>
      %and3A_216 = arith.andi %get3A_209, %and3A_215 : vector<16xi32>
      %and3A_217 = arith.constant 2147450879 : i32
      %and3A_218 = vector.broadcast %and3A_217 : i32 to vector<16xi32>
      %and3A_219 = arith.andi %get3A_213, %and3A_218 : vector<16xi32>
      %add3A_220 = arith.addi %and3A_216, %and3A_219 : vector<16xi32>
      %xor3A_221 = arith.xori %get3A_209, %get3A_213 : vector<16xi32>
      %and3A_222 = arith.constant -2147450880 : i32
      %and3A_223 = vector.broadcast %and3A_222 : i32 to vector<16xi32>
      %and3A_224 = arith.andi %xor3A_221, %and3A_223 : vector<16xi32>
      %xor3A_225 = arith.xori %add3A_220, %and3A_224 : vector<16xi32>
      %swap3A_226 = arith.index_cast %scan3A_58 : i32 to index
      %swap3A_227 = arith.constant 96 : index
      %swap3A_228 = tpu.vector_load %arg9[%swap3A_226, %swap3A_227] {strides = array<i32>} : memref<128x128xi32, #tpu.memory_space<vmem>>, vector<1x16xi32>,
      %swap3A_229 = vector.shape_cast %swap3A_228 : vector<1x16xi32> to vector<16xi32>
      %swap3A_230 = vector.shape_cast %xor3A_225 : vector<16xi32> to vector<1x16xi32>
      tpu.vector_store %arg9[%swap3A_226, %swap3A_227], %swap3A_230 {strides = array<i32>} : memref<128x128xi32, #tpu.memory_space<vmem>>, vector<1x16xi32>,
      %get3A_231 = arith.index_cast %scan3A_58 : i32 to index
      %get3A_232 = arith.constant 112 : index
      %get3A_233 = tpu.vector_load %arg9[%get3A_231, %get3A_232] {strides = array<i32>} : memref<128x128xi32, #tpu.memory_space<vmem>>, vector<1x16xi32>,
      %get3A_234 = vector.shape_cast %get3A_233 : vector<1x16xi32> to vector<16xi32>
      %get3A_235 = arith.index_cast %scan3A_58 : i32 to index
      %get3A_236 = arith.constant 112 : index
      %get3A_237 = tpu.vector_load %arg10[%get3A_235, %get3A_236] {strides = array<i32>} : memref<128x128xi32, #tpu.memory_space<vmem>>, vector<1x16xi32>,
      %get3A_238 = vector.shape_cast %get3A_237 : vector<1x16xi32> to vector<16xi32>
      %and3A_239 = arith.constant 2147450879 : i32
      %and3A_240 = vector.broadcast %and3A_239 : i32 to vector<16xi32>
      %and3A_241 = arith.andi %get3A_234, %and3A_240 : vector<16xi32>
      %and3A_242 = arith.constant 2147450879 : i32
      %and3A_243 = vector.broadcast %and3A_242 : i32 to vector<16xi32>
      %and3A_244 = arith.andi %get3A_238, %and3A_243 : vector<16xi32>
      %add3A_245 = arith.addi %and3A_241, %and3A_244 : vector<16xi32>
      %xor3A_246 = arith.xori %get3A_234, %get3A_238 : vector<16xi32>
      %and3A_247 = arith.constant -2147450880 : i32
      %and3A_248 = vector.broadcast %and3A_247 : i32 to vector<16xi32>
      %and3A_249 = arith.andi %xor3A_246, %and3A_248 : vector<16xi32>
      %xor3A_250 = arith.xori %add3A_245, %and3A_249 : vector<16xi32>
      %swap3A_251 = arith.index_cast %scan3A_58 : i32 to index
      %swap3A_252 = arith.constant 112 : index
      %swap3A_253 = tpu.vector_load %arg9[%swap3A_251, %swap3A_252] {strides = array<i32>} : memref<128x128xi32, #tpu.memory_space<vmem>>, vector<1x16xi32>,
      %swap3A_254 = vector.shape_cast %swap3A_253 : vector<1x16xi32> to vector<16xi32>
      %swap3A_255 = vector.shape_cast %xor3A_250 : vector<16xi32> to vector<1x16xi32>
      tpu.vector_store %arg9[%swap3A_251, %swap3A_252], %swap3A_255 {strides = array<i32>} : memref<128x128xi32, #tpu.memory_space<vmem>>, vector<1x16xi32>,
      %scan3A_256 = arith.constant 0 : i32
      scf.yield %scan3A_256 : i32
    }
    %scan3A_57 = arith.constant 16 : i32
    "tpu.region"() ({
      %run_scoped3A = tpu.sem_alloc : memref<!tpu.dma_semaphore, #tpu.memory_space<semaphore_mem>>
      %dma_start3A_58 = arith.constant 112 : i32
      %dma_start3A_59 = arith.constant 0 : i32
      %dma_start3A_60 = tpu.memref_slice %arg9[%dma_start3A_58, %dma_start3A_59] : memref<128x128xi32, #tpu.memory_space<vmem>> -> memref<16x128xi32, #tpu.memory_space<vmem>>
      %dma_start3A_61 = arith.constant 0 : i32
      %dma_start3A_62 = tpu.memref_slice %arg6[%add3A_29, %dma_start3A_61] : memref<320000x128xi32, #tpu.memory_space<hbm>> -> memref<16x128xi32, #tpu.memory_space<hbm>>
      %dma_start3A_63 = arith.constant 0 : i32
      %dma_start3A_64 = tpu.memref_slice %arg6[%add3A_29, %dma_start3A_63] : memref<320000x128xi32, #tpu.memory_space<hbm>> -> memref<16x128xi32, #tpu.memory_space<hbm>>
      %dma_start3A_65 = arith.constant 112 : i32
      %dma_start3A_66 = arith.constant 0 : i32
      %dma_start3A_67 = tpu.memref_slice %arg9[%dma_start3A_65, %dma_start3A_66] : memref<128x128xi32, #tpu.memory_space<vmem>> -> memref<16x128xi32, #tpu.memory_space<vmem>>
      tpu.enqueue_dma source(%dma_start3A_67 : memref<16x128xi32, #tpu.memory_space<vmem>>) target(%dma_start3A_64 : memref<16x128xi32, #tpu.memory_space<hbm>>) target_semaphore(%run_scoped3A : memref<!tpu.dma_semaphore, #tpu.memory_space<semaphore_mem>>)
      %dma_wait3A_68 = arith.constant 112 : i32
      %dma_wait3A_69 = arith.constant 0 : i32
      %dma_wait3A_70 = tpu.memref_slice %arg9[%dma_wait3A_68, %dma_wait3A_69] : memref<128x128xi32, #tpu.memory_space<vmem>> -> memref<16x128xi32, #tpu.memory_space<vmem>>
      %dma_wait3A_71 = arith.constant 0 : i32
      %dma_wait3A_72 = tpu.memref_slice %arg6[%add3A_29, %dma_wait3A_71] : memref<320000x128xi32, #tpu.memory_space<hbm>> -> memref<16x128xi32, #tpu.memory_space<hbm>>
      %dma_wait3A_73 = arith.constant 0 : i32
      %dma_wait3A_74 = tpu.memref_slice %arg6[%add3A_29, %dma_wait3A_73] : memref<320000x128xi32, #tpu.memory_space<hbm>> -> memref<16x128xi32, #tpu.memory_space<hbm>>
      %dma_wait3A_75 = arith.constant 112 : i32
      %dma_wait3A_76 = arith.constant 0 : i32
      %dma_wait3A_77 = tpu.memref_slice %arg9[%dma_wait3A_75, %dma_wait3A_76] : memref<128x128xi32, #tpu.memory_space<vmem>> -> memref<16x128xi32, #tpu.memory_space<vmem>>
      tpu.wait_dma2 semaphore(%run_scoped3A : memref<!tpu.dma_semaphore, #tpu.memory_space<semaphore_mem>>) src(%dma_wait3A_77 : memref<16x128xi32, #tpu.memory_space<vmem>>) dst(%dma_wait3A_74 : memref<16x128xi32, #tpu.memory_space<hbm>>)
      tpu.yield
    }) : () -> ()
    return
  }
}

module attributes {stable_mosaic.version = 14 : i64} {
  func.func @_tables_body(%arg0: i32, %arg1: memref<2000x128xf32, #tpu.memory_space<vmem>>, %arg2: memref<128x256xf32, #tpu.memory_space<vmem>>, %arg3: memref<128x256xf32, #tpu.memory_space<vmem>>, %arg4: memref<2000x128xi32, #tpu.memory_space<vmem>>, %arg5: memref<2000x128xi32, #tpu.memory_space<vmem>>) attributes {dimension_semantics = [#tpu.dimension_semantics<arbitrary>], iteration_bounds = array<i64: 5>, scalar_prefetch = 0 : i64, scratch_operands = 0 : i64, tpu.core_type = #tpu.core_type<tc>, window_params = [{transform_indices = @transform_0, window_bounds = array<i64: 2000, 128>}, {pipeline_mode = #tpu.pipeline_mode<synchronous>, transform_indices = @transform_1, window_bounds = array<i64: 128, 256>}, {pipeline_mode = #tpu.pipeline_mode<synchronous>, transform_indices = @transform_2, window_bounds = array<i64: 128, 256>}, {transform_indices = @transform_3, window_bounds = array<i64: 2000, 128>}, {transform_indices = @transform_4, window_bounds = array<i64: 2000, 128>}]} {
    %get3A = arith.constant 0 : index
    %get3A_0 = arith.constant 0 : index
    %get3A_1 = vector.load %arg1[%get3A, %get3A_0] : memref<2000x128xf32, #tpu.memory_space<vmem>>, vector<2000x128xf32>
    %get3A_2 = arith.constant 0 : index
    %get3A_3 = arith.constant 0 : index
    %get3A_4 = vector.load %arg2[%get3A_2, %get3A_3] : memref<128x256xf32, #tpu.memory_space<vmem>>, vector<128x256xf32>
    %dot_general3A = arith.constant dense<0.000000e+00> : vector<2000x256xf32>
    %dot_general3A_5 = tpu.matmul %get3A_1, %get3A_4, %dot_general3A {dimension_numbers = #tpu.dot_dimension_numbers<[1], [0], [0], [1], [0, 0, 1, 1], [], []>, transpose_lhs_hint = false} : vector<2000x128xf32>, vector<128x256xf32>, vector<2000x256xf32> -> vector<2000x256xf32>
    %get3A_6 = arith.constant 0 : index
    %get3A_7 = arith.constant 0 : index
    %get3A_8 = vector.load %arg3[%get3A_6, %get3A_7] : memref<128x256xf32, #tpu.memory_space<vmem>>, vector<128x256xf32>
    %dot_general3A_9 = arith.constant dense<0.000000e+00> : vector<2000x256xf32>
    %dot_general3A_10 = tpu.matmul %get3A_1, %get3A_8, %dot_general3A_9 {dimension_numbers = #tpu.dot_dimension_numbers<[1], [0], [0], [1], [0, 0, 1, 1], [], []>, transpose_lhs_hint = false} : vector<2000x128xf32>, vector<128x256xf32>, vector<2000x256xf32> -> vector<2000x256xf32>
    %slice3A = vector.extract_strided_slice %dot_general3A_5 {offsets = [0, 0], sizes = [2000, 128], strides = [1, 1]} : vector<2000x256xf32> to vector<2000x128xf32>
    %mul3A = arith.constant 2.048000e+03 : f32
    %mul3A_11 = vector.broadcast %mul3A : f32 to vector<2000x128xf32>
    %mul3A_12 = arith.mulf %slice3A, %mul3A_11 : vector<2000x128xf32>
    %round3A = math.roundeven %mul3A_12 : vector<2000x128xf32>
    %jit3A = arith.constant -3.276800e+04 : f32
    %jit3A_13 = arith.constant 3.276700e+04 : f32
    %max3A = vector.broadcast %jit3A : f32 to vector<2000x128xf32>
    %max3A_14 = arith.maximumf %max3A, %round3A : vector<2000x128xf32>
    %min3A = vector.broadcast %jit3A_13 : f32 to vector<2000x128xf32>
    %min3A_15 = arith.minimumf %min3A, %max3A_14 : vector<2000x128xf32>
    %convert_element_type3A = arith.fptosi %min3A_15 : vector<2000x128xf32> to vector<2000x128xi32>
    %and3A = arith.constant 65535 : i32
    %and3A_16 = vector.broadcast %and3A : i32 to vector<2000x128xi32>
    %and3A_17 = arith.andi %convert_element_type3A, %and3A_16 : vector<2000x128xi32>
    %slice3A_18 = vector.extract_strided_slice %dot_general3A_5 {offsets = [0, 128], sizes = [2000, 128], strides = [1, 1]} : vector<2000x256xf32> to vector<2000x128xf32>
    %mul3A_19 = arith.constant 2.048000e+03 : f32
    %mul3A_20 = vector.broadcast %mul3A_19 : f32 to vector<2000x128xf32>
    %mul3A_21 = arith.mulf %slice3A_18, %mul3A_20 : vector<2000x128xf32>
    %round3A_22 = math.roundeven %mul3A_21 : vector<2000x128xf32>
    %jit3A_23 = arith.constant -3.276800e+04 : f32
    %jit3A_24 = arith.constant 3.276700e+04 : f32
    %max3A_25 = vector.broadcast %jit3A_23 : f32 to vector<2000x128xf32>
    %max3A_26 = arith.maximumf %max3A_25, %round3A_22 : vector<2000x128xf32>
    %min3A_27 = vector.broadcast %jit3A_24 : f32 to vector<2000x128xf32>
    %min3A_28 = arith.minimumf %min3A_27, %max3A_26 : vector<2000x128xf32>
    %convert_element_type3A_29 = arith.fptosi %min3A_28 : vector<2000x128xf32> to vector<2000x128xi32>
    %shift_left3A = arith.constant 16 : i32
    %shift_left3A_30 = vector.broadcast %shift_left3A : i32 to vector<2000x128xi32>
    %shift_left3A_31 = arith.shli %convert_element_type3A_29, %shift_left3A_30 : vector<2000x128xi32>
    %or3A = arith.ori %and3A_17, %shift_left3A_31 : vector<2000x128xi32>
    %swap3A = arith.constant 0 : index
    %swap3A_32 = arith.constant 0 : index
    %swap3A_33 = vector.load %arg4[%swap3A, %swap3A_32] : memref<2000x128xi32, #tpu.memory_space<vmem>>, vector<2000x128xi32>
    tpu.vector_store %arg4[%swap3A, %swap3A_32], %or3A {strides = array<i32>} : memref<2000x128xi32, #tpu.memory_space<vmem>>, vector<2000x128xi32>,
    %slice3A_34 = vector.extract_strided_slice %dot_general3A_10 {offsets = [0, 0], sizes = [2000, 128], strides = [1, 1]} : vector<2000x256xf32> to vector<2000x128xf32>
    %mul3A_35 = arith.constant 2.048000e+03 : f32
    %mul3A_36 = vector.broadcast %mul3A_35 : f32 to vector<2000x128xf32>
    %mul3A_37 = arith.mulf %slice3A_34, %mul3A_36 : vector<2000x128xf32>
    %round3A_38 = math.roundeven %mul3A_37 : vector<2000x128xf32>
    %jit3A_39 = arith.constant -3.276800e+04 : f32
    %jit3A_40 = arith.constant 3.276700e+04 : f32
    %max3A_41 = vector.broadcast %jit3A_39 : f32 to vector<2000x128xf32>
    %max3A_42 = arith.maximumf %max3A_41, %round3A_38 : vector<2000x128xf32>
    %min3A_43 = vector.broadcast %jit3A_40 : f32 to vector<2000x128xf32>
    %min3A_44 = arith.minimumf %min3A_43, %max3A_42 : vector<2000x128xf32>
    %convert_element_type3A_45 = arith.fptosi %min3A_44 : vector<2000x128xf32> to vector<2000x128xi32>
    %and3A_46 = arith.constant 65535 : i32
    %and3A_47 = vector.broadcast %and3A_46 : i32 to vector<2000x128xi32>
    %and3A_48 = arith.andi %convert_element_type3A_45, %and3A_47 : vector<2000x128xi32>
    %slice3A_49 = vector.extract_strided_slice %dot_general3A_10 {offsets = [0, 128], sizes = [2000, 128], strides = [1, 1]} : vector<2000x256xf32> to vector<2000x128xf32>
    %mul3A_50 = arith.constant 2.048000e+03 : f32
    %mul3A_51 = vector.broadcast %mul3A_50 : f32 to vector<2000x128xf32>
    %mul3A_52 = arith.mulf %slice3A_49, %mul3A_51 : vector<2000x128xf32>
    %round3A_53 = math.roundeven %mul3A_52 : vector<2000x128xf32>
    %jit3A_54 = arith.constant -3.276800e+04 : f32
    %jit3A_55 = arith.constant 3.276700e+04 : f32
    %max3A_56 = vector.broadcast %jit3A_54 : f32 to vector<2000x128xf32>
    %max3A_57 = arith.maximumf %max3A_56, %round3A_53 : vector<2000x128xf32>
    %min3A_58 = vector.broadcast %jit3A_55 : f32 to vector<2000x128xf32>
    %min3A_59 = arith.minimumf %min3A_58, %max3A_57 : vector<2000x128xf32>
    %convert_element_type3A_60 = arith.fptosi %min3A_59 : vector<2000x128xf32> to vector<2000x128xi32>
    %shift_left3A_61 = arith.constant 16 : i32
    %shift_left3A_62 = vector.broadcast %shift_left3A_61 : i32 to vector<2000x128xi32>
    %shift_left3A_63 = arith.shli %convert_element_type3A_60, %shift_left3A_62 : vector<2000x128xi32>
    %or3A_64 = arith.ori %and3A_48, %shift_left3A_63 : vector<2000x128xi32>
    %swap3A_65 = arith.constant 0 : index
    %swap3A_66 = arith.constant 0 : index
    %swap3A_67 = vector.load %arg5[%swap3A_65, %swap3A_66] : memref<2000x128xi32, #tpu.memory_space<vmem>>, vector<2000x128xi32>
    tpu.vector_store %arg5[%swap3A_65, %swap3A_66], %or3A_64 {strides = array<i32>} : memref<2000x128xi32, #tpu.memory_space<vmem>>, vector<2000x128xi32>,
    return
  }
  func.func @transform_0(%arg0: i32) -> (i32, i32) {
    %c0_i32 = arith.constant 0 : i32
    %c0_i32_0 = arith.constant 0 : i32
    return %arg0, %c0_i32 : i32, i32
  }
  func.func @transform_1(%arg0: i32) -> (i32, i32) {
    %c0_i32 = arith.constant 0 : i32
    %c0_i32_0 = arith.constant 0 : i32
    %c0_i32_1 = arith.constant 0 : i32
    return %c0_i32, %c0_i32_0 : i32, i32
  }
  func.func @transform_2(%arg0: i32) -> (i32, i32) {
    %c0_i32 = arith.constant 0 : i32
    %c0_i32_0 = arith.constant 0 : i32
    %c0_i32_1 = arith.constant 0 : i32
    return %c0_i32, %c0_i32_0 : i32, i32
  }
  func.func @transform_3(%arg0: i32) -> (i32, i32) {
    %c0_i32 = arith.constant 0 : i32
    %c0_i32_0 = arith.constant 0 : i32
    return %arg0, %c0_i32 : i32, i32
  }
  func.func @transform_4(%arg0: i32) -> (i32, i32) {
    %c0_i32 = arith.constant 0 : i32
    %c0_i32_0 = arith.constant 0 : i32
    return %arg0, %c0_i32 : i32, i32
  }
}

module attributes {stable_mosaic.version = 14 : i64} {
  func.func @_msg_body(%arg0: i32, %arg1: memref<2000x128xi32, #tpu.memory_space<vmem>>, %arg2: memref<2000x16xf32, #tpu.memory_space<vmem>>, %arg3: memref<16x256xf32, #tpu.memory_space<vmem>>, %arg4: memref<1x256xf32, #tpu.memory_space<vmem>>, %arg5: memref<2000x128xf32, #tpu.memory_space<vmem>>) attributes {dimension_semantics = [#tpu.dimension_semantics<arbitrary>], iteration_bounds = array<i64: 160>, scalar_prefetch = 0 : i64, scratch_operands = 0 : i64, tpu.core_type = #tpu.core_type<tc>, window_params = [{transform_indices = @transform_0, window_bounds = array<i64: 2000, 128>}, {transform_indices = @transform_1, window_bounds = array<i64: 2000, 16>}, {pipeline_mode = #tpu.pipeline_mode<synchronous>, transform_indices = @transform_2, window_bounds = array<i64: 16, 256>}, {pipeline_mode = #tpu.pipeline_mode<synchronous>, transform_indices = @transform_3, window_bounds = array<i64: 1, 256>}, {transform_indices = @transform_4, window_bounds = array<i64: 2000, 128>}]} {
    %get3A = arith.constant 0 : index
    %get3A_0 = arith.constant 0 : index
    %get3A_1 = vector.load %arg2[%get3A, %get3A_0] : memref<2000x16xf32, #tpu.memory_space<vmem>>, vector<2000x16xf32>
    %get3A_2 = arith.constant 0 : index
    %get3A_3 = arith.constant 0 : index
    %get3A_4 = vector.load %arg3[%get3A_2, %get3A_3] : memref<16x256xf32, #tpu.memory_space<vmem>>, vector<16x256xf32>
    %dot_general3A = arith.constant dense<0.000000e+00> : vector<2000x256xf32>
    %dot_general3A_5 = tpu.matmul %get3A_1, %get3A_4, %dot_general3A {dimension_numbers = #tpu.dot_dimension_numbers<[1], [0], [0], [1], [0, 0, 1, 1], [], []>, transpose_lhs_hint = false} : vector<2000x16xf32>, vector<16x256xf32>, vector<2000x256xf32> -> vector<2000x256xf32>
    %get3A_6 = arith.constant 0 : index
    %get3A_7 = arith.constant 0 : index
    %get3A_8 = vector.load %arg4[%get3A_6, %get3A_7] : memref<1x256xf32, #tpu.memory_space<vmem>>, vector<1x256xf32>
    %add3A = vector.broadcast %get3A_8 : vector<1x256xf32> to vector<2000x256xf32>
    %add3A_9 = arith.addf %dot_general3A_5, %add3A : vector<2000x256xf32>
    %get3A_10 = arith.constant 0 : index
    %get3A_11 = arith.constant 0 : index
    %get3A_12 = vector.load %arg1[%get3A_10, %get3A_11] : memref<2000x128xi32, #tpu.memory_space<vmem>>, vector<2000x128xi32>
    %shift_left3A = arith.constant 16 : i32
    %shift_left3A_13 = vector.broadcast %shift_left3A : i32 to vector<2000x128xi32>
    %shift_left3A_14 = arith.shli %get3A_12, %shift_left3A_13 : vector<2000x128xi32>
    %shift_right_arithmetic3A = arith.constant 16 : i32
    %shift_right_arithmetic3A_15 = vector.broadcast %shift_right_arithmetic3A : i32 to vector<2000x128xi32>
    %shift_right_arithmetic3A_16 = arith.shrsi %shift_left3A_14, %shift_right_arithmetic3A_15 : vector<2000x128xi32>
    %convert_element_type3A = arith.sitofp %shift_right_arithmetic3A_16 : vector<2000x128xi32> to vector<2000x128xf32>
    %mul3A = arith.constant 4.8828125E-4 : f32
    %mul3A_17 = vector.broadcast %mul3A : f32 to vector<2000x128xf32>
    %mul3A_18 = arith.mulf %convert_element_type3A, %mul3A_17 : vector<2000x128xf32>
    %slice3A = vector.extract_strided_slice %add3A_9 {offsets = [0, 0], sizes = [2000, 128], strides = [1, 1]} : vector<2000x256xf32> to vector<2000x128xf32>
    %add3A_19 = arith.addf %mul3A_18, %slice3A : vector<2000x128xf32>
    %shift_right_arithmetic3A_20 = arith.constant 16 : i32
    %shift_right_arithmetic3A_21 = vector.broadcast %shift_right_arithmetic3A_20 : i32 to vector<2000x128xi32>
    %shift_right_arithmetic3A_22 = arith.shrsi %get3A_12, %shift_right_arithmetic3A_21 : vector<2000x128xi32>
    %convert_element_type3A_23 = arith.sitofp %shift_right_arithmetic3A_22 : vector<2000x128xi32> to vector<2000x128xf32>
    %mul3A_24 = arith.constant 4.8828125E-4 : f32
    %mul3A_25 = vector.broadcast %mul3A_24 : f32 to vector<2000x128xf32>
    %mul3A_26 = arith.mulf %convert_element_type3A_23, %mul3A_25 : vector<2000x128xf32>
    %slice3A_27 = vector.extract_strided_slice %add3A_9 {offsets = [0, 128], sizes = [2000, 128], strides = [1, 1]} : vector<2000x256xf32> to vector<2000x128xf32>
    %add3A_28 = arith.addf %mul3A_26, %slice3A_27 : vector<2000x128xf32>
    %neg3A = arith.constant 0.000000e+00 : f32
    %neg3A_29 = vector.broadcast %neg3A : f32 to vector<2000x128xf32>
    %neg3A_30 = arith.subf %neg3A_29, %add3A_19 : vector<2000x128xf32>
    %exp3A = math.exp %neg3A_30 : vector<2000x128xf32>
    %add3A_31 = arith.constant 1.000000e+00 : f32
    %add3A_32 = vector.broadcast %add3A_31 : f32 to vector<2000x128xf32>
    %add3A_33 = arith.addf %add3A_32, %exp3A : vector<2000x128xf32>
    %div3A = arith.constant 1.000000e+00 : f32
    %div3A_34 = vector.broadcast %div3A : f32 to vector<2000x128xf32>
    %div3A_35 = arith.divf %div3A_34, %add3A_33 : vector<2000x128xf32>
    %max3A = arith.constant 0.000000e+00 : f32
    %max3A_36 = vector.broadcast %max3A : f32 to vector<2000x128xf32>
    %max3A_37 = arith.maximumf %add3A_28, %max3A_36 : vector<2000x128xf32>
    %abs3A = math.absf %add3A_28 : vector<2000x128xf32>
    %neg3A_38 = arith.constant 0.000000e+00 : f32
    %neg3A_39 = vector.broadcast %neg3A_38 : f32 to vector<2000x128xf32>
    %neg3A_40 = arith.subf %neg3A_39, %abs3A : vector<2000x128xf32>
    %exp3A_41 = math.exp %neg3A_40 : vector<2000x128xf32>
    %log1p3A = math.log1p %exp3A_41 : vector<2000x128xf32>
    %add3A_42 = arith.addf %max3A_37, %log1p3A : vector<2000x128xf32>
    %mul3A_43 = arith.mulf %div3A_35, %add3A_42 : vector<2000x128xf32>
    %swap3A = arith.constant 0 : index
    %swap3A_44 = arith.constant 0 : index
    %swap3A_45 = vector.load %arg5[%swap3A, %swap3A_44] : memref<2000x128xf32, #tpu.memory_space<vmem>>, vector<2000x128xf32>
    tpu.vector_store %arg5[%swap3A, %swap3A_44], %mul3A_43 {strides = array<i32>} : memref<2000x128xf32, #tpu.memory_space<vmem>>, vector<2000x128xf32>,
    return
  }
  func.func @transform_0(%arg0: i32) -> (i32, i32) {
    %c0_i32 = arith.constant 0 : i32
    %c0_i32_0 = arith.constant 0 : i32
    return %arg0, %c0_i32 : i32, i32
  }
  func.func @transform_1(%arg0: i32) -> (i32, i32) {
    %c0_i32 = arith.constant 0 : i32
    %c0_i32_0 = arith.constant 0 : i32
    return %arg0, %c0_i32 : i32, i32
  }
  func.func @transform_2(%arg0: i32) -> (i32, i32) {
    %c0_i32 = arith.constant 0 : i32
    %c0_i32_0 = arith.constant 0 : i32
    %c0_i32_1 = arith.constant 0 : i32
    return %c0_i32, %c0_i32_0 : i32, i32
  }
  func.func @transform_3(%arg0: i32) -> (i32, i32) {
    %c0_i32 = arith.constant 0 : i32
    %c0_i32_0 = arith.constant 0 : i32
    %c0_i32_1 = arith.constant 0 : i32
    return %c0_i32, %c0_i32_0 : i32, i32
  }
  func.func @transform_4(%arg0: i32) -> (i32, i32) {
    %c0_i32 = arith.constant 0 : i32
    %c0_i32_0 = arith.constant 0 : i32
    return %arg0, %c0_i32 : i32, i32
  }
}

module attributes {stable_mosaic.version = 14 : i64} {
  func.func @_final_body(%arg0: memref<2x10112x128xf32, #tpu.memory_space<vmem>>, %arg1: memref<10000x128xf32, #tpu.memory_space<vmem>>, %arg2: memref<1x10000xi32, #tpu.memory_space<vmem>>, %arg3: memref<1x128xf32, #tpu.memory_space<vmem>>, %arg4: memref<1x128xf32, #tpu.memory_space<vmem>>, %arg5: memref<1x128xf32, #tpu.memory_space<vmem>>, %arg6: memref<1x128xf32, #tpu.memory_space<vmem>>, %arg7: memref<256x2xf32, #tpu.memory_space<vmem>>, %arg8: memref<1x2xf32, #tpu.memory_space<vmem>>, %arg9: memref<1x2xf32, #tpu.memory_space<vmem>>, %arg10: memref<1x2xf32, #tpu.memory_space<vmem>>, %arg11: memref<64x2xf32, #tpu.memory_space<vmem>>) attributes {dimension_semantics = [], scalar_prefetch = 0 : i64, scratch_operands = 0 : i64, tpu.core_type = #tpu.core_type<tc>} {
    %get3A = arith.constant 0 : index
    %get3A_0 = arith.constant 0 : index
    %get3A_1 = arith.constant 0 : index
    %get3A_2 = vector.load %arg0[%get3A, %get3A_0, %get3A_1] : memref<2x10112x128xf32, #tpu.memory_space<vmem>>, vector<1x10000x128xf32>
    %get3A_3 = vector.shape_cast %get3A_2 : vector<1x10000x128xf32> to vector<10000x128xf32>
    %get3A_4 = arith.constant 1 : index
    %get3A_5 = arith.constant 0 : index
    %get3A_6 = arith.constant 0 : index
    %get3A_7 = vector.load %arg0[%get3A_4, %get3A_5, %get3A_6] : memref<2x10112x128xf32, #tpu.memory_space<vmem>>, vector<1x10000x128xf32>
    %get3A_8 = vector.shape_cast %get3A_7 : vector<1x10000x128xf32> to vector<10000x128xf32>
    %add3A = arith.addf %get3A_3, %get3A_8 : vector<10000x128xf32>
    %reduce_sum3A = arith.constant dense<0.000000e+00> : vector<128xf32>
    %reduce_sum3A_9 = vector.multi_reduction <add>, %add3A, %reduce_sum3A [0] : vector<10000x128xf32> to vector<128xf32>
    %broadcast_in_dim3A = vector.shape_cast %reduce_sum3A_9 : vector<128xf32> to vector<1x128xf32>
    %div3A = arith.constant 1.000000e+04 : f32
    %div3A_10 = vector.broadcast %div3A : f32 to vector<1x128xf32>
    %div3A_11 = arith.divf %broadcast_in_dim3A, %div3A_10 : vector<1x128xf32>
    %sub3A = vector.broadcast %div3A_11 : vector<1x128xf32> to vector<10000x128xf32>
    %sub3A_12 = arith.subf %add3A, %sub3A : vector<10000x128xf32>
    %integer_pow3A = arith.mulf %sub3A_12, %sub3A_12 : vector<10000x128xf32>
    %reduce_sum3A_13 = arith.constant dense<0.000000e+00> : vector<128xf32>
    %reduce_sum3A_14 = vector.multi_reduction <add>, %integer_pow3A, %reduce_sum3A_13 [0] : vector<10000x128xf32> to vector<128xf32>
    %broadcast_in_dim3A_15 = vector.shape_cast %reduce_sum3A_14 : vector<128xf32> to vector<1x128xf32>
    %div3A_16 = arith.constant 1.000000e+04 : f32
    %div3A_17 = vector.broadcast %div3A_16 : f32 to vector<1x128xf32>
    %div3A_18 = arith.divf %broadcast_in_dim3A_15, %div3A_17 : vector<1x128xf32>
    %sub3A_19 = vector.broadcast %div3A_11 : vector<1x128xf32> to vector<10000x128xf32>
    %sub3A_20 = arith.subf %add3A, %sub3A_19 : vector<10000x128xf32>
    %add3A_21 = arith.constant 9.99999974E-6 : f32
    %add3A_22 = vector.broadcast %add3A_21 : f32 to vector<1x128xf32>
    %add3A_23 = arith.addf %div3A_18, %add3A_22 : vector<1x128xf32>
    %rsqrt3A = math.rsqrt %add3A_23 : vector<1x128xf32>
    %mul3A = vector.broadcast %rsqrt3A : vector<1x128xf32> to vector<10000x128xf32>
    %mul3A_24 = arith.mulf %sub3A_20, %mul3A : vector<10000x128xf32>
    %get3A_25 = arith.constant 0 : index
    %get3A_26 = arith.constant 0 : index
    %get3A_27 = vector.load %arg3[%get3A_25, %get3A_26] : memref<1x128xf32, #tpu.memory_space<vmem>>, vector<1x128xf32>
    %mul3A_28 = vector.broadcast %get3A_27 : vector<1x128xf32> to vector<10000x128xf32>
    %mul3A_29 = arith.mulf %mul3A_24, %mul3A_28 : vector<10000x128xf32>
    %get3A_30 = arith.constant 0 : index
    %get3A_31 = arith.constant 0 : index
    %get3A_32 = vector.load %arg4[%get3A_30, %get3A_31] : memref<1x128xf32, #tpu.memory_space<vmem>>, vector<1x128xf32>
    %add3A_33 = vector.broadcast %get3A_32 : vector<1x128xf32> to vector<10000x128xf32>
    %add3A_34 = arith.addf %mul3A_29, %add3A_33 : vector<10000x128xf32>
    %get3A_35 = arith.constant 0 : index
    %get3A_36 = arith.constant 0 : index
    %get3A_37 = vector.load %arg1[%get3A_35, %get3A_36] : memref<10000x128xf32, #tpu.memory_space<vmem>>, vector<10000x128xf32>
    %add3A_38 = arith.addf %get3A_37, %add3A_34 : vector<10000x128xf32>
    %reduce_sum3A_39 = arith.constant dense<0.000000e+00> : vector<10000xf32>
    %reduce_sum3A_40 = vector.multi_reduction <add>, %add3A_38, %reduce_sum3A_39 [1] : vector<10000x128xf32> to vector<10000xf32>
    %broadcast_in_dim3A_41 = vector.shape_cast %reduce_sum3A_40 : vector<10000xf32> to vector<10000x1xf32>
    %div3A_42 = arith.constant 1.280000e+02 : f32
    %div3A_43 = vector.broadcast %div3A_42 : f32 to vector<10000x1xf32>
    %div3A_44 = arith.divf %broadcast_in_dim3A_41, %div3A_43 : vector<10000x1xf32>
    %sub3A_45 = vector.broadcast %div3A_44 : vector<10000x1xf32> to vector<10000x128xf32>
    %sub3A_46 = arith.subf %add3A_38, %sub3A_45 : vector<10000x128xf32>
    %integer_pow3A_47 = arith.mulf %sub3A_46, %sub3A_46 : vector<10000x128xf32>
    %reduce_sum3A_48 = arith.constant dense<0.000000e+00> : vector<10000xf32>
    %reduce_sum3A_49 = vector.multi_reduction <add>, %integer_pow3A_47, %reduce_sum3A_48 [1] : vector<10000x128xf32> to vector<10000xf32>
    %broadcast_in_dim3A_50 = vector.shape_cast %reduce_sum3A_49 : vector<10000xf32> to vector<10000x1xf32>
    %div3A_51 = arith.constant 1.280000e+02 : f32
    %div3A_52 = vector.broadcast %div3A_51 : f32 to vector<10000x1xf32>
    %div3A_53 = arith.divf %broadcast_in_dim3A_50, %div3A_52 : vector<10000x1xf32>
    %sub3A_54 = vector.broadcast %div3A_44 : vector<10000x1xf32> to vector<10000x128xf32>
    %sub3A_55 = arith.subf %add3A_38, %sub3A_54 : vector<10000x128xf32>
    %add3A_56 = arith.constant 9.99999974E-6 : f32
    %add3A_57 = vector.broadcast %add3A_56 : f32 to vector<10000x1xf32>
    %add3A_58 = arith.addf %div3A_53, %add3A_57 : vector<10000x1xf32>
    %rsqrt3A_59 = math.rsqrt %add3A_58 : vector<10000x1xf32>
    %mul3A_60 = vector.broadcast %rsqrt3A_59 : vector<10000x1xf32> to vector<10000x128xf32>
    %mul3A_61 = arith.mulf %sub3A_55, %mul3A_60 : vector<10000x128xf32>
    %get3A_62 = arith.constant 0 : index
    %get3A_63 = arith.constant 0 : index
    %get3A_64 = vector.load %arg5[%get3A_62, %get3A_63] : memref<1x128xf32, #tpu.memory_space<vmem>>, vector<1x128xf32>
    %mul3A_65 = vector.broadcast %get3A_64 : vector<1x128xf32> to vector<10000x128xf32>
    %mul3A_66 = arith.mulf %mul3A_61, %mul3A_65 : vector<10000x128xf32>
    %get3A_67 = arith.constant 0 : index
    %get3A_68 = arith.constant 0 : index
    %get3A_69 = vector.load %arg6[%get3A_67, %get3A_68] : memref<1x128xf32, #tpu.memory_space<vmem>>, vector<1x128xf32>
    %add3A_70 = vector.broadcast %get3A_69 : vector<1x128xf32> to vector<10000x128xf32>
    %add3A_71 = arith.addf %mul3A_66, %add3A_70 : vector<10000x128xf32>
    %max3A = arith.constant 0.000000e+00 : f32
    %max3A_72 = vector.broadcast %max3A : f32 to vector<10000x128xf32>
    %max3A_73 = arith.maximumf %add3A_71, %max3A_72 : vector<10000x128xf32>
    %abs3A = math.absf %add3A_71 : vector<10000x128xf32>
    %neg3A = arith.constant 0.000000e+00 : f32
    %neg3A_74 = vector.broadcast %neg3A : f32 to vector<10000x128xf32>
    %neg3A_75 = arith.subf %neg3A_74, %abs3A : vector<10000x128xf32>
    %exp3A = math.exp %neg3A_75 : vector<10000x128xf32>
    %log1p3A = math.log1p %exp3A : vector<10000x128xf32>
    %add3A_76 = arith.addf %max3A_73, %log1p3A : vector<10000x128xf32>
    %get3A_77 = arith.constant 0 : index
    %get3A_78 = arith.constant 0 : index
    %get3A_79 = vector.load %arg2[%get3A_77, %get3A_78] : memref<1x10000xi32, #tpu.memory_space<vmem>>, vector<1x10000xi32>
    %iota3A = tpu.iota {dimensions = array<i32: 0>} : vector<64x10000xi32>
    %eq3A = vector.broadcast %get3A_79 : vector<1x10000xi32> to vector<64x10000xi32>
    %eq3A_80 = arith.cmpi eq, %iota3A, %eq3A : vector<64x10000xi32>
    %convert_element_type3A = arith.extui %eq3A_80 : vector<64x10000xi1> to vector<64x10000xi32>
    %convert_element_type3A_81 = arith.sitofp %convert_element_type3A : vector<64x10000xi32> to vector<64x10000xf32>
    %dot_general3A = arith.constant dense<0.000000e+00> : vector<64x128xf32>
    %dot_general3A_82 = tpu.matmul %convert_element_type3A_81, %add3A_76, %dot_general3A {dimension_numbers = #tpu.dot_dimension_numbers<[1], [0], [0], [1], [0, 0, 1, 1], [], []>, transpose_lhs_hint = false} : vector<64x10000xf32>, vector<10000x128xf32>, vector<64x128xf32> -> vector<64x128xf32>
    %reduce_sum3A_83 = arith.constant dense<0.000000e+00> : vector<64xf32>
    %reduce_sum3A_84 = vector.multi_reduction <add>, %convert_element_type3A_81, %reduce_sum3A_83 [1] : vector<64x10000xf32> to vector<64xf32>
    %broadcast_in_dim3A_85 = vector.shape_cast %reduce_sum3A_84 : vector<64xf32> to vector<64x1xf32>
    %max3A_86 = arith.constant 1.000000e+00 : f32
    %max3A_87 = vector.broadcast %max3A_86 : f32 to vector<64x1xf32>
    %max3A_88 = arith.maximumf %broadcast_in_dim3A_85, %max3A_87 : vector<64x1xf32>
    %div3A_89 = vector.broadcast %max3A_88 : vector<64x1xf32> to vector<64x128xf32>
    %div3A_90 = arith.divf %dot_general3A_82, %div3A_89 : vector<64x128xf32>
    %concatenate3A = tpu.concatenate %div3A_90, %dot_general3A_82 in 1 : vector<64x128xf32>, vector<64x128xf32> -> vector<64x256xf32>
    %get3A_91 = arith.constant 0 : index
    %get3A_92 = arith.constant 0 : index
    %get3A_93 = vector.load %arg7[%get3A_91, %get3A_92] : memref<256x2xf32, #tpu.memory_space<vmem>>, vector<256x2xf32>
    %dot_general3A_94 = arith.constant dense<0.000000e+00> : vector<64x2xf32>
    %dot_general3A_95 = tpu.matmul %concatenate3A, %get3A_93, %dot_general3A_94 {dimension_numbers = #tpu.dot_dimension_numbers<[1], [0], [0], [1], [0, 0, 1, 1], [], []>, transpose_lhs_hint = false} : vector<64x256xf32>, vector<256x2xf32>, vector<64x2xf32> -> vector<64x2xf32>
    %get3A_96 = arith.constant 0 : index
    %get3A_97 = arith.constant 0 : index
    %get3A_98 = vector.load %arg8[%get3A_96, %get3A_97] : memref<1x2xf32, #tpu.memory_space<vmem>>, vector<1x2xf32>
    %add3A_99 = vector.broadcast %get3A_98 : vector<1x2xf32> to vector<64x2xf32>
    %add3A_100 = arith.addf %dot_general3A_95, %add3A_99 : vector<64x2xf32>
    %reduce_sum3A_101 = arith.constant dense<0.000000e+00> : vector<64xf32>
    %reduce_sum3A_102 = vector.multi_reduction <add>, %add3A_100, %reduce_sum3A_101 [1] : vector<64x2xf32> to vector<64xf32>
    %broadcast_in_dim3A_103 = vector.shape_cast %reduce_sum3A_102 : vector<64xf32> to vector<64x1xf32>
    %div3A_104 = arith.constant 2.000000e+00 : f32
    %div3A_105 = vector.broadcast %div3A_104 : f32 to vector<64x1xf32>
    %div3A_106 = arith.divf %broadcast_in_dim3A_103, %div3A_105 : vector<64x1xf32>
    %sub3A_107 = vector.broadcast %div3A_106 : vector<64x1xf32> to vector<64x2xf32>
    %sub3A_108 = arith.subf %add3A_100, %sub3A_107 : vector<64x2xf32>
    %integer_pow3A_109 = arith.mulf %sub3A_108, %sub3A_108 : vector<64x2xf32>
    %reduce_sum3A_110 = arith.constant dense<0.000000e+00> : vector<64xf32>
    %reduce_sum3A_111 = vector.multi_reduction <add>, %integer_pow3A_109, %reduce_sum3A_110 [1] : vector<64x2xf32> to vector<64xf32>
    %broadcast_in_dim3A_112 = vector.shape_cast %reduce_sum3A_111 : vector<64xf32> to vector<64x1xf32>
    %div3A_113 = arith.constant 2.000000e+00 : f32
    %div3A_114 = vector.broadcast %div3A_113 : f32 to vector<64x1xf32>
    %div3A_115 = arith.divf %broadcast_in_dim3A_112, %div3A_114 : vector<64x1xf32>
    %sub3A_116 = vector.broadcast %div3A_106 : vector<64x1xf32> to vector<64x2xf32>
    %sub3A_117 = arith.subf %add3A_100, %sub3A_116 : vector<64x2xf32>
    %add3A_118 = arith.constant 9.99999974E-6 : f32
    %add3A_119 = vector.broadcast %add3A_118 : f32 to vector<64x1xf32>
    %add3A_120 = arith.addf %div3A_115, %add3A_119 : vector<64x1xf32>
    %rsqrt3A_121 = math.rsqrt %add3A_120 : vector<64x1xf32>
    %mul3A_122 = vector.broadcast %rsqrt3A_121 : vector<64x1xf32> to vector<64x2xf32>
    %mul3A_123 = arith.mulf %sub3A_117, %mul3A_122 : vector<64x2xf32>
    %get3A_124 = arith.constant 0 : index
    %get3A_125 = arith.constant 0 : index
    %get3A_126 = vector.load %arg9[%get3A_124, %get3A_125] : memref<1x2xf32, #tpu.memory_space<vmem>>, vector<1x2xf32>
    %mul3A_127 = vector.broadcast %get3A_126 : vector<1x2xf32> to vector<64x2xf32>
    %mul3A_128 = arith.mulf %mul3A_123, %mul3A_127 : vector<64x2xf32>
    %get3A_129 = arith.constant 0 : index
    %get3A_130 = arith.constant 0 : index
    %get3A_131 = vector.load %arg10[%get3A_129, %get3A_130] : memref<1x2xf32, #tpu.memory_space<vmem>>, vector<1x2xf32>
    %add3A_132 = vector.broadcast %get3A_131 : vector<1x2xf32> to vector<64x2xf32>
    %add3A_133 = arith.addf %mul3A_128, %add3A_132 : vector<64x2xf32>
    %swap3A = arith.constant 0 : index
    %swap3A_134 = arith.constant 0 : index
    %swap3A_135 = vector.load %arg11[%swap3A, %swap3A_134] : memref<64x2xf32, #tpu.memory_space<vmem>>, vector<64x2xf32>
    tpu.vector_store %arg11[%swap3A, %swap3A_134], %add3A_133 {strides = array<i32>} : memref<64x2xf32, #tpu.memory_space<vmem>>, vector<64x2xf32>,
    return
  }
}

</mosaic_0001>

<sc_bundles>
// kernel: kernel.10.cloned.1.call-start
scs
__scs_entry_jumppad:
0x0: {  	(pc) =	sbr.rel $0x88, $3  }
0x1: {  	(tag) =	ssettag $0x0;
	lr =	simm.s32 $0x1  }
0x2: {  	[smem:$0x3F91] =	sst lr;
	_ =	strace $0xD0000000  }
0x3: {  	_ = 	snop  }
0x4: {  	_ = 	snop  }
0x5: {  	_ = 	snop  }
0x6: {  	_ = 	snop  }
0x7: {  	_ = 	snop  }
__scs_overlays_trampoline_lowered:
0x8: {  	[smem:$0x3FA0] =	sst s0  }
0x9: {  	[smem:$0x3FA1] =	sst s1  }
0xa: {  	[smem:$0x3FA2] =	sst s2  }
0xb: {  	[smem:$0x3FA3] =	sst s3  }
0xc: {  	[smem:$0x3FA4] =	sst s4  }
0xd: {  	[smem:$0x3FA5] =	sst s5  }
0xe: {  	[smem:$0x3FA6] =	sst s6  }
0xf: {  	[smem:$0x3FA7] =	sst s7  }
0x10: {  	[smem:$0x3FA8] =	sst s8  }
0x11: {  	[smem:$0x3FA9] =	sst s9;
	s0 =	simm.s32 @!p0 $0x0  }
0x12: {  	s1 =	sld [smem:$0x3F8F];
	s0 =	simm.s32 @p0 $0x1  }
0x13: {  	[smem:$0x3FAA] =	sst s0;
	s0 =	simm.s32 @!p1 $0x0  }
0x14: {  	s2 =	sld [smem:$0x3F8E];
	s0 =	simm.s32 @p1 $0x1  }
0x15: {  	[smem:$0x3FAB] =	sst s0;
	s0 =	simm.s32 @!p2 $0x0  }
0x16: {  	s3 =	sld [smem:$0x3FDB];
	s0 =	simm.s32 @p2 $0x1  }
0x17: {  	s4 =	simm.s32 $0x1BF5;
	[smem:$0x3FAD] =	sst s0  }
0x18: {  	s0 =	sld [smem:$0x3F90];
	_ =	swait.ge [sflag:s4], $0x0  }
0x19: {  	s7 =	sld [smem:$0x3F91]  }
0x1a: {  	s8 =	sadd.s32 $0xFFFFE003, lr  }
0x1b: {  	s9 =	sadd.s32 $0xFFFFFEF7, lr;
	s5 =	simm.s32 $0xFFFFFFFF;
	p2 =	slt.u32 s8, $0xFFFFF086  }
0x1c: {  	p1 =	slt.u32 s9, $0xF7A;
	s5 =	simm.s32 @!p2 $0x0  }
0x1d: {  	s5 =	simm.s32 @p1 $0x1;
	p0 =	seq.s32 s7, s2  }
0x1e: {  	s7 =	smul.u32 @!p0 $0xF7A, s2;
	p2 =	seq.s32 @!p0 s5, $0x0  }
0x1f: {  	s9 =	smul.u32 $0xF7A, s1;
	s8 =	simm.s32 @!p0 $0x1BF5;
	p2 =	por !p2, p0  }
0x20: {  	[sflag:s8] =	ssyncset.s32 @!p0 $0xFFFFF086;
	s6 =	sadd.s32 @!p0 s3, s7;
	s7 =	simm.s32 @!p0 $0x108  }
0x21: {  	s3 =	sadd.s32 s3, s9;
	s6 =	sadd.s32 @!p0 $0x88, s6;
	s7 =	simm.s32 @p2 $0x1082  }
0x22: {  	[simem:s7], [sflag:s8] =	dma.local @!p0 [hbm:s6], $0xF7A  }
0x23: {  	s9 =	sor.u32 $0xD0000000, s2;
	s6 =	simm.s32 $0x108;
	_ =	swait.ge @!p0 [sflag:s8], $0x0  }
0x24: {  	s3 =	sadd.s32 $0x88, s3;
	s6 =	simm.s32 @!p1 $0x1082;
	[sflag:s4] =	ssyncset.s32 $0xFFFFF086  }
0x25: {  	[simem:s6], [sflag:s4] =	dma.local [hbm:s3], $0xF7A  }
0x26: {  	[smem:$0x3F91] =	sst s1;
	(tag) =	ssettag s2;
	_ =	strace s9  }
0x27: {  	s1 =	sld [smem:$0x3FA1]  }
0x28: {  	s2 =	sld [smem:$0x3FA2]  }
0x29: {  	s4 =	sld [smem:$0x3FA4]  }
0x2a: {  	p0 =	seq.s32 s5, $0x0;
	s5 =	sld [smem:$0x3FA5]  }
0x2b: {  	s6 =	sld [smem:$0x3FA6]  }
0x2c: {  	s7 =	sld [smem:$0x3FA7]  }
0x2d: {  	s3 =	simm.s32 $0x108;
	s8 =	sld [smem:$0x3FA8]  }
0x2e: {  	s3 =	simm.s32 @!p0 $0x1082;
	s9 =	sld [smem:$0x3FA9]  }
0x2f: {  	lr =	sadd.s32 s0, s3;
	s0 =	sld [smem:$0x3FA0]  }
0x30: {  	s3 =	sld [smem:$0x3FA3]  }
0x31: {  	[smem:$0x3FAC] =	sst s10  }
0x32: {  	s10 =	sld [smem:$0x3FAA];
	_ =	sdelay $0x3  }
0x33: {  	p0 =	seq.s32 s10, $0x1;
	s10 =	sld [smem:$0x3FAC];
	_ =	sdelay $0x3  }
0x34: {  	[smem:$0x3FAC] =	sst s10  }
0x35: {  	s10 =	sld [smem:$0x3FAB];
	_ =	sdelay $0x3  }
0x36: {  	p1 =	seq.s32 s10, $0x1;
	s10 =	sld [smem:$0x3FAC];
	_ =	sdelay $0x3  }
0x37: {  	[smem:$0x3FAC] =	sst s10  }
0x38: {  	s10 =	sld [smem:$0x3FAD]  }
0x39: {  	_ = 	snop;
	(pc) =	sbr.ind lr, $3  }
0x3a: {  	_ = 	snop  }
0x3b: {  	_ = 	snop  }
0x3c: {  	p2 =	seq.s32 s10, $0x1;
	s10 =	sld [smem:$0x3FAC]  }
0x3d: {  	_ =	shalt  }
0x3e: {  	_ =	shalt  }
0x3f: {  	_ =	shalt  }
0x40: {  	_ =	shalt  }
0x41: {  	_ =	shalt  }
0x42: {  	_ =	shalt  }
0x43: {  	_ =	shalt  }
0x44: {  	_ =	shalt  }
0x45: {  	_ =	shalt  }
0x46: {  	_ =	shalt  }
0x47: {  	_ =	shalt  }
0x48: {  	_ =	shalt  }
0x49: {  	_ =	shalt  }
0x4a: {  	_ =	shalt  }
0x4b: {  	_ =	shalt  }
0x4c: {  	_ =	shalt  }
0x4d: {  	_ =	shalt  }
0x4e: {  	_ =	shalt  }
0x4f: {  	_ =	shalt  }
0x50: {  	_ =	shalt  }
0x51: {  	_ =	shalt  }
0x52: {  	_ =	shalt  }
0x53: {  	_ =	shalt  }
0x54: {  	_ =	shalt  }
0x55: {  	_ =	shalt  }
0x56: {  	_ =	shalt  }
0x57: {  	_ =	shalt  }
0x58: {  	_ =	shalt  }
0x59: {  	_ =	shalt  }
0x5a: {  	_ =	shalt  }
0x5b: {  	_ =	shalt  }
0x5c: {  	_ =	shalt  }
0x5d: {  	_ =	shalt  }
0x5e: {  	_ =	shalt  }
0x5f: {  	_ =	shalt  }
0x60: {  	_ =	shalt  }
0x61: {  	_ =	shalt  }
0x62: {  	_ =	shalt  }
0x63: {  	_ =	shalt  }
0x64: {  	_ =	shalt  }
0x65: {  	_ =	shalt  }
0x66: {  	_ =	shalt  }
0x67: {  	_ =	shalt  }
0x68: {  	_ =	shalt  }
0x69: {  	_ =	shalt  }
0x6a: {  	_ =	shalt  }
0x6b: {  	_ =	shalt  }
0x6c: {  	_ =	shalt  }
0x6d: {  	_ =	shalt  }
0x6e: {  	_ =	shalt  }
0x6f: {  	_ =	shalt  }
0x70: {  	_ =	shalt  }
0x71: {  	_ =	shalt  }
0x72: {  	_ =	shalt  }
0x73: {  	_ =	shalt  }
0x74: {  	_ =	shalt  }
0x75: {  	_ =	shalt  }
0x76: {  	_ =	shalt  }
0x77: {  	_ =	shalt  }
0x78: {  	_ =	shalt  }
0x79: {  	_ =	shalt  }
0x7a: {  	_ =	shalt  }
0x7b: {  	_ =	shalt  }
0x7c: {  	_ =	shalt  }
0x7d: {  	_ =	shalt  }
0x7e: {  	_ =	shalt  }
0x7f: {  	_ =	shalt  }
0x80: {  	_ =	shalt  }
0x81: {  	_ =	shalt  }
0x82: {  	_ =	shalt  }
0x83: {  	_ =	shalt  }
0x84: {  	_ =	shalt  }
0x85: {  	_ =	shalt  }
0x86: {  	_ =	shalt  }
0x87: {  	_ =	shalt  }
.Lfunc_end0:
.L_simem_size_0:
called_computation.1_lowered:
.L_overlay_start_0:
0x88: {  	s2 =	sld [smem:$0x3FD9]  }
0x89: {  	s3 =	sld [smem:$0x3FFE];
	_ =	sdelay $0x1  }
0x8a: {  	s1 =	srdreg.scid  }
0x8b: {  	s0 =	sand.u32 $0x1, s1  }
0x8c: {  	s16 =	sshll.u32 s0, $0xA;
	s2 =	sadd.s32 s3, s2  }
0x8d: {  	s2 =	sadd.s32 s2, s16  }
0x8e: {  	[smem:$0x3FB8] =	sst s2  }
0x8f: {  	_ = 	snop  }
0x90: {  	(tm) =	ssettm $0x1  }
0x91: {  	s17 =	sld [smem:$0x3FFB];
	_ =	sdelay $0x3  }
0x92: {  	_ =	strace s17  }
0x93: {  	s2 =	sld [smem:$0x3FFC];
	_ =	sdelay $0x3  }
0x94: {  	_ =	strace s2  }
0x95: {  	s2 =	sld [smem:$0x3FFD];
	_ =	sdelay $0x3  }
0x96: {  	_ =	strace s2  }
0x97: {  	_ =	strace $0x8FFFFFFF  }
0x98: {  	s18 =	sld [smem:$0x3FDB];
	_ =	sdelay $0x1  }
0x99: {  	s19 =	simm.s32 $_scs_section_size  }
0x9a: {  	s4 =	simm.s32 $_size__tile_overlayer_lowered;
	s5 =	simm.s32 $_tile_overlayer_lowered  }
0x9b: {  	s22 =	simm.s32 $0x1BFF;
	s21 =	sshll.u32 s5, $0x1;
	s2 =	sadd.s32 s19, s18  }
0x9c: {  	s6 =	simm.s32 $0x0;
	s20 =	sshll.u32 s4, $0x1;
	s4 =	sadd.s32 s21, s2  }
0x9d: {  	[timem:s6], [sflag:s22] =	dma.local [hbm:s4], s20  }
0x9e: {  	_ =	swait.ge [sflag:s22], s20  }
0x9f: {  	s3 =	ssub.s32 $0x0, s20;
	[sflag:s22] =	ssyncset.done $0x0  }
0xa0: {  	[sflag:s22] =	ssyncadd.s32 s3;
	_ =	sdelay $0x1  }
0xa1: {  	s23 =	simm.s32 $0x1B8B  }
0xa2: {  	_ =	swait.ge [sflag:s23], $0x1  }
0xa3: {  	[sflag:s23] =	ssyncset.done $0x0  }
0xa4: {  	s25 =	simm.s32 $0x1B8E;
	s24 =	sld [smem:$0x3FFE];
	[sflag:s23] =	ssyncadd.s32 $0xFFFFFFFF  }
0xa5: {  	s26 =	simm.s32 $execute0_lowered;
	[smem:$0x3FD2] =	sst s25  }
0xa6: {  	s4 =	sshll.u32 s26, $0x1;
	_ =	strace $0x80000049;
	[dreg:$0x1] =	wrdreg $0xFFFFFFFF  }
0xa7: {  	s28 =	simm.s32 $_size_execute0_lowered;
	s2 =	sadd.s32 s2, s4;
	[dreg:$0x0] =	wrdreg $0x0  }
0xa8: {  	s4 =	sshll.u32 s28, $0x1;
	[dreg:$0x2] =	wrdreg s2  }
0xa9: {  	[dreg:$0x3] =	wrdreg s4  }
0xaa: {  	[dreg:$0x4] =	wrdreg $0xC0  }
0xab: {  	_ =	task [dreg:s6], $0x5FFFF  }
0xac: {  	[dreg:$0x1] =	wrdreg $0xFFFFFFFF  }
0xad: {  	[dreg:$0x0] =	wrdreg $0x60  }
0xae: {  	[dreg:$0x2] =	wrdreg s24  }
0xaf: {  	[dreg:$0x3] =	wrdreg $0x81000  }
0xb0: {  	[dreg:$0x4] =	wrdreg $0x9  }
0xb1: {  	_ =	task.clear_ibuf [dreg:s6], $0x5FFFF;
	_ =	strace $0x90000049  }
0xb2: {  	s29 =	simm.s32 $0x9;
	_ =	strace $0x8000004B  }
0xb3: {  	_ =	swait.ge [sflag:s29], $0x1  }
0xb4: {  	[sflag:s29] =	ssyncadd.s32 $0xFFFFFFFF  }
0xb5: {  	_ =	strace $0x9000004B  }
0xb6: {  	_ =	sfence  }
0xb7: {  	s30 =	sld [smem:$0x0];
	_ =	sdelay $0x2  }
0xb8: {  	s31 =	sshll.u32 s1, $0xD;
	s1 =	sshrl.u32 s1, $0x2  }
0xb9: {  	s3 =	sand.u32 $0x4000, s31;
	s1 =	sadd.s32 s1, s30  }
0xba: {  	s0 =	sor.u32 s3, s0;
	s1 =	sshll.u32 s1, $0x11  }
0xbb: {  	s0 =	sor.u32 s1, s0  }
0xbc: {  	s0 =	sadd.s32 $0x8F2B, s0  }
0xbd: {  	[sflag:s0] =	ssyncadd.remote.s32 $0x1  }
0xbe: {  	_ =	sfence.sel $0xFFFF  }
0xbf: {  	[dreg:$0x0] =	wrdreg $0xFFFFFFFF;
	(pc) =	sbr.abs _section_cstart, $3  }
0xc0: {  	[dreg:$0x1] =	wrdreg $0xFFFFFFFF  }
0xc1: {  	_ =	task.clear_ibuf [dreg:s6], $0x2FFFF;
	_ =	strace $0x9FFFFFFF  }
0xc2: {  	(tm) =	ssettm $0x7FFFFFFF  }
0xc3: {  	_ =	shalt  }
tec
execute0_lowered:
.L_overlay_start_1:
0x0: {  	(tag) =	ssettag $0x1  }
0x1: {  	s0 =	srdreg.scid;
	s18 =	stileid.u32  }
0x2: {  	s1 =	rddreg [dreg:$0x0];
	s5 =	smul.u32 $0x13C00, s18  }
0x3: {  	s2 =	rddreg [dreg:$0x1];
	s3 =	simm.s32 $0x0;
	s6 =	smul.u32 $0x4F000, s18  }
0x4: {  	s28 =	simm.s32 $0x2;
	s0 =	sand.u32 $0x1, s0;
	s17 =	smul.u32 $0x2710, s18  }
0x5: {  	s29 =	simm.s32 $0x4;
	s30 =	simm.s32 $0x1BD00;
	s4 =	smul.u32 $0x13C000, s0  }
0x6: {  	[smem:$0x7FF] =	sst s3;
	s7 =	sadd.s32 $0xA28A00, s1;
	s16 =	smul.u32 $0x27100, s0  }
0x7: {  	s8 =	ssub.s32 $0x2, s0;
	s31 =	sshll.u32 s0, $0x4;
	s0 =	smul.u32 $0x271000, s0  }
0x8: {  	_ =	strace $0x8000004A;
	s10 =	sor.u32 s18, s31;
	s18 =	smul.u32 $0x27100, s18  }
0x9: {  	s6 =	sshrl.u32 s6, $0x2;
	s9 =	sshrl.u32 s8, $0x1;
	s13 =	smul.u32 $0x2710, s10  }
0xa: {  	s4 =	sadd.s32 s5, s4;
	s9 =	ssub.s32 s8, s9;
	s11 =	smul.u32 $0x27100, s10  }
0xb: {  	s0 =	sadd.s32 s0, s7;
	s5 =	sshrl.u32 s4, $0x3;
	s4 =	sadd.s32 $0xC800, s1  }
0xc: {  	s0 =	sadd.s32 s18, s0;
	s1 =	sadd.s32 s5, s1;
	s5 =	sadd.s32 s6, s2  }
0xd: {  	s23 =	sshrl.u32 s13, $0x3;
	s14 =	sadd.s32 $0x80, s13;
	s11 =	sadd.s32 s7, s11  }
0xe: {  	s15 =	sadd.s32 $0x2700, s13;
	s19 =	sadd.s32 $0x4000, s5;
	s20 =	sadd.s32 $0x8000, s5  }
0xf: {  	s21 =	sadd.s32 $0xC000, s5;
	s22 =	sadd.s32 $0x10000, s5;
	[dreg:$0x3] =	wrdreg s19  }
0x10: {  	s10 =	sadd.s32 s4, s23;
	s12 =	sshrl.u32 s14, $0x3;
	[dreg:$0x4] =	wrdreg s20  }
0x11: {  	s24 =	sshll.u32 s14, $0x4;
	s25 =	sshrl.u32 s15, $0x3;
	[dreg:$0x5] =	wrdreg s21  }
0x12: {  	s15 =	sshll.u32 s15, $0x4;
	s23 =	simm.s32 $0x80;
	[dreg:$0x6] =	wrdreg s22  }
0x13: {  	s12 =	sadd.s32 s4, s12;
	s13 =	sadd.s32 s7, s24;
	s14 =	sadd.s32 s4, s25  }
0x14: {  	s20 =	sadd.s32 s17, s16;
	s15 =	sadd.s32 s7, s15;
	s16 =	sadd.s32 $0x16600, s1  }
0x15: {  	s17 =	smax.u32 s9, $0x1;
	s7 =	sadd.s32 $0x1800, s0;
	s21 =	simm.s32 $0x100  }
0x16: {  	s22 =	simm.s32 $0x5;
	s24 =	simm.s32 $0x4100;
	s26 =	sadd.s32 $0x180, s20  }
0x17: {  	s25 =	simm.s32 $0x1;
	s1 =	simm.s32 $0x0;
	s31 =	sshrl.u32 s26, $0x3  }
0x18: {  	v0 =	vimm.f32 $0.0e+00;
	s20 =	sadd.s32 $0x100, s20;
	s26 =	simm.s32 $0x3;
	s19 =	sadd.s32 s31, s4  }
.LBB2_1:
0x19: {  	s0 =	simm.s32 $0x0;
	s6 =	simm.s32 $0x200  }
.LBB2_2:
0x1a: {  	p0 =	sne.s32 s6, $0xFE00;
	[tilespmem:s0+$0x170] =	vst v0  }
0x1b: {  	[tilespmem:s0+$0x100] =	vst v0  }
0x1c: {  	[tilespmem:s0+$0x110] =	vst v0  }
.Ltmp0:
0x1d: {  	[tilespmem:s0+$0x120] =	vst v0;
	(pc) =	sbr.rel @p0 .LBB2_2-.Ltmp0, $4  }
0x1e: {  	[tilespmem:s0+$0x130] =	vst v0  }
0x1f: {  	[tilespmem:s0+$0x140] =	vst v0  }
0x20: {  	[tilespmem:s0+$0x150] =	vst v0  }
0x21: {  	[tilespmem:s0+$0x160] =	vst v0;
	s0 =	sshra.s32 s6, $0x2;
	s6 =	sadd.s32 $0x200, s6  }
0x22: {  	[tilespmem:s0+$0x170] =	vst v0  }
0x23: {  	[tilespmem:s0+$0x100] =	vst v0  }
0x24: {  	[tilespmem:s0+$0x110] =	vst v0  }
0x25: {  	[tilespmem:s0+$0x120] =	vst v0  }
0x26: {  	[tilespmem:s0+$0x130] =	vst v0  }
0x27: {  	[tilespmem:s0+$0x140] =	vst v0  }
0x28: {  	[tilespmem:s0+$0x150] =	vst v0  }
0x29: {  	[tilespmem:s0+$0x160] =	vst v0  }
0x2a: {  	[spmem:s5] =	stream.linear.scatter [tilespmem:s21], [sflag:$0x5], $0x4000, $0x38;
	[tilespmem:$0x1BD80] =	vst v63  }
0x2b: {  	_ =	swait.ge [sflag:s22], $0x4000  }
0x2c: {  	[sflag:s22] =	ssyncset.done $0x0  }
0x2d: {  	s6 =	rddreg [dreg:$0x3];
	[sflag:s22] =	ssyncadd.s32 $0xFFFFC000  }
0x2e: {  	[spmem:s6] =	stream.linear.scatter [tilespmem:s21], [sflag:$0x5], $0x4000, $0x38;
	[tilespmem:$0x1BD80] =	vst v63  }
0x2f: {  	_ =	swait.ge [sflag:s22], $0x4000  }
0x30: {  	[sflag:s22] =	ssyncset.done $0x0  }
0x31: {  	s8 =	rddreg [dreg:$0x4];
	[sflag:s22] =	ssyncadd.s32 $0xFFFFC000  }
0x32: {  	[spmem:s8] =	stream.linear.scatter [tilespmem:s21], [sflag:$0x5], $0x4000, $0x38;
	[tilespmem:$0x1BD80] =	vst v63  }
0x33: {  	_ =	swait.ge [sflag:s22], $0x4000  }
0x34: {  	[sflag:s22] =	ssyncset.done $0x0  }
0x35: {  	s9 =	rddreg [dreg:$0x5];
	[sflag:s22] =	ssyncadd.s32 $0xFFFFC000  }
0x36: {  	[spmem:s9] =	stream.linear.scatter [tilespmem:s21], [sflag:$0x5], $0x4000, $0x38;
	[tilespmem:$0x1BD80] =	vst v63  }
0x37: {  	_ =	swait.ge [sflag:s22], $0x4000  }
0x38: {  	[sflag:s22] =	ssyncset.done $0x0  }
0x39: {  	s18 =	rddreg [dreg:$0x6];
	[sflag:s22] =	ssyncadd.s32 $0xFFFFC000  }
0x3a: {  	[spmem:s18] =	stream.linear.scatter [tilespmem:s21], [sflag:$0x5], $0x3C00, $0x38;
	[tilespmem:$0x1BD80] =	vst v63  }
0x3b: {  	_ =	swait.ge [sflag:s22], $0x3C00  }
0x3c: {  	[sflag:s22] =	ssyncset.done $0x0  }
0x3d: {  	[sflag:s22] =	ssyncadd.s32 $0xFFFFC400  }
0x3e: {  	s6 =	simm.s32 $0x0;
	[bflag:$0x0] =	sbarrier.arrive $0xFFFF  }
0x3f: {  	[tilespmem:s6], [sflag:$0x1] =	stream.linear.gather [hbm4b:s10+s6], $0x80, $0x38;
	[tilespmem:$0x1BD80] =	vst v63  }
0x40: {  	_ = 	snop  }
0x41: {  	[tilespmem:s21], [sflag:$0x3] =	stream.linear.gather [hbm4b:s11+s6], $0x4000, $0x38;
	[tilespmem:$0x1BD80] =	vst v63  }
0x42: {  	_ = 	snop  }
0x43: {  	[tilespmem:s23], [sflag:$0x2] =	stream.linear.gather [hbm4b:s12+s6], $0x80, $0x38;
	[tilespmem:$0x1BD80] =	vst v63  }
0x44: {  	_ = 	snop  }
0x45: {  	[tilespmem:s24], [sflag:$0x4] =	stream.linear.gather [hbm4b:s13+s6], $0x4000, $0x38;
	[tilespmem:$0x1BD80] =	vst v63  }
0x46: {  	_ =	swait.ge [sflag:s25], $0x80  }
0x47: {  	[sflag:s25] =	ssyncset.done $0x0  }
0x48: {  	[sflag:s25] =	ssyncadd.s32 $0xFFFFFF80  }
0x49: {  	_ =	swait.ge [sflag:s26], $0x4000  }
0x4a: {  	[sflag:s26] =	ssyncset.done $0x0  }
0x4b: {  	[sflag:s26] =	ssyncadd.s32 $0xFFFFC000  }
0x4c: {  	[spmem:s2] =	stream.indirect.scatter.add.f32 [tilespmem:s21], [sflag:$0x5], $0x80, s3, s23, $0xb8;
	[tilespmem:$0x1BD80] =	vst v63  }
0x4d: {  	_ =	swait.ge [sflag:s22], $0x4000  }
0x4e: {  	s8 =	sshrl.u32 s20, $0x3;
	[sflag:s22] =	ssyncset.done $0x0  }
0x4f: {  	s0 =	sadd.s32 s4, s8;
	[sflag:s22] =	ssyncadd.s32 $0xFFFFC000  }
0x50: {  	[tilespmem:s3], [sflag:$0x1] =	stream.linear.gather [hbm4b:s0+s3], $0x80, $0x38;
	[tilespmem:$0x1BD80] =	vst v63  }
0x51: {  	s9 =	sadd.s32 $0xFFFFF800, s7  }
0x52: {  	[tilespmem:s21], [sflag:$0x3] =	stream.linear.gather [hbm4b:s9+s3], $0x4000, $0x38;
	[tilespmem:$0x1BD80] =	vst v63  }
0x53: {  	_ =	swait.ge [sflag:s28], $0x80  }
0x54: {  	[sflag:s28] =	ssyncset.done $0x0  }
0x55: {  	[sflag:s28] =	ssyncadd.s32 $0xFFFFFF80  }
0x56: {  	_ =	swait.ge [sflag:s29], $0x4000  }
0x57: {  	[sflag:s29] =	ssyncset.done $0x0  }
0x58: {  	[sflag:s29] =	ssyncadd.s32 $0xFFFFC000  }
0x59: {  	[spmem:s2] =	stream.indirect.scatter.add.f32 [tilespmem:s24], [sflag:$0x5], $0x80, s23, s23, $0xb8;
	[tilespmem:$0x1BD80] =	vst v63  }
0x5a: {  	_ =	swait.ge [sflag:s22], $0x4000  }
0x5b: {  	[sflag:s22] =	ssyncset.done $0x0  }
0x5c: {  	s31 =	sadd.s32 $0x1000, s7;
	s18 =	sadd.s32 $0x0, s19;
	[sflag:s22] =	ssyncadd.s32 $0xFFFFC000  }
0x5d: {  	[tilespmem:s23], [sflag:$0x2] =	stream.linear.gather [hbm4b:s18+s3], $0x80, $0x38;
	[tilespmem:$0x1BD80] =	vst v63  }
0x5e: {  	s6 =	sadd.s32 $0x100, s20;
	s0 =	simm.s32 $0x20;
	s18 =	smov.u32 s7  }
.LBB2_4:
0x5f: {  	[tilespmem:s24], [sflag:$0x4] =	stream.linear.gather [hbm4b:s18+s3], $0x4000, $0x38;
	[tilespmem:$0x1BD80] =	vst v63  }
0x60: {  	s8 =	smov.u32 s0;
	s18 =	smov.u32 s31  }
0x61: {  	p0 =	sne.s32 s0, $0x4A0;
	s0 =	sadd.s32 $0x20, s0;
	_ =	swait.ge [sflag:s25], $0x80  }
0x62: {  	[sflag:s25] =	ssyncset.done $0x0  }
0x63: {  	[sflag:s25] =	ssyncadd.s32 $0xFFFFFF80  }
0x64: {  	_ =	swait.ge [sflag:s26], $0x4000  }
0x65: {  	[sflag:s26] =	ssyncset.done $0x0  }
0x66: {  	[sflag:s26] =	ssyncadd.s32 $0xFFFFC000  }
0x67: {  	[spmem:s2] =	stream.indirect.scatter.add.f32 [tilespmem:s21], [sflag:$0x5], $0x80, s3, s23, $0xb8;
	[tilespmem:$0x1BD80] =	vst v63  }
0x68: {  	_ =	swait.ge [sflag:s22], $0x4000  }
0x69: {  	s9 =	sshrl.u32 s6, $0x3;
	[sflag:s22] =	ssyncset.done $0x0  }
0x6a: {  	s9 =	sadd.s32 s4, s9;
	[sflag:s22] =	ssyncadd.s32 $0xFFFFC000  }
0x6b: {  	[tilespmem:s3], [sflag:$0x1] =	stream.linear.gather [hbm4b:s9+s3], $0x80, $0x38;
	[tilespmem:$0x1BD80] =	vst v63  }
0x6c: {  	s9 =	sadd.s32 $0xFFFFF800, s31  }
0x6d: {  	[tilespmem:s21], [sflag:$0x3] =	stream.linear.gather [hbm4b:s9+s3], $0x4000, $0x38;
	[tilespmem:$0x1BD80] =	vst v63  }
0x6e: {  	_ =	swait.ge [sflag:s28], $0x80  }
0x6f: {  	[sflag:s28] =	ssyncset.done $0x0  }
0x70: {  	[sflag:s28] =	ssyncadd.s32 $0xFFFFFF80  }
0x71: {  	_ =	swait.ge [sflag:s29], $0x4000  }
0x72: {  	[sflag:s29] =	ssyncset.done $0x0  }
0x73: {  	[sflag:s29] =	ssyncadd.s32 $0xFFFFC000  }
0x74: {  	[spmem:s2] =	stream.indirect.scatter.add.f32 [tilespmem:s24], [sflag:$0x5], $0x80, s23, s23, $0xb8;
	[tilespmem:$0x1BD80] =	vst v63  }
.Ltmp1:
0x75: {  	_ =	swait.ge [sflag:s22], $0x4000;
	(pc) =	sbr.rel @p0 .LBB2_4-.Ltmp1, $4  }
0x76: {  	[sflag:s22] =	ssyncset.done $0x0  }
0x77: {  	s8 =	sadd.s32 s8, s19;
	[sflag:s22] =	ssyncadd.s32 $0xFFFFC000  }
0x78: {  	[tilespmem:s23], [sflag:$0x2] =	stream.linear.gather [hbm4b:s8+s3], $0x80, $0x38;
	[tilespmem:$0x1BD80] =	vst v63  }
0x79: {  	s6 =	sadd.s32 $0x100, s6;
	s31 =	sadd.s32 $0x1000, s31  }
0x7a: {  	[tilespmem:s24], [sflag:$0x4] =	stream.linear.gather [hbm4b:s18+s3], $0x4000, $0x38;
	[tilespmem:$0x1BD80] =	vst v63  }
0x7b: {  	_ =	swait.ge [sflag:s25], $0x80  }
0x7c: {  	[sflag:s25] =	ssyncset.done $0x0  }
0x7d: {  	[sflag:s25] =	ssyncadd.s32 $0xFFFFFF80  }
0x7e: {  	_ =	swait.ge [sflag:s26], $0x4000  }
0x7f: {  	[sflag:s26] =	ssyncset.done $0x0  }
0x80: {  	[sflag:s26] =	ssyncadd.s32 $0xFFFFC000  }
0x81: {  	[spmem:s2] =	stream.indirect.scatter.add.f32 [tilespmem:s21], [sflag:$0x5], $0x80, s3, s23, $0xb8;
	[tilespmem:$0x1BD80] =	vst v63  }
0x82: {  	_ =	swait.ge [sflag:s22], $0x4000  }
0x83: {  	[sflag:s22] =	ssyncset.done $0x0  }
0x84: {  	[sflag:s22] =	ssyncadd.s32 $0xFFFFC000  }
0x85: {  	_ =	swait.ge [sflag:s28], $0x80  }
0x86: {  	[sflag:s28] =	ssyncset.done $0x0  }
0x87: {  	[sflag:s28] =	ssyncadd.s32 $0xFFFFFF80  }
0x88: {  	_ =	swait.ge [sflag:s29], $0x4000  }
0x89: {  	[sflag:s29] =	ssyncset.done $0x0  }
0x8a: {  	[sflag:s29] =	ssyncadd.s32 $0xFFFFC000  }
0x8b: {  	[spmem:s2] =	stream.indirect.scatter.add.f32 [tilespmem:s24], [sflag:$0x5], $0x80, s23, s23, $0xb8;
	[tilespmem:$0x1BD80] =	vst v63  }
0x8c: {  	_ =	swait.ge [sflag:s22], $0x4000  }
0x8d: {  	[sflag:s22] =	ssyncset.done $0x0  }
0x8e: {  	[sflag:s22] =	ssyncadd.s32 $0xFFFFC000  }
0x8f: {  	[tilespmem:s30], [sflag:$0x5] =	stream.linear.gather [hbm4b:s14+s3], $0x10, $0x38;
	[tilespmem:$0x1BD80] =	vst v63  }
0x90: {  	_ =	swait.ge [sflag:s22], $0x10  }
0x91: {  	[sflag:s22] =	ssyncset.done $0x0  }
0x92: {  	[sflag:s22] =	ssyncadd.s32 $0xFFFFFFF0  }
0x93: {  	[tilespmem:s21], [sflag:$0x5] =	stream.linear.gather [hbm4b:s15+s3], $0x800, $0x38;
	[tilespmem:$0x1BD80] =	vst v63  }
0x94: {  	_ =	swait.ge [sflag:s22], $0x800  }
0x95: {  	[sflag:s22] =	ssyncset.done $0x0  }
0x96: {  	s0 =	simm.s32 $0x10;
	[sflag:s22] =	ssyncadd.s32 $0xFFFFF800  }
0x97: {  	[spmem:s2] =	stream.indirect.scatter.add.f32 [tilespmem:s21], [sflag:$0x5], $0x80, s30, s0, $0xb8;
	[tilespmem:$0x1BD80] =	vst v63  }
0x98: {  	s31 =	stileid.u32;
	_ =	swait.ge [sflag:s22], $0x800  }
0x99: {  	s6 =	sshrl.u32 s5, $0x3;
	s1 =	sadd.s32 $0x1, s1;
	[sflag:s22] =	ssyncset.done $0x0  }
0x9a: {  	p0 =	sne.s32 s1, s17;
	s0 =	sshll.u32 s31, $0x6;
	[sflag:s22] =	ssyncadd.s32 $0xFFFFF800  }
.Ltmp2:
0x9b: {  	s0 =	sor.u32 $0x1C05, s0;
	[bflag:$0x0] =	sbarrier.arrive $0xFFFF;
	(pc) =	sbr.rel @p0 .LBB2_1-.Ltmp2, $4  }
0x9c: {  	[hbm:s16], [sflag:s0] =	dma.local [spmem:s6], $0x2780  }
0x9d: {  	_ =	swait.ge [sflag:s22], $0x2780  }
0x9e: {  	[sflag:s22] =	ssyncset.done $0x0  }
0x9f: {  	[sflag:s22] =	ssyncadd.s32 $0xFFFFD880  }
0xa0: {  	_ =	sfence.sel $0x180000  }
0xa1: {  	[bflag:$0x0] =	sbarrier.arrive $0xFFFF  }
0xa2: {  	_ =	strace $0x9000004A  }
0xa3: {  	s0 =	stileid.u32;
	[bflag:$0x2] =	sbarrier.arrive $0xFFFF  }
0xa4: {  	p0 =	sne.s32 s0, $0x0;
	s0 =	rddreg [dreg:$0x2]  }
0xa5: {  	s0 =	sadd.s32 @!p0 $0x100000, s0  }
0xa6: {  	[sflag:s0] =	ssyncadd.tile.s32 @!p0 $0x1;
	_ =	shalt  }
.Lfunc_end2:
_tile_overlayer_lowered:
.L_overlay_start_2:
0xa7: {  	(tag) =	ssettag $0x2  }
0xa8: {  	s0 =	rddreg [dreg:$0x0];
	s2 =	stileid.u32  }
0xa9: {  	s1 =	rddreg [dreg:$0x1];
	p0 =	sne.s32 s2, $0x0  }
0xaa: {  	s3 =	rddreg [dreg:$0x2];
	[bflag:$0x3] =	sbarrier.arrive $0xFFFF;
	s2 =	simm.s32 @!p0 $0x1C05  }
0xab: {  	[timem:s3], [sflag:s2] =	dma.local @!p0 [hbm:s0], s1  }
0xac: {  	s0 =	simm.s32 @!p0 $0x5  }
0xad: {  	_ =	swait.ge @!p0 [sflag:s0], s1  }
0xae: {  	s1 =	ssub.s32 @!p0 $0x0, s1;
	[sflag:s0] =	ssyncset.done @!p0 $0x0  }
0xaf: {  	[sflag:s0] =	ssyncadd.s32 @!p0 s1  }
0xb0: {  	[bflag:$0x3] =	sbarrier.arrive $0xFFFF  }
0xb1: {  	_ =	shalt  }

// kernel: kernel.7.cloned.1.call-start
scs
__scs_entry_jumppad:
0x0: {  	(pc) =	sbr.rel $0x88, $3  }
0x1: {  	(tag) =	ssettag $0x0;
	lr =	simm.s32 $0x1  }
0x2: {  	[smem:$0x3F91] =	sst lr;
	_ =	strace $0xD0000000  }
0x3: {  	_ = 	snop  }
0x4: {  	_ = 	snop  }
0x5: {  	_ = 	snop  }
0x6: {  	_ = 	snop  }
0x7: {  	_ = 	snop  }
__scs_overlays_trampoline_lowered:
0x8: {  	[smem:$0x3FA0] =	sst s0  }
0x9: {  	[smem:$0x3FA1] =	sst s1  }
0xa: {  	[smem:$0x3FA2] =	sst s2  }
0xb: {  	[smem:$0x3FA3] =	sst s3  }
0xc: {  	[smem:$0x3FA4] =	sst s4  }
0xd: {  	[smem:$0x3FA5] =	sst s5  }
0xe: {  	[smem:$0x3FA6] =	sst s6  }
0xf: {  	[smem:$0x3FA7] =	sst s7  }
0x10: {  	[smem:$0x3FA8] =	sst s8  }
0x11: {  	[smem:$0x3FA9] =	sst s9;
	s0 =	simm.s32 @!p0 $0x0  }
0x12: {  	s1 =	sld [smem:$0x3F8F];
	s0 =	simm.s32 @p0 $0x1  }
0x13: {  	[smem:$0x3FAA] =	sst s0;
	s0 =	simm.s32 @!p1 $0x0  }
0x14: {  	s2 =	sld [smem:$0x3F8E];
	s0 =	simm.s32 @p1 $0x1  }
0x15: {  	[smem:$0x3FAB] =	sst s0;
	s0 =	simm.s32 @!p2 $0x0  }
0x16: {  	s3 =	sld [smem:$0x3FDB];
	s0 =	simm.s32 @p2 $0x1  }
0x17: {  	s4 =	simm.s32 $0x1BF5;
	[smem:$0x3FAD] =	sst s0  }
0x18: {  	s0 =	sld [smem:$0x3F90];
	_ =	swait.ge [sflag:s4], $0x0  }
0x19: {  	s7 =	sld [smem:$0x3F91]  }
0x1a: {  	s8 =	sadd.s32 $0xFFFFE003, lr  }
0x1b: {  	s9 =	sadd.s32 $0xFFFFFEF7, lr;
	s5 =	simm.s32 $0xFFFFFFFF;
	p2 =	slt.u32 s8, $0xFFFFF086  }
0x1c: {  	p1 =	slt.u32 s9, $0xF7A;
	s5 =	simm.s32 @!p2 $0x0  }
0x1d: {  	s5 =	simm.s32 @p1 $0x1;
	p0 =	seq.s32 s7, s2  }
0x1e: {  	s7 =	smul.u32 @!p0 $0xF7A, s2;
	p2 =	seq.s32 @!p0 s5, $0x0  }
0x1f: {  	s9 =	smul.u32 $0xF7A, s1;
	s8 =	simm.s32 @!p0 $0x1BF5;
	p2 =	por !p2, p0  }
0x20: {  	[sflag:s8] =	ssyncset.s32 @!p0 $0xFFFFF086;
	s6 =	sadd.s32 @!p0 s3, s7;
	s7 =	simm.s32 @!p0 $0x108  }
0x21: {  	s3 =	sadd.s32 s3, s9;
	s6 =	sadd.s32 @!p0 $0x88, s6;
	s7 =	simm.s32 @p2 $0x1082  }
0x22: {  	[simem:s7], [sflag:s8] =	dma.local @!p0 [hbm:s6], $0xF7A  }
0x23: {  	s9 =	sor.u32 $0xD0000000, s2;
	s6 =	simm.s32 $0x108;
	_ =	swait.ge @!p0 [sflag:s8], $0x0  }
0x24: {  	s3 =	sadd.s32 $0x88, s3;
	s6 =	simm.s32 @!p1 $0x1082;
	[sflag:s4] =	ssyncset.s32 $0xFFFFF086  }
0x25: {  	[simem:s6], [sflag:s4] =	dma.local [hbm:s3], $0xF7A  }
0x26: {  	[smem:$0x3F91] =	sst s1;
	(tag) =	ssettag s2;
	_ =	strace s9  }
0x27: {  	s1 =	sld [smem:$0x3FA1]  }
0x28: {  	s2 =	sld [smem:$0x3FA2]  }
0x29: {  	s4 =	sld [smem:$0x3FA4]  }
0x2a: {  	p0 =	seq.s32 s5, $0x0;
	s5 =	sld [smem:$0x3FA5]  }
0x2b: {  	s6 =	sld [smem:$0x3FA6]  }
0x2c: {  	s7 =	sld [smem:$0x3FA7]  }
0x2d: {  	s3 =	simm.s32 $0x108;
	s8 =	sld [smem:$0x3FA8]  }
0x2e: {  	s3 =	simm.s32 @!p0 $0x1082;
	s9 =	sld [smem:$0x3FA9]  }
0x2f: {  	lr =	sadd.s32 s0, s3;
	s0 =	sld [smem:$0x3FA0]  }
0x30: {  	s3 =	sld [smem:$0x3FA3]  }
0x31: {  	[smem:$0x3FAC] =	sst s10  }
0x32: {  	s10 =	sld [smem:$0x3FAA];
	_ =	sdelay $0x3  }
0x33: {  	p0 =	seq.s32 s10, $0x1;
	s10 =	sld [smem:$0x3FAC];
	_ =	sdelay $0x3  }
0x34: {  	[smem:$0x3FAC] =	sst s10  }
0x35: {  	s10 =	sld [smem:$0x3FAB];
	_ =	sdelay $0x3  }
0x36: {  	p1 =	seq.s32 s10, $0x1;
	s10 =	sld [smem:$0x3FAC];
	_ =	sdelay $0x3  }
0x37: {  	[smem:$0x3FAC] =	sst s10  }
0x38: {  	s10 =	sld [smem:$0x3FAD]  }
0x39: {  	_ = 	snop;
	(pc) =	sbr.ind lr, $3  }
0x3a: {  	_ = 	snop  }
0x3b: {  	_ = 	snop  }
0x3c: {  	p2 =	seq.s32 s10, $0x1;
	s10 =	sld [smem:$0x3FAC]  }
0x3d: {  	_ =	shalt  }
0x3e: {  	_ =	shalt  }
0x3f: {  	_ =	shalt  }
0x40: {  	_ =	shalt  }
0x41: {  	_ =	shalt  }
0x42: {  	_ =	shalt  }
0x43: {  	_ =	shalt  }
0x44: {  	_ =	shalt  }
0x45: {  	_ =	shalt  }
0x46: {  	_ =	shalt  }
0x47: {  	_ =	shalt  }
0x48: {  	_ =	shalt  }
0x49: {  	_ =	shalt  }
0x4a: {  	_ =	shalt  }
0x4b: {  	_ =	shalt  }
0x4c: {  	_ =	shalt  }
0x4d: {  	_ =	shalt  }
0x4e: {  	_ =	shalt  }
0x4f: {  	_ =	shalt  }
0x50: {  	_ =	shalt  }
0x51: {  	_ =	shalt  }
0x52: {  	_ =	shalt  }
0x53: {  	_ =	shalt  }
0x54: {  	_ =	shalt  }
0x55: {  	_ =	shalt  }
0x56: {  	_ =	shalt  }
0x57: {  	_ =	shalt  }
0x58: {  	_ =	shalt  }
0x59: {  	_ =	shalt  }
0x5a: {  	_ =	shalt  }
0x5b: {  	_ =	shalt  }
0x5c: {  	_ =	shalt  }
0x5d: {  	_ =	shalt  }
0x5e: {  	_ =	shalt  }
0x5f: {  	_ =	shalt  }
0x60: {  	_ =	shalt  }
0x61: {  	_ =	shalt  }
0x62: {  	_ =	shalt  }
0x63: {  	_ =	shalt  }
0x64: {  	_ =	shalt  }
0x65: {  	_ =	shalt  }
0x66: {  	_ =	shalt  }
0x67: {  	_ =	shalt  }
0x68: {  	_ =	shalt  }
0x69: {  	_ =	shalt  }
0x6a: {  	_ =	shalt  }
0x6b: {  	_ =	shalt  }
0x6c: {  	_ =	shalt  }
0x6d: {  	_ =	shalt  }
0x6e: {  	_ =	shalt  }
0x6f: {  	_ =	shalt  }
0x70: {  	_ =	shalt  }
0x71: {  	_ =	shalt  }
0x72: {  	_ =	shalt  }
0x73: {  	_ =	shalt  }
0x74: {  	_ =	shalt  }
0x75: {  	_ =	shalt  }
0x76: {  	_ =	shalt  }
0x77: {  	_ =	shalt  }
0x78: {  	_ =	shalt  }
0x79: {  	_ =	shalt  }
0x7a: {  	_ =	shalt  }
0x7b: {  	_ =	shalt  }
0x7c: {  	_ =	shalt  }
0x7d: {  	_ =	shalt  }
0x7e: {  	_ =	shalt  }
0x7f: {  	_ =	shalt  }
0x80: {  	_ =	shalt  }
0x81: {  	_ =	shalt  }
0x82: {  	_ =	shalt  }
0x83: {  	_ =	shalt  }
0x84: {  	_ =	shalt  }
0x85: {  	_ =	shalt  }
0x86: {  	_ =	shalt  }
0x87: {  	_ =	shalt  }
.Lfunc_end0:
.L_simem_size_0:
called_computation_lowered:
.L_overlay_start_0:
0x88: {  	s2 =	sld [smem:$0x3FD9]  }
0x89: {  	s3 =	sld [smem:$0x3FFE];
	_ =	sdelay $0x1  }
0x8a: {  	s1 =	srdreg.scid  }
0x8b: {  	s0 =	sand.u32 $0x1, s1  }
0x8c: {  	s16 =	sshll.u32 s0, $0xA;
	s2 =	sadd.s32 s3, s2  }
0x8d: {  	s2 =	sadd.s32 s2, s16  }
0x8e: {  	[smem:$0x3FB8] =	sst s2  }
0x8f: {  	_ = 	snop  }
0x90: {  	(tm) =	ssettm $0x1  }
0x91: {  	s17 =	sld [smem:$0x3FFB];
	_ =	sdelay $0x3  }
0x92: {  	_ =	strace s17  }
0x93: {  	s2 =	sld [smem:$0x3FFC];
	_ =	sdelay $0x3  }
0x94: {  	_ =	strace s2  }
0x95: {  	s2 =	sld [smem:$0x3FFD];
	_ =	sdelay $0x3  }
0x96: {  	_ =	strace s2  }
0x97: {  	_ =	strace $0x8FFFFFFF  }
0x98: {  	s18 =	sld [smem:$0x3FDB];
	_ =	sdelay $0x1  }
0x99: {  	s19 =	simm.s32 $_scs_section_size  }
0x9a: {  	s4 =	simm.s32 $_size__tile_overlayer_lowered;
	s5 =	simm.s32 $_tile_overlayer_lowered  }
0x9b: {  	s22 =	simm.s32 $0x1BFF;
	s21 =	sshll.u32 s5, $0x1;
	s2 =	sadd.s32 s19, s18  }
0x9c: {  	s6 =	simm.s32 $0x0;
	s20 =	sshll.u32 s4, $0x1;
	s4 =	sadd.s32 s21, s2  }
0x9d: {  	[timem:s6], [sflag:s22] =	dma.local [hbm:s4], s20  }
0x9e: {  	_ =	swait.ge [sflag:s22], s20  }
0x9f: {  	s3 =	ssub.s32 $0x0, s20;
	[sflag:s22] =	ssyncset.done $0x0  }
0xa0: {  	[sflag:s22] =	ssyncadd.s32 s3;
	_ =	sdelay $0x1  }
0xa1: {  	s23 =	simm.s32 $0x1B8B  }
0xa2: {  	_ =	swait.ge [sflag:s23], $0x1  }
0xa3: {  	[sflag:s23] =	ssyncset.done $0x0  }
0xa4: {  	s25 =	simm.s32 $0x1B8E;
	s24 =	sld [smem:$0x3FFE];
	[sflag:s23] =	ssyncadd.s32 $0xFFFFFFFF  }
0xa5: {  	s26 =	simm.s32 $execute0_lowered;
	[smem:$0x3FD2] =	sst s25  }
0xa6: {  	s4 =	sshll.u32 s26, $0x1;
	_ =	strace $0x80000046;
	[dreg:$0x1] =	wrdreg $0xFFFFFFFF  }
0xa7: {  	s28 =	simm.s32 $_size_execute0_lowered;
	s2 =	sadd.s32 s2, s4;
	[dreg:$0x0] =	wrdreg $0x0  }
0xa8: {  	s4 =	sshll.u32 s28, $0x1;
	[dreg:$0x2] =	wrdreg s2  }
0xa9: {  	[dreg:$0x3] =	wrdreg s4  }
0xaa: {  	[dreg:$0x4] =	wrdreg $0xC0  }
0xab: {  	_ =	task [dreg:s6], $0x5FFFF  }
0xac: {  	[dreg:$0x1] =	wrdreg $0xFFFFFFFF  }
0xad: {  	[dreg:$0x0] =	wrdreg $0x60  }
0xae: {  	[dreg:$0x2] =	wrdreg s24  }
0xaf: {  	[dreg:$0x3] =	wrdreg $0x9  }
0xb0: {  	_ =	task.clear_ibuf [dreg:s6], $0x4FFFF;
	_ =	strace $0x90000046  }
0xb1: {  	s29 =	simm.s32 $0x9;
	_ =	strace $0x80000048  }
0xb2: {  	_ =	swait.ge [sflag:s29], $0x1  }
0xb3: {  	[sflag:s29] =	ssyncadd.s32 $0xFFFFFFFF  }
0xb4: {  	_ =	strace $0x90000048  }
0xb5: {  	_ =	sfence  }
0xb6: {  	s30 =	sld [smem:$0x0];
	_ =	sdelay $0x2  }
0xb7: {  	s31 =	sshll.u32 s1, $0xD;
	s1 =	sshrl.u32 s1, $0x2  }
0xb8: {  	s3 =	sand.u32 $0x4000, s31;
	s1 =	sadd.s32 s1, s30  }
0xb9: {  	s0 =	sor.u32 s3, s0;
	s1 =	sshll.u32 s1, $0x11  }
0xba: {  	s0 =	sor.u32 s1, s0  }
0xbb: {  	s0 =	sadd.s32 $0x8F2B, s0  }
0xbc: {  	[sflag:s0] =	ssyncadd.remote.s32 $0x1  }
0xbd: {  	_ =	sfence.sel $0xFFFF  }
0xbe: {  	[dreg:$0x0] =	wrdreg $0xFFFFFFFF;
	(pc) =	sbr.abs _section_cstart, $3  }
0xbf: {  	[dreg:$0x1] =	wrdreg $0xFFFFFFFF  }
0xc0: {  	_ =	task.clear_ibuf [dreg:s6], $0x2FFFF;
	_ =	strace $0x9FFFFFFF  }
0xc1: {  	(tm) =	ssettm $0x7FFFFFFF  }
tec
execute0_lowered:
.L_overlay_start_1:
0x0: {  	(tag) =	ssettag $0x1  }
0x1: {  	s0 =	srdreg.scid  }
0x2: {  	s2 =	stileid.u32;
	s1 =	rddreg [dreg:$0x0]  }
0x3: {  	s12 =	simm.s32 $0x5;
	s13 =	simm.s32 $0x2780;
	s14 =	simm.s32 $0x80  }
0x4: {  	s15 =	simm.s32 $0x4F00;
	s16 =	simm.s32 $0x8F00;
	s17 =	simm.s32 $0xCF00  }
0x5: {  	s18 =	simm.s32 $0x2800;
	s19 =	simm.s32 $0x10F00;
	s20 =	simm.s32 $0x1  }
0x6: {  	s21 =	simm.s32 $0x2;
	s22 =	simm.s32 $0x3;
	s23 =	simm.s32 $0x4  }
0x7: {  	s24 =	simm.s32 $0x2690;
	s25 =	simm.s32 $0x4E10;
	s26 =	simm.s32 $0x8700  }
0x8: {  	s28 =	simm.s32 $0x0;
	s0 =	sand.u32 $0x1, s0;
	s3 =	sshll.u32 s2, $0x1  }
0x9: {  	s2 =	simm.s32 $0x0;
	s4 =	sadd.s32 $0x3D800, s1;
	s5 =	sor.u32 s0, s3  }
0xa: {  	[smem:$0x7FF] =	sst s2;
	s0 =	ssub.s32 $0x2, s0;
	s9 =	smul.u32 $0x2710, s5  }
0xb: {  	s3 =	sadd.s32 $0x16600, s1;
	s5 =	smul.u32 $0x138800, s5;
	s30 =	sshrl.u32 s0, $0x1  }
0xc: {  	_ =	strace $0x80000047;
	s0 =	ssub.s32 s0, s30;
	s6 =	sshrl.u32 s9, $0x3  }
0xd: {  	s31 =	sshrl.u32 s5, $0x3;
	s8 =	sadd.s32 s6, s1;
	s6 =	sadd.s32 $0x64A00, s1  }
0xe: {  	s9 =	sadd.s32 $0x80, s9;
	s11 =	smax.u32 s0, $0x1;
	s1 =	sadd.s32 s6, s31  }
0xf: {  	s7 =	sadd.s32 $0xC800, s8;
	s8 =	sadd.s32 $0x2A00, s8;
	s10 =	sadd.s32 $0x27000, s1  }
.LBB2_1:
0x10: {  	[tilespmem:s2], [sflag:$0x5] =	stream.linear.gather [hbm4b:s7+s2], $0x2710, $0x38;
	[tilespmem:$0x14F00] =	vst v63  }
0x11: {  	_ =	swait.ge [sflag:s12], $0x2710  }
0x12: {  	[sflag:s12] =	ssyncset.done $0x0  }
0x13: {  	[sflag:s12] =	ssyncadd.s32 $0xFFFFD8F0  }
0x14: {  	[tilespmem:s13], [sflag:$0x5] =	stream.linear.gather [hbm4b:s8+s2], $0x2710, $0x38;
	[tilespmem:$0x14F00] =	vst v63  }
0x15: {  	_ =	swait.ge [sflag:s12], $0x2710  }
0x16: {  	[sflag:s12] =	ssyncset.done $0x0  }
0x17: {  	[sflag:s12] =	ssyncadd.s32 $0xFFFFD8F0  }
0x18: {  	[tilespmem:s15], [sflag:$0x1] =	stream.indirect.gather [hbm4b:s3+s14], $0x80, s2, s14, $0xb8;
	[tilespmem:$0x14F00] =	vst v63  }
0x19: {  	_ = 	snop  }
0x1a: {  	[tilespmem:s16], [sflag:$0x2] =	stream.indirect.gather [hbm4b:s4+s14], $0x80, s13, s14, $0xb8;
	[tilespmem:$0x14F00] =	vst v63  }
0x1b: {  	_ = 	snop  }
0x1c: {  	[tilespmem:s17], [sflag:$0x3] =	stream.indirect.gather [hbm4b:s3+s14], $0x80, s14, s14, $0xb8;
	[tilespmem:$0x14F00] =	vst v63  }
0x1d: {  	s29 =	simm.s32 $0x0  }
0x1e: {  	[tilespmem:s19], [sflag:$0x4] =	stream.indirect.gather [hbm4b:s4+s14], $0x80, s18, s14, $0xb8;
	[tilespmem:$0x14F00] =	vst v63  }
.LBB2_2:
0x1f: {  	_ =	swait.ge [sflag:s20], $0x4000  }
0x20: {  	[sflag:s20] =	ssyncset.done $0x0  }
0x21: {  	[sflag:s20] =	ssyncadd.s32 $0xFFFFC000  }
0x22: {  	_ =	swait.ge [sflag:s21], $0x4000  }
0x23: {  	[sflag:s21] =	ssyncset.done $0x0  }
0x24: {  	s30 =	simm.s32 $0x0;
	[sflag:s21] =	ssyncadd.s32 $0xFFFFC000  }
0x25: {  	v2 =	vld [tilespmem:s30+$0x8F30]  }
0x26: {  	v3 =	vld [tilespmem:s30+$0x8F70]  }
0x27: {  	v9 =	vld [tilespmem:s30+$0x4F30]  }
0x28: {  	v8 =	vld [tilespmem:s30+$0x8F10]  }
0x29: {  	v1 =	vld [tilespmem:s30+$0x8F50]  }
0x2a: {  	v4 =	vld [tilespmem:s30+$0x8F60]  }
0x2b: {  	v10 =	vld [tilespmem:s30+$0x8F40]  }
0x2c: {  	v0 =	vld [tilespmem:s30+$0x8F00]  }
0x2d: {  	v13 =	vld [tilespmem:s30+$0x4F40]  }
0x2e: {  	v7 =	vld [tilespmem:s30+$0x4F60]  }
0x2f: {  	v11 =	vld [tilespmem:s30+$0x4F10]  }
0x30: {  	v14 =	vld [tilespmem:s30+$0x4F70];
	v12 =	vand.u32 $0x7FFF7FFF, v3;
	v5 =	vand.u32 $0x7FFF7FFF, v8  }
0x31: {  	v6 =	vld [tilespmem:s30+$0x4F20];
	v15 =	vand.u32 $0x7FFF7FFF, v9;
	v17 =	vand.u32 $0x7FFF7FFF, v2;
	v2 =	vxor.u32 v9, v2  }
0x32: {  	v16 =	vand.u32 $0x7FFF7FFF, v10;
	v9 =	vld [tilespmem:s30+$0x4F00];
	v17 =	vadd.s32 v15, v17;
	v2 =	vand.u32 $0x80008000, v2  }
0x33: {  	s31 =	simm.s32 $0x200;
	v15 =	vld [tilespmem:s30+$0x8F20];
	v18 =	vxor.u32 v2, v17;
	v2 =	vand.u32 $0x7FFF7FFF, v1;
	v17 =	vand.u32 $0x7FFF7FFF, v4  }
.LBB2_3:
0x34: {  	s1 =	sshra.s32 s31, $0x2;
	p0 =	sne.s32 s31, $0xFE00;
	s31 =	sadd.s32 $0x200, s31;
	v19 =	vxor.u32 v11, v8;
	v8 =	vand.u32 $0x7FFF7FFF, v13;
	v10 =	vxor.u32 v13, v10;
	v13 =	vld [tilespmem:s30+$0x4F50]  }
0x35: {  	v20 =	vld [tilespmem:s1+$0x8F30];
	[tilespmem:s30+$0x4F30] =	vst v18;
	v8 =	vadd.s32 v8, v16;
	v10 =	vand.u32 $0x80008000, v10;
	v16 =	vand.u32 $0x7FFF7FFF, v14  }
0x36: {  	v8 =	vxor.u32 v10, v8;
	v16 =	vadd.s32 v16, v12;
	v10 =	vxor.u32 v14, v3;
	v3 =	vld [tilespmem:s1+$0x8F70]  }
0x37: {  	v11 =	vand.u32 $0x7FFF7FFF, v11;
	v12 =	vand.u32 $0x7FFF7FFF, v7;
	v18 =	vld [tilespmem:s1+$0x4F30];
	[tilespmem:s30+$0x4F40] =	vst v8;
	v14 =	vand.u32 $0x80008000, v10  }
0x38: {  	v7 =	vxor.u32 v7, v4;
	v12 =	vadd.s32 v12, v17;
	v8 =	vld [tilespmem:s1+$0x8F10];
	v10 =	vxor.u32 v6, v15  }
0x39: {  	v21 =	vand.u32 $0x7FFF7FFF, v9;
	v15 =	vand.u32 $0x7FFF7FFF, v15;
	v17 =	vld [tilespmem:s1+$0x8F50];
	v22 =	vand.u32 $0x80008000, v10  }
0x3a: {  	v19 =	vand.u32 $0x80008000, v19;
	v7 =	vand.u32 $0x80008000, v7;
	v23 =	vand.u32 $0x7FFF7FFF, v13;
	v4 =	vld [tilespmem:s1+$0x8F60]  }
0x3b: {  	v24 =	vand.u32 $0x7FFF7FFF, v0;
	v6 =	vand.u32 $0x7FFF7FFF, v6;
	v7 =	vxor.u32 v7, v12;
	v10 =	vld [tilespmem:s1+$0x8F40]  }
0x3c: {  	v5 =	vadd.s32 v11, v5;
	v9 =	vxor.u32 v9, v0;
	v25 =	vxor.u32 v13, v1;
	v0 =	vld [tilespmem:s1+$0x8F00];
	[tilespmem:s30+$0x4F60] =	vst v7  }
0x3d: {  	v5 =	vxor.u32 v19, v5;
	v9 =	vand.u32 $0x80008000, v9;
	v6 =	vadd.s32 v6, v15;
	v13 =	vld [tilespmem:s1+$0x4F40]  }
0x3e: {  	v14 =	vxor.u32 v14, v16;
	v15 =	vadd.s32 v21, v24;
	v12 =	vand.u32 $0x7FFF7FFF, v3;
	v7 =	vld [tilespmem:s1+$0x4F60];
	[tilespmem:s30+$0x4F10] =	vst v5;
	v1 =	vmovc v17  }
.Ltmp0:
0x3f: {  	v9 =	vxor.u32 v9, v15;
	v6 =	vxor.u32 v22, v6;
	v5 =	vand.u32 $0x7FFF7FFF, v8;
	v11 =	vld [tilespmem:s1+$0x4F10];
	[tilespmem:s30+$0x4F70] =	vst v14;
	(pc) =	sbr.rel @p0 .LBB2_3-.Ltmp0, $4  }
0x40: {  	v15 =	vand.u32 $0x7FFF7FFF, v18;
	v17 =	vand.u32 $0x80008000, v25;
	v16 =	vand.u32 $0x7FFF7FFF, v10;
	v14 =	vld [tilespmem:s1+$0x4F70];
	[tilespmem:s30+$0x4F20] =	vst v6  }
0x41: {  	v19 =	vand.u32 $0x7FFF7FFF, v20;
	v2 =	vadd.s32 v23, v2;
	v18 =	vxor.u32 v18, v20;
	v6 =	vld [tilespmem:s1+$0x4F20];
	[tilespmem:s30+$0x4F00] =	vst v9  }
0x42: {  	v19 =	vadd.s32 v15, v19;
	v18 =	vand.u32 $0x80008000, v18;
	v20 =	vxor.u32 v17, v2;
	v9 =	vld [tilespmem:s1+$0x4F00]  }
0x43: {  	v18 =	vxor.u32 v18, v19;
	v2 =	vand.u32 $0x7FFF7FFF, v1;
	v17 =	vand.u32 $0x7FFF7FFF, v4;
	v15 =	vld [tilespmem:s1+$0x8F20];
	[tilespmem:s30+$0x4F50] =	vst v20;
	s30 =	smov.u32 s1  }
0x44: {  	v8 =	vxor.u32 v11, v8;
	v19 =	vand.u32 $0x7FFF7FFF, v13;
	v10 =	vxor.u32 v13, v10  }
0x45: {  	v11 =	vand.u32 $0x7FFF7FFF, v11;
	v4 =	vxor.u32 v7, v4;
	v16 =	vadd.s32 v19, v16  }
0x46: {  	v10 =	vand.u32 $0x80008000, v10;
	v19 =	vand.u32 $0x7FFF7FFF, v14;
	v3 =	vxor.u32 v14, v3  }
0x47: {  	v14 =	vand.u32 $0x7FFF7FFF, v7;
	v8 =	vand.u32 $0x80008000, v8;
	v4 =	vand.u32 $0x80008000, v4  }
0x48: {  	v13 =	vld [tilespmem:s30+$0x4F50];
	v5 =	vadd.s32 v11, v5;
	v10 =	vxor.u32 v10, v16;
	v12 =	vadd.s32 v19, v12  }
0x49: {  	v3 =	vand.u32 $0x80008000, v3;
	v14 =	vadd.s32 v14, v17;
	v7 =	vand.u32 $0x7FFF7FFF, v9  }
0x4a: {  	[tilespmem:s30+$0x4F40] =	vst v10;
	v10 =	vand.u32 $0x7FFF7FFF, v0;
	v4 =	vxor.u32 v4, v14;
	v0 =	vxor.u32 v9, v0  }
0x4b: {  	[tilespmem:s30+$0x4F30] =	vst v18;
	v3 =	vxor.u32 v3, v12;
	v16 =	vxor.u32 v6, v15;
	v15 =	vand.u32 $0x7FFF7FFF, v15  }
0x4c: {  	v6 =	vand.u32 $0x7FFF7FFF, v6;
	[tilespmem:s30+$0x4F60] =	vst v4;
	v4 =	vxor.u32 v8, v5;
	v0 =	vand.u32 $0x80008000, v0  }
0x4d: {  	[tilespmem:s30+$0x4F70] =	vst v3;
	v16 =	vand.u32 $0x80008000, v16;
	v17 =	vand.u32 $0x7FFF7FFF, v13;
	v5 =	vadd.s32 v6, v15  }
0x4e: {  	s0 =	sshll.u32 s29, $0xF;
	v1 =	vxor.u32 v13, v1;
	[tilespmem:s30+$0x4F10] =	vst v4;
	v4 =	vadd.s32 v7, v10;
	v5 =	vxor.u32 v16, v5  }
0x4f: {  	s0 =	sadd.s32 s5, s0;
	v0 =	vxor.u32 v0, v4;
	v1 =	vand.u32 $0x80008000, v1;
	v2 =	vadd.s32 v17, v2;
	[tilespmem:s30+$0x4F20] =	vst v5  }
0x50: {  	s0 =	sshrl.u32 s0, $0x3;
	[tilespmem:s30+$0x4F00] =	vst v0;
	v0 =	vxor.u32 v1, v2  }
0x51: {  	s0 =	sadd.s32 s6, s0;
	[tilespmem:s30+$0x4F50] =	vst v0  }
0x52: {  	[hbm4b:s0+s2] =	stream.linear.scatter [tilespmem:s15], [sflag:$0x5], $0x4000, $0x38;
	[tilespmem:$0x14F00] =	vst v63  }
0x53: {  	p0 =	seq.s32 s29, $0x26;
	_ =	swait.ge [sflag:s12], $0x4000  }
0x54: {  	s1 =	simm.s32 @!p0 $0x80;
	s30 =	sshll.u32 s29, $0x8;
	[sflag:s12] =	ssyncset.done $0x0  }
0x55: {  	s31 =	simm.s32 @!p0 $0x4F00;
	s0 =	sadd.s32 @!p0 $0x100, s30;
	[sflag:s12] =	ssyncadd.s32 $0xFFFFC000  }
0x56: {  	[tilespmem:s31], [sflag:$0x1] =	stream.indirect.gather @!p0 [hbm4b:s3+s1], $0x80, s0, s1, $0xb8;
	[tilespmem:$0x14F00] =	vst v63  }
0x57: {  	s0 =	sadd.s32 @!p0 $0x2880, s30;
	s31 =	simm.s32 @!p0 $0x8F00  }
0x58: {  	[tilespmem:s31], [sflag:$0x2] =	stream.indirect.gather @!p0 [hbm4b:s4+s1], $0x80, s0, s1, $0xb8;
	[tilespmem:$0x14F00] =	vst v63  }
0x59: {  	_ =	swait.ge [sflag:s22], $0x4000  }
0x5a: {  	[sflag:s22] =	ssyncset.done $0x0  }
0x5b: {  	[sflag:s22] =	ssyncadd.s32 $0xFFFFC000  }
0x5c: {  	_ =	swait.ge [sflag:s23], $0x4000  }
0x5d: {  	[sflag:s23] =	ssyncset.done $0x0  }
0x5e: {  	s31 =	simm.s32 $0x0;
	[sflag:s23] =	ssyncadd.s32 $0xFFFFC000  }
0x5f: {  	v2 =	vld [tilespmem:s31+$0x10F30]  }
0x60: {  	v3 =	vld [tilespmem:s31+$0x10F70]  }
0x61: {  	v9 =	vld [tilespmem:s31+$0xCF30]  }
0x62: {  	v8 =	vld [tilespmem:s31+$0x10F10]  }
0x63: {  	v1 =	vld [tilespmem:s31+$0x10F50]  }
0x64: {  	v4 =	vld [tilespmem:s31+$0x10F60]  }
0x65: {  	v10 =	vld [tilespmem:s31+$0x10F40]  }
0x66: {  	v0 =	vld [tilespmem:s31+$0x10F00]  }
0x67: {  	v13 =	vld [tilespmem:s31+$0xCF40]  }
0x68: {  	v7 =	vld [tilespmem:s31+$0xCF60]  }
0x69: {  	v11 =	vld [tilespmem:s31+$0xCF10]  }
0x6a: {  	v14 =	vld [tilespmem:s31+$0xCF70];
	v12 =	vand.u32 $0x7FFF7FFF, v3;
	v5 =	vand.u32 $0x7FFF7FFF, v8  }
0x6b: {  	v6 =	vld [tilespmem:s31+$0xCF20];
	v15 =	vand.u32 $0x7FFF7FFF, v9;
	v17 =	vand.u32 $0x7FFF7FFF, v2;
	v2 =	vxor.u32 v9, v2  }
0x6c: {  	v16 =	vand.u32 $0x7FFF7FFF, v10;
	v9 =	vld [tilespmem:s31+$0xCF00];
	v17 =	vadd.s32 v15, v17;
	v2 =	vand.u32 $0x80008000, v2  }
0x6d: {  	s1 =	simm.s32 $0x200;
	v15 =	vld [tilespmem:s31+$0x10F20];
	v18 =	vxor.u32 v2, v17;
	v2 =	vand.u32 $0x7FFF7FFF, v1;
	v17 =	vand.u32 $0x7FFF7FFF, v4  }
.LBB2_5:
0x6e: {  	s0 =	sshra.s32 s1, $0x2;
	p1 =	sne.s32 s1, $0xFE00;
	s1 =	sadd.s32 $0x200, s1;
	v19 =	vxor.u32 v11, v8;
	v8 =	vand.u32 $0x7FFF7FFF, v13;
	v10 =	vxor.u32 v13, v10;
	v13 =	vld [tilespmem:s31+$0xCF50]  }
0x6f: {  	v20 =	vld [tilespmem:s0+$0x10F30];
	[tilespmem:s31+$0xCF30] =	vst v18;
	v8 =	vadd.s32 v8, v16;
	v10 =	vand.u32 $0x80008000, v10;
	v16 =	vand.u32 $0x7FFF7FFF, v14  }
0x70: {  	v8 =	vxor.u32 v10, v8;
	v16 =	vadd.s32 v16, v12;
	v10 =	vxor.u32 v14, v3;
	v3 =	vld [tilespmem:s0+$0x10F70]  }
0x71: {  	v11 =	vand.u32 $0x7FFF7FFF, v11;
	v12 =	vand.u32 $0x7FFF7FFF, v7;
	v18 =	vld [tilespmem:s0+$0xCF30];
	[tilespmem:s31+$0xCF40] =	vst v8;
	v14 =	vand.u32 $0x80008000, v10  }
0x72: {  	v7 =	vxor.u32 v7, v4;
	v12 =	vadd.s32 v12, v17;
	v8 =	vld [tilespmem:s0+$0x10F10];
	v10 =	vxor.u32 v6, v15  }
0x73: {  	v21 =	vand.u32 $0x7FFF7FFF, v9;
	v15 =	vand.u32 $0x7FFF7FFF, v15;
	v17 =	vld [tilespmem:s0+$0x10F50];
	v22 =	vand.u32 $0x80008000, v10  }
0x74: {  	v19 =	vand.u32 $0x80008000, v19;
	v7 =	vand.u32 $0x80008000, v7;
	v23 =	vand.u32 $0x7FFF7FFF, v13;
	v4 =	vld [tilespmem:s0+$0x10F60]  }
0x75: {  	v24 =	vand.u32 $0x7FFF7FFF, v0;
	v6 =	vand.u32 $0x7FFF7FFF, v6;
	v7 =	vxor.u32 v7, v12;
	v10 =	vld [tilespmem:s0+$0x10F40]  }
0x76: {  	v5 =	vadd.s32 v11, v5;
	v9 =	vxor.u32 v9, v0;
	v25 =	vxor.u32 v13, v1;
	v0 =	vld [tilespmem:s0+$0x10F00];
	[tilespmem:s31+$0xCF60] =	vst v7  }
0x77: {  	v5 =	vxor.u32 v19, v5;
	v9 =	vand.u32 $0x80008000, v9;
	v6 =	vadd.s32 v6, v15;
	v13 =	vld [tilespmem:s0+$0xCF40]  }
0x78: {  	v14 =	vxor.u32 v14, v16;
	v15 =	vadd.s32 v21, v24;
	v12 =	vand.u32 $0x7FFF7FFF, v3;
	v7 =	vld [tilespmem:s0+$0xCF60];
	[tilespmem:s31+$0xCF10] =	vst v5;
	v1 =	vmovc v17  }
.Ltmp1:
0x79: {  	v9 =	vxor.u32 v9, v15;
	v6 =	vxor.u32 v22, v6;
	v5 =	vand.u32 $0x7FFF7FFF, v8;
	v11 =	vld [tilespmem:s0+$0xCF10];
	[tilespmem:s31+$0xCF70] =	vst v14;
	(pc) =	sbr.rel @p1 .LBB2_5-.Ltmp1, $4  }
0x7a: {  	v15 =	vand.u32 $0x7FFF7FFF, v18;
	v17 =	vand.u32 $0x80008000, v25;
	v16 =	vand.u32 $0x7FFF7FFF, v10;
	v14 =	vld [tilespmem:s0+$0xCF70];
	[tilespmem:s31+$0xCF20] =	vst v6  }
0x7b: {  	v19 =	vand.u32 $0x7FFF7FFF, v20;
	v2 =	vadd.s32 v23, v2;
	v18 =	vxor.u32 v18, v20;
	v6 =	vld [tilespmem:s0+$0xCF20];
	[tilespmem:s31+$0xCF00] =	vst v9  }
0x7c: {  	v19 =	vadd.s32 v15, v19;
	v18 =	vand.u32 $0x80008000, v18;
	v20 =	vxor.u32 v17, v2;
	v9 =	vld [tilespmem:s0+$0xCF00]  }
0x7d: {  	v18 =	vxor.u32 v18, v19;
	v2 =	vand.u32 $0x7FFF7FFF, v1;
	v17 =	vand.u32 $0x7FFF7FFF, v4;
	v15 =	vld [tilespmem:s0+$0x10F20];
	[tilespmem:s31+$0xCF50] =	vst v20;
	s31 =	smov.u32 s0  }
0x7e: {  	v8 =	vxor.u32 v11, v8;
	v19 =	vand.u32 $0x7FFF7FFF, v13;
	v10 =	vxor.u32 v13, v10  }
0x7f: {  	v51 =	vand.u32 $0x7FFF7FFF, v11;
	v52 =	vand.u32 $0x7FFF7FFF, v7;
	v4 =	vxor.u32 v7, v4  }
0x80: {  	v57 =	vand.u32 $0x7FFF7FFF, v0;
	v16 =	vadd.s32 v19, v16;
	v10 =	vand.u32 $0x80008000, v10  }
0x81: {  	v50 =	vand.u32 $0x7FFF7FFF, v14;
	v3 =	vxor.u32 v14, v3;
	v14 =	vadd.s32 v52, v17  }
0x82: {  	v49 =	vld [tilespmem:s31+$0xCF50];
	v8 =	vand.u32 $0x80008000, v8;
	v4 =	vand.u32 $0x80008000, v4;
	v5 =	vadd.s32 v51, v5  }
0x83: {  	v10 =	vxor.u32 v10, v16;
	v12 =	vadd.s32 v50, v12;
	v3 =	vand.u32 $0x80008000, v3  }
0x84: {  	[tilespmem:s31+$0xCF30] =	vst v18;
	v4 =	vxor.u32 v4, v14;
	v58 =	vand.u32 $0x7FFF7FFF, v6;
	v60 =	vxor.u32 v8, v5  }
0x85: {  	v54 =	vand.u32 $0x7FFF7FFF, v9;
	[tilespmem:s31+$0xCF40] =	vst v10;
	v59 =	vxor.u32 v9, v0;
	v3 =	vxor.u32 v3, v12  }
0x86: {  	[tilespmem:s31+$0xCF60] =	vst v4;
	v53 =	vxor.u32 v6, v15;
	v55 =	vand.u32 $0x7FFF7FFF, v15;
	v0 =	vand.u32 $0x80008000, v59  }
0x87: {  	[tilespmem:s31+$0xCF10] =	vst v60;
	v62 =	vadd.s32 v54, v57;
	v16 =	vand.u32 $0x80008000, v53;
	v56 =	vand.u32 $0x7FFF7FFF, v49  }
0x88: {  	[tilespmem:s31+$0xCF70] =	vst v3;
	v1 =	vxor.u32 v49, v1;
	v61 =	vadd.s32 v58, v55;
	v0 =	vxor.u32 v0, v62  }
0x89: {  	s0 =	sadd.s32 s30, s9;
	v5 =	vxor.u32 v16, v61;
	v1 =	vand.u32 $0x80008000, v1;
	v2 =	vadd.s32 v56, v2;
	[tilespmem:s31+$0xCF00] =	vst v0  }
0x8a: {  	s0 =	sshll.u32 s0, $0x4;
	[tilespmem:s31+$0xCF20] =	vst v5;
	v63 =	vxor.u32 v1, v2  }
.Ltmp2:
0x8b: {  	s0 =	sadd.s32 s6, s0;
	[tilespmem:s31+$0xCF50] =	vst v63;
	(pc) =	sbr.rel @p0 .LBB2_8-.Ltmp2, $4  }
0x8c: {  	[hbm4b:s0+s2] =	stream.linear.scatter [tilespmem:s17], [sflag:$0x5], $0x4000, $0x38;
	[tilespmem:$0x14F00] =	vst v63  }
0x8d: {  	_ =	swait.ge [sflag:s12], $0x4000  }
0x8e: {  	[sflag:s12] =	ssyncset.done $0x0  }
0x8f: {  	[sflag:s12] =	ssyncadd.s32 $0xFFFFC000  }
.Ltmp3:
0x90: {  	(pc) =	sbr.rel .LBB2_2-.Ltmp3, $4  }
0x91: {  	s0 =	sadd.s32 $0x180, s30  }
0x92: {  	[tilespmem:s17], [sflag:$0x3] =	stream.indirect.gather [hbm4b:s3+s14], $0x80, s0, s14, $0xb8;
	[tilespmem:$0x14F00] =	vst v63  }
0x93: {  	s31 =	sadd.s32 $0x2900, s30;
	s29 =	sadd.s32 $0x1, s29  }
0x94: {  	[tilespmem:s19], [sflag:$0x4] =	stream.indirect.gather [hbm4b:s4+s14], $0x80, s31, s14, $0xb8;
	[tilespmem:$0x14F00] =	vst v63  }
.LBB2_8:
0x95: {  	[tilespmem:s15], [sflag:$0x1] =	stream.indirect.gather [hbm4b:s3+s14], $0x80, s24, s14, $0xb8;
	[tilespmem:$0x14F00] =	vst v63  }
0x96: {  	_ = 	snop  }
0x97: {  	[tilespmem:s16], [sflag:$0x2] =	stream.indirect.gather [hbm4b:s4+s14], $0x80, s25, s14, $0xb8;
	[tilespmem:$0x14F00] =	vst v63  }
0x98: {  	_ =	swait.ge [sflag:s20], $0x4000  }
0x99: {  	[sflag:s20] =	ssyncset.done $0x0  }
0x9a: {  	[sflag:s20] =	ssyncadd.s32 $0xFFFFC000  }
0x9b: {  	_ =	swait.ge [sflag:s21], $0x4000  }
0x9c: {  	[sflag:s21] =	ssyncset.done $0x0  }
0x9d: {  	s29 =	simm.s32 $0x0;
	[sflag:s21] =	ssyncadd.s32 $0xFFFFC000  }
0x9e: {  	v2 =	vld [tilespmem:s29+$0xC730]  }
0x9f: {  	v3 =	vld [tilespmem:s29+$0xC770]  }
0xa0: {  	v9 =	vld [tilespmem:s29+$0x8730]  }
0xa1: {  	v8 =	vld [tilespmem:s29+$0xC710]  }
0xa2: {  	v1 =	vld [tilespmem:s29+$0xC750]  }
0xa3: {  	v4 =	vld [tilespmem:s29+$0xC760]  }
0xa4: {  	v10 =	vld [tilespmem:s29+$0xC740]  }
0xa5: {  	v0 =	vld [tilespmem:s29+$0xC700]  }
0xa6: {  	v13 =	vld [tilespmem:s29+$0x8740]  }
0xa7: {  	v7 =	vld [tilespmem:s29+$0x8760]  }
0xa8: {  	v11 =	vld [tilespmem:s29+$0x8710]  }
0xa9: {  	v14 =	vld [tilespmem:s29+$0x8770];
	v12 =	vand.u32 $0x7FFF7FFF, v3;
	v5 =	vand.u32 $0x7FFF7FFF, v8  }
0xaa: {  	v6 =	vld [tilespmem:s29+$0x8720];
	v15 =	vand.u32 $0x7FFF7FFF, v9;
	v17 =	vand.u32 $0x7FFF7FFF, v2;
	v2 =	vxor.u32 v9, v2  }
0xab: {  	v16 =	vand.u32 $0x7FFF7FFF, v10;
	v9 =	vld [tilespmem:s29+$0x8700];
	v17 =	vadd.s32 v15, v17;
	v2 =	vand.u32 $0x80008000, v2  }
0xac: {  	s1 =	simm.s32 $0x200;
	v15 =	vld [tilespmem:s29+$0xC720];
	v18 =	vxor.u32 v2, v17;
	v2 =	vand.u32 $0x7FFF7FFF, v1;
	v17 =	vand.u32 $0x7FFF7FFF, v4  }
.LBB2_9:
0xad: {  	s0 =	sshra.s32 s1, $0x2;
	p0 =	sne.s32 s1, $0x1E00;
	s1 =	sadd.s32 $0x200, s1;
	v19 =	vxor.u32 v11, v8;
	v8 =	vand.u32 $0x7FFF7FFF, v13;
	v10 =	vxor.u32 v13, v10;
	v13 =	vld [tilespmem:s29+$0x8750]  }
0xae: {  	v20 =	vld [tilespmem:s0+$0xC730];
	[tilespmem:s29+$0x8730] =	vst v18;
	v8 =	vadd.s32 v8, v16;
	v10 =	vand.u32 $0x80008000, v10;
	v16 =	vand.u32 $0x7FFF7FFF, v14  }
0xaf: {  	v8 =	vxor.u32 v10, v8;
	v16 =	vadd.s32 v16, v12;
	v10 =	vxor.u32 v14, v3;
	v3 =	vld [tilespmem:s0+$0xC770]  }
0xb0: {  	v11 =	vand.u32 $0x7FFF7FFF, v11;
	v12 =	vand.u32 $0x7FFF7FFF, v7;
	v18 =	vld [tilespmem:s0+$0x8730];
	[tilespmem:s29+$0x8740] =	vst v8;
	v14 =	vand.u32 $0x80008000, v10  }
0xb1: {  	v7 =	vxor.u32 v7, v4;
	v12 =	vadd.s32 v12, v17;
	v8 =	vld [tilespmem:s0+$0xC710];
	v10 =	vxor.u32 v6, v15  }
0xb2: {  	v21 =	vand.u32 $0x7FFF7FFF, v9;
	v15 =	vand.u32 $0x7FFF7FFF, v15;
	v17 =	vld [tilespmem:s0+$0xC750];
	v22 =	vand.u32 $0x80008000, v10  }
0xb3: {  	v19 =	vand.u32 $0x80008000, v19;
	v7 =	vand.u32 $0x80008000, v7;
	v23 =	vand.u32 $0x7FFF7FFF, v13;
	v4 =	vld [tilespmem:s0+$0xC760]  }
0xb4: {  	v24 =	vand.u32 $0x7FFF7FFF, v0;
	v6 =	vand.u32 $0x7FFF7FFF, v6;
	v7 =	vxor.u32 v7, v12;
	v10 =	vld [tilespmem:s0+$0xC740]  }
0xb5: {  	v5 =	vadd.s32 v11, v5;
	v9 =	vxor.u32 v9, v0;
	v25 =	vxor.u32 v13, v1;
	v0 =	vld [tilespmem:s0+$0xC700];
	[tilespmem:s29+$0x8760] =	vst v7  }
0xb6: {  	v5 =	vxor.u32 v19, v5;
	v9 =	vand.u32 $0x80008000, v9;
	v6 =	vadd.s32 v6, v15;
	v13 =	vld [tilespmem:s0+$0x8740]  }
0xb7: {  	v14 =	vxor.u32 v14, v16;
	v15 =	vadd.s32 v21, v24;
	v12 =	vand.u32 $0x7FFF7FFF, v3;
	v7 =	vld [tilespmem:s0+$0x8760];
	[tilespmem:s29+$0x8710] =	vst v5;
	v1 =	vmovc v17  }
.Ltmp4:
0xb8: {  	v9 =	vxor.u32 v9, v15;
	v6 =	vxor.u32 v22, v6;
	v5 =	vand.u32 $0x7FFF7FFF, v8;
	v11 =	vld [tilespmem:s0+$0x8710];
	[tilespmem:s29+$0x8770] =	vst v14;
	(pc) =	sbr.rel @p0 .LBB2_9-.Ltmp4, $4  }
0xb9: {  	v15 =	vand.u32 $0x7FFF7FFF, v18;
	v17 =	vand.u32 $0x80008000, v25;
	v16 =	vand.u32 $0x7FFF7FFF, v10;
	v14 =	vld [tilespmem:s0+$0x8770];
	[tilespmem:s29+$0x8720] =	vst v6  }
0xba: {  	v19 =	vand.u32 $0x7FFF7FFF, v20;
	v2 =	vadd.s32 v23, v2;
	v18 =	vxor.u32 v18, v20;
	v6 =	vld [tilespmem:s0+$0x8720];
	[tilespmem:s29+$0x8700] =	vst v9  }
0xbb: {  	v19 =	vadd.s32 v15, v19;
	v18 =	vand.u32 $0x80008000, v18;
	v20 =	vxor.u32 v17, v2;
	v9 =	vld [tilespmem:s0+$0x8700]  }
0xbc: {  	v18 =	vxor.u32 v18, v19;
	v2 =	vand.u32 $0x7FFF7FFF, v1;
	v17 =	vand.u32 $0x7FFF7FFF, v4;
	v15 =	vld [tilespmem:s0+$0xC720];
	[tilespmem:s29+$0x8750] =	vst v20;
	s29 =	smov.u32 s0  }
0xbd: {  	v8 =	vxor.u32 v11, v8;
	v19 =	vand.u32 $0x7FFF7FFF, v13;
	v10 =	vxor.u32 v13, v10  }
0xbe: {  	v51 =	vand.u32 $0x7FFF7FFF, v11;
	v52 =	vand.u32 $0x7FFF7FFF, v7;
	v4 =	vxor.u32 v7, v4  }
0xbf: {  	v57 =	vand.u32 $0x7FFF7FFF, v0;
	v16 =	vadd.s32 v19, v16;
	v10 =	vand.u32 $0x80008000, v10  }
0xc0: {  	v50 =	vand.u32 $0x7FFF7FFF, v14;
	v3 =	vxor.u32 v14, v3;
	v14 =	vadd.s32 v52, v17  }
0xc1: {  	v49 =	vld [tilespmem:s29+$0x8750];
	v8 =	vand.u32 $0x80008000, v8;
	v4 =	vand.u32 $0x80008000, v4;
	v5 =	vadd.s32 v51, v5  }
0xc2: {  	v10 =	vxor.u32 v10, v16;
	v12 =	vadd.s32 v50, v12;
	v3 =	vand.u32 $0x80008000, v3  }
0xc3: {  	[tilespmem:s29+$0x8730] =	vst v18;
	v4 =	vxor.u32 v4, v14;
	v58 =	vand.u32 $0x7FFF7FFF, v6;
	v60 =	vxor.u32 v8, v5  }
0xc4: {  	v54 =	vand.u32 $0x7FFF7FFF, v9;
	[tilespmem:s29+$0x8740] =	vst v10;
	v59 =	vxor.u32 v9, v0;
	v3 =	vxor.u32 v3, v12  }
0xc5: {  	[tilespmem:s29+$0x8760] =	vst v4;
	v53 =	vxor.u32 v6, v15;
	v55 =	vand.u32 $0x7FFF7FFF, v15;
	v0 =	vand.u32 $0x80008000, v59  }
0xc6: {  	[tilespmem:s29+$0x8710] =	vst v60;
	v62 =	vadd.s32 v54, v57;
	v16 =	vand.u32 $0x80008000, v53;
	v56 =	vand.u32 $0x7FFF7FFF, v49  }
0xc7: {  	[tilespmem:s29+$0x8770] =	vst v3;
	v1 =	vxor.u32 v49, v1;
	v61 =	vadd.s32 v58, v55;
	v0 =	vxor.u32 v0, v62  }
0xc8: {  	s28 =	sadd.s32 $0x1, s28;
	v5 =	vxor.u32 v16, v61;
	v1 =	vand.u32 $0x80008000, v1;
	v2 =	vadd.s32 v56, v2;
	[tilespmem:s29+$0x8700] =	vst v0  }
0xc9: {  	p0 =	sne.s32 s28, s11;
	[tilespmem:s29+$0x8720] =	vst v5;
	v63 =	vxor.u32 v1, v2  }
.Ltmp5:
0xca: {  	[tilespmem:s29+$0x8750] =	vst v63;
	(pc) =	sbr.rel @p0 .LBB2_1-.Ltmp5, $4  }
0xcb: {  	[hbm4b:s10+s2] =	stream.linear.scatter [tilespmem:s26], [sflag:$0x5], $0x800, $0x38;
	[tilespmem:$0x14F00] =	vst v63  }
0xcc: {  	_ =	swait.ge [sflag:s12], $0x800  }
0xcd: {  	[sflag:s12] =	ssyncset.done $0x0  }
0xce: {  	[sflag:s12] =	ssyncadd.s32 $0xFFFFF800  }
0xcf: {  	_ =	sfence.sel $0x180000  }
0xd0: {  	[bflag:$0x0] =	sbarrier.arrive $0xFFFF  }
0xd1: {  	_ =	strace $0x90000047  }
0xd2: {  	s0 =	stileid.u32;
	[bflag:$0x2] =	sbarrier.arrive $0xFFFF  }
0xd3: {  	p0 =	sne.s32 s0, $0x0;
	s0 =	rddreg [dreg:$0x1]  }
0xd4: {  	s0 =	sadd.s32 @!p0 $0x100000, s0  }
0xd5: {  	[sflag:s0] =	ssyncadd.tile.s32 @!p0 $0x1;
	_ =	shalt  }
.Lfunc_end2:
_tile_overlayer_lowered:
.L_overlay_start_2:
0xd6: {  	(tag) =	ssettag $0x2  }
0xd7: {  	s0 =	rddreg [dreg:$0x0];
	s2 =	stileid.u32  }
0xd8: {  	s1 =	rddreg [dreg:$0x1];
	p0 =	sne.s32 s2, $0x0  }
0xd9: {  	s3 =	rddreg [dreg:$0x2];
	[bflag:$0x3] =	sbarrier.arrive $0xFFFF;
	s2 =	simm.s32 @!p0 $0x1C05  }
0xda: {  	[timem:s3], [sflag:s2] =	dma.local @!p0 [hbm:s0], s1  }
0xdb: {  	s0 =	simm.s32 @!p0 $0x5  }
0xdc: {  	_ =	swait.ge @!p0 [sflag:s0], s1  }
0xdd: {  	s1 =	ssub.s32 @!p0 $0x0, s1;
	[sflag:s0] =	ssyncset.done @!p0 $0x0  }
0xde: {  	[sflag:s0] =	ssyncadd.s32 @!p0 s1  }
0xdf: {  	[bflag:$0x3] =	sbarrier.arrive $0xFFFF  }
0xe0: {  	_ =	shalt  }

</sc_bundles>
